<compile_context>
chip_gen: v7x
topology: tpu7x:2x2x1
jax: 0.10.2.dev20260603
libtpu: 0.0.44.dev20260713+nightly
codegen_flags: <defaults>
</compile_context>

<pallas_src>
import functools

import jax
import jax.numpy as jnp
from jax import lax
from jax.experimental import pallas as pl
from jax.experimental.pallas import tpu as pltpu
from jax.experimental.pallas import tpu_sc as plsc

EPS = 1e-5
DIST_TH = 0.15

NA = 1000
KK = 6
NAK = NA * KK
NW = 32
ROWS_PT = 192
NAKP = NW * ROWS_PT
NNP = 5120
TILE_CAP = 8192
TOTAL_E = NW * TILE_CAP
CHUNK = 128
TILE_E = 512
EB = TILE_CAP // TILE_E
AROWS = ROWS_PT
LCAP = TILE_CAP // 16


def _relu(x):
    return jnp.maximum(x, 0.0)


def _dotT(x, w):
    return lax.dot_general(x, w, (((1,), (1,)), ((), ())),
                           preferred_element_type=jnp.float32)


def _gn(x, w, b):
    mu = jnp.mean(x, axis=1, keepdims=True)
    var = jnp.mean((x - mu) ** 2, axis=1, keepdims=True)
    return (x - mu) / jnp.sqrt(var + EPS) * w + b


def _d0(dv, w0, b0):
    return _relu(_dotT(dv, w0) + b0)



def _edge_build_body(dx_hbm, dy_hbm, ncx_hbm, ncy_hbm, zea_hbm, zi_hbm, zf_hbm,
                     ea_hbm, en_hbm, dvx_hbm, dvy_hbm, cnt_hbm,
                     dxv, dyv, ncxv, ncyv, eav, env, dvxv, dvyv, cntv):
    c = lax.axis_index("c")
    s = lax.axis_index("s")
    wid = s * 2 + c
    base_row = wid * ROWS_PT
    pltpu.sync_copy(dx_hbm.at[pl.ds(base_row, ROWS_PT)],
                    dxv.at[pl.ds(0, ROWS_PT)])
    pltpu.sync_copy(dy_hbm.at[pl.ds(base_row, ROWS_PT)],
                    dyv.at[pl.ds(0, ROWS_PT)])
    pltpu.sync_copy(ncx_hbm, ncxv)
    pltpu.sync_copy(ncy_hbm, ncyv)
    pltpu.sync_copy(zea_hbm, eav)
    pltpu.sync_copy(zi_hbm, env)
    pltpu.sync_copy(zf_hbm, dvxv)
    pltpu.sync_copy(zf_hbm, dvyv)

    th2 = jnp.float32(DIST_TH * DIST_TH)
    iota16 = lax.broadcasted_iota(jnp.int32, (16,), 0)
    lane_base = iota16 * LCAP

    def row_body(r, off_vec):
        row = base_row + r
        dx0 = dxv[pl.ds(r, 16)][0]
        dy0 = dyv[pl.ds(r, 16)][0]
        rowv = jnp.full((16,), row, jnp.int32)
        valid = row < NAK

        def chunk_body(j, ov):
            nx = ncxv[pl.ds(j * 16, 16)]
            ny = ncyv[pl.ds(j * 16, 16)]
            ddx = dx0 - nx
            ddy = dy0 - ny
            d2 = ddx * ddx + ddy * ddy
            msk = (d2 <= th2) & valid
            pos = lane_base + jnp.minimum(ov, LCAP - 1)
            nidx = iota16 + j * 16
            plsc.store_scatter(eav, [pos], rowv, mask=msk)
            plsc.store_scatter(env, [pos], nidx, mask=msk)
            plsc.store_scatter(dvxv, [pos], ddx, mask=msk)
            plsc.store_scatter(dvyv, [pos], ddy, mask=msk)
            return ov + jnp.where(msk, 1, 0).astype(jnp.int32)

        return lax.fori_loop(0, NNP // 16, chunk_body, off_vec)

    off_vec = lax.fori_loop(0, ROWS_PT, row_body, jnp.zeros((16,), jnp.int32))
    cntv[...] = jnp.minimum(off_vec, LCAP)
    base_e = wid * TILE_CAP
    pltpu.sync_copy(eav, ea_hbm.at[pl.ds(base_e, TILE_CAP)])
    pltpu.sync_copy(env, en_hbm.at[pl.ds(base_e, TILE_CAP)])
    pltpu.sync_copy(dvxv, dvx_hbm.at[pl.ds(base_e, TILE_CAP)])
    pltpu.sync_copy(dvyv, dvy_hbm.at[pl.ds(base_e, TILE_CAP)])
    pltpu.sync_copy(cntv, cnt_hbm.at[pl.ds(wid * 16, 16)])


def _edge_build(dxp, dyp, ncx, ncy):
    mesh = plsc.VectorSubcoreMesh(core_axis_name="c", subcore_axis_name="s")
    zea = jnp.full((TILE_CAP,), NAKP, jnp.int32)
    zi = jnp.zeros((TILE_CAP,), jnp.int32)
    zf = jnp.zeros((TILE_CAP,), jnp.float32)
    run = pl.kernel(
        _edge_build_body,
        mesh=mesh,
        compiler_params=pltpu.CompilerParams(needs_layout_passes=False),
        out_type=(jax.ShapeDtypeStruct((TOTAL_E,), jnp.int32),
                  jax.ShapeDtypeStruct((TOTAL_E,), jnp.int32),
                  jax.ShapeDtypeStruct((TOTAL_E,), jnp.float32),
                  jax.ShapeDtypeStruct((TOTAL_E,), jnp.float32),
                  jax.ShapeDtypeStruct((NW * 16,), jnp.int32)),
        scratch_types=[pltpu.VMEM((ROWS_PT + 16,), jnp.float32),
                       pltpu.VMEM((ROWS_PT + 16,), jnp.float32),
                       pltpu.VMEM((NNP,), jnp.float32),
                       pltpu.VMEM((NNP,), jnp.float32),
                       pltpu.VMEM((TILE_CAP,), jnp.int32),
                       pltpu.VMEM((TILE_CAP,), jnp.int32),
                       pltpu.VMEM((TILE_CAP,), jnp.float32),
                       pltpu.VMEM((TILE_CAP,), jnp.float32),
                       pltpu.VMEM((16,), jnp.int32)],
    )
    return run(dxp, dyp, ncx, ncy, zea, zi, zf)


def _gather_body(tab_hbm, en_hbm, cnt_hbm, gc_hbm, idxall, cnt16, cnt32,
                 b0, b1, b2, b3, g0, g1, g2, g3, w0, w1, w2, w3):
    c = lax.axis_index("c")
    s = lax.axis_index("s")
    wid = s * 2 + c
    base = wid * TILE_CAP
    pltpu.sync_copy(cnt_hbm.at[pl.ds(wid * 16, 16)], cnt16)
    cnt32[pl.ds(0, 16)] = cnt16[...]
    pltpu.sync_copy(en_hbm.at[pl.ds(base, TILE_CAP)], idxall)
    bufs = [b0, b1, b2, b3]
    gsems = [g0, g1, g2, g3]
    wsems = [w0, w1, w2, w3]
    nslots = LCAP // CHUNK

    def lane_body(lane, carry):
        c_l = cnt32[pl.ds(lane, 16)][0]
        lbase = lane * LCAP
        for si in range(nslots):
            @pl.when(si * CHUNK < c_l)
            def _(si=si):
                idxs = idxall.at[pl.ds(lbase + si * CHUNK, CHUNK)]
                pltpu.async_copy(tab_hbm.at[idxs], bufs[si], gsems[si])
        for si in range(nslots):
            @pl.when(si * CHUNK < c_l)
            def _(si=si):
                idxs = idxall.at[pl.ds(lbase + si * CHUNK, CHUNK)]
                pltpu.make_async_copy(tab_hbm.at[idxs], bufs[si],
                                      gsems[si]).wait()
                pltpu.async_copy(
                    bufs[si],
                    gc_hbm.at[pl.ds(base + lbase + si * CHUNK, CHUNK)],
                    wsems[si])
        for si in range(nslots):
            @pl.when(si * CHUNK < c_l)
            def _(si=si):
                pltpu.make_async_copy(
                    bufs[si],
                    gc_hbm.at[pl.ds(base + lbase + si * CHUNK, CHUNK)],
                    wsems[si]).wait()
        return carry

    lax.fori_loop(0, 16, lane_body, jnp.int32(0))


def _gather_rows(table, en, cnt):
    d = table.shape[1]
    mesh = plsc.VectorSubcoreMesh(core_axis_name="c", subcore_axis_name="s")
    run = pl.kernel(
        _gather_body,
        mesh=mesh,
        out_type=jax.ShapeDtypeStruct((TOTAL_E, d), jnp.float32),
        scratch_types=[pltpu.VMEM((TILE_CAP,), jnp.int32),
                       pltpu.VMEM((16,), jnp.int32),
                       pltpu.VMEM((32,), jnp.int32),
                       pltpu.VMEM((CHUNK, d), jnp.float32),
                       pltpu.VMEM((CHUNK, d), jnp.float32),
                       pltpu.VMEM((CHUNK, d), jnp.float32),
                       pltpu.VMEM((CHUNK, d), jnp.float32),
                       pltpu.SemaphoreType.DMA,
                       pltpu.SemaphoreType.DMA,
                       pltpu.SemaphoreType.DMA,
                       pltpu.SemaphoreType.DMA,
                       pltpu.SemaphoreType.DMA,
                       pltpu.SemaphoreType.DMA,
                       pltpu.SemaphoreType.DMA,
                       pltpu.SemaphoreType.DMA],
    )
    return run(table, en, cnt)



def _pred_body(x_ref, ctr_ref, w1_ref, g1w_ref, g1b_ref, w2_ref, g2w_ref,
               g2b_ref, wp_ref, bp_ref, out_ref):
    x = x_ref[...]
    h = _relu(_gn(_dotT(x, w1_ref[0]), g1w_ref[0], g1b_ref[0]))
    h = _gn(_dotT(h, w2_ref[0]), g2w_ref[0], g2b_ref[0])
    h = _relu(h + x)
    out_ref[0] = _dotT(h, wp_ref[0]) + bp_ref[0] + ctr_ref[...]


def _aq_body(x_ref, a_ref, gw_ref, gb_ref, b_ref, out_ref):
    q = _relu(_gn(_dotT(x_ref[...], a_ref[...]), gw_ref[...], gb_ref[...]))
    out_ref[...] = _dotT(q, b_ref[...])


def _mm_body(x_ref, b_ref, out_ref):
    out_ref[...] = _dotT(x_ref[...], b_ref[...])


def _edge_mlp_body(cnt_ref, ea_ref, dvx_ref, dvy_ref, aq_ref, gc_ref,
                   w0t_ref, b0_ref, dlw_ref, dlgw_ref, dlgb_ref, wd_ref,
                   cgw_ref, cgb_ref, w2_ref, out_ref):
    t = pl.program_id(0)
    j = pl.program_id(1)

    @pl.when(j == 0)
    def _():
        out_ref[...] = jnp.zeros_like(out_ref)

    @pl.when(cnt_ref[t * 16 + j] > 0)
    def _():
        ea = ea_ref[...]
        rel = ea - t * AROWS
        iot = lax.broadcasted_iota(jnp.int32, (TILE_E, AROWS), 1)
        sel = (iot == rel).astype(jnp.float32)
        gq = lax.dot_general(sel, aq_ref[...], (((1,), (0,)), ((), ())),
                             preferred_element_type=jnp.float32,
                             precision=lax.Precision.HIGHEST)
        dv = jnp.concatenate([dvx_ref[...], dvy_ref[...]], axis=1)
        d0 = _d0(dv, w0t_ref[...], b0_ref[...])
        d1 = _relu(_gn(_dotT(d0, dlw_ref[...]), dlgw_ref[...], dlgb_ref[...]))
        y = _dotT(d1, wd_ref[...]) + gq + gc_ref[...]
        h = _relu(_gn(y, cgw_ref[...], cgb_ref[...]))
        o = _dotT(h, w2_ref[...])
        o = jnp.where(ea != NAKP, o, 0.0)
        out_ref[...] += lax.dot_general(sel, o, (((0,), (0,)), ((), ())),
                                        preferred_element_type=jnp.float32,
                                        precision=lax.Precision.HIGHEST)


def _edge_mlp(cnt, ea2, dvx2, dvy2, aqp, gc, w):
    d = aqp.shape[1]

    def es(last):
        return pl.BlockSpec((TILE_E, last), lambda t, j, *_: (t * EB + j, 0))

    def rs(shape):
        return pl.BlockSpec(shape, lambda t, j, *_: (0, 0))

    grid_spec = pltpu.PrefetchScalarGridSpec(
        num_scalar_prefetch=1,
        grid=(NW, EB),
        in_specs=[es(1), es(1), es(1),
                  pl.BlockSpec((AROWS, d), lambda t, j, *_: (t, 0)),
                  es(d),
                  rs((d, 2)), rs((1, d)), rs((d, d)), rs((1, d)), rs((1, d)),
                  rs((d, d)), rs((1, d)), rs((1, d)), rs((d, d))],
        out_specs=pl.BlockSpec((AROWS, d), lambda t, j, *_: (t, 0)),
    )
    return pl.pallas_call(
        _edge_mlp_body,
        grid_spec=grid_spec,
        out_shape=jax.ShapeDtypeStruct((NAKP, d), jnp.float32),
    )(cnt, ea2, dvx2, dvy2, aqp, gc, w['w0t'], w['b0'], w['dlw'], w['dlgw'],
      w['dlgb'], w['wd'], w['cgw'], w['cgb'], w['w2'])


def _epi_body(x_ref, add_ref, agtw_ref, nw_ref, nb_ref, lw_ref, lgw_ref,
              lgb_ref, out_ref):
    x = x_ref[...]
    a = _dotT(x, agtw_ref[...]) + add_ref[...]
    a = _relu(_gn(a, nw_ref[...], nb_ref[...]))
    a = _gn(_dotT(a, lw_ref[...]), lgw_ref[...], lgb_ref[...])
    out_ref[...] = _relu(a + x)


def _feats_body(ctr_ref, dest_ref, x_ref, w0t_ref, b0_ref, dlw_ref, dlgw_ref,
                dlgb_ref, wad_ref, waa_ref, agw_ref, agb_ref, out_ref):
    dv = ctr_ref[...] - dest_ref[...]
    d0 = _d0(dv, w0t_ref[...], b0_ref[...])
    dist = _relu(_gn(_dotT(d0, dlw_ref[...]), dlgw_ref[...], dlgb_ref[...]))
    f = _dotT(dist, wad_ref[...]) + _dotT(x_ref[...], waa_ref[...])
    out_ref[...] = _relu(_gn(f, agw_ref[...], agb_ref[...]))


def _cls_body(x_ref, w1_ref, g1w_ref, g1b_ref, w2_ref, g2w_ref, g2b_ref,
              out_ref):
    x = x_ref[...]
    h = _relu(_gn(_dotT(x, w1_ref[...]), g1w_ref[...], g1b_ref[...]))
    h = _gn(_dotT(h, w2_ref[...]), g2w_ref[...], g2b_ref[...])
    out_ref[...] = _relu(h + x)


def _sort_body(cls_ref, reg_ref, clso_ref, rego_ref):
    s = cls_ref[...]
    kk = s.shape[1]
    mx = jnp.max(s, axis=1, keepdims=True)
    e = jnp.exp(s - mx)
    p = e / jnp.sum(e, axis=1, keepdims=True)
    iot = lax.broadcasted_iota(jnp.int32, p.shape, 1)
    work = p
    cls_cols = []
    reg_cols = []
    for _ in range(kk):
        v = jnp.max(work, axis=1, keepdims=True)
        idx = jnp.min(jnp.where(work == v, iot, kk), axis=1, keepdims=True)
        cls_cols.append(v)
        rj = jnp.zeros((p.shape[0], 2), jnp.float32)
        for k2 in range(kk):
            rj = rj + jnp.where(idx == k2, reg_ref[:, 2 * k2:2 * k2 + 2], 0.0)
        reg_cols.append(rj)
        work = jnp.where(iot == idx, -1e30, work)
    clso_ref[...] = jnp.concatenate(cls_cols, axis=1)
    rego_ref[...] = jnp.concatenate(reg_cols, axis=1)



def _full(shape):
    rank = len(shape)
    return pl.BlockSpec(shape, lambda *_: (0,) * rank)


def _pred_reg(actors, actor_ctrs, pr):
    na, d = actors.shape
    kk = pr['W1'].shape[0]

    def pk(shape):
        rank = len(shape)
        return pl.BlockSpec((1,) + shape[1:],
                            lambda k: (k,) + (0,) * (rank - 1))

    return pl.pallas_call(
        _pred_body,
        grid=(kk,),
        in_specs=[_full((na, d)), _full((na, 2)),
                  pk((kk, d, d)), pk((kk, 1, d)), pk((kk, 1, d)),
                  pk((kk, d, d)), pk((kk, 1, d)), pk((kk, 1, d)),
                  pk((kk, 2, d)), pk((kk, 1, 2))],
        out_specs=pk((kk, na, 2)),
        out_shape=jax.ShapeDtypeStruct((kk, na, 2), jnp.float32),
    )(actors, actor_ctrs, pr['W1'], pr['g1w'], pr['g1b'],
      pr['W2'], pr['g2w'], pr['g2b'], pr['Wp'], pr['bp'])


def _lin2(x, a, gw, gb, b):
    r, d = x.shape
    return pl.pallas_call(
        _aq_body,
        grid=(1,),
        in_specs=[_full((r, d)), _full((d, d)), _full((1, d)), _full((1, d)),
                  _full((d, d))],
        out_specs=_full((r, d)),
        out_shape=jax.ShapeDtypeStruct((r, d), jnp.float32),
    )(x, a, gw, gb, b)


def _mm(x, b):
    r, d = x.shape
    do = b.shape[0]
    return pl.pallas_call(
        _mm_body,
        grid=(1,),
        in_specs=[_full((r, d)), _full((do, d))],
        out_specs=_full((r, do)),
        out_shape=jax.ShapeDtypeStruct((r, do), jnp.float32),
    )(x, b)


def _epilogue(x6, add, w):
    r, d = x6.shape
    return pl.pallas_call(
        _epi_body,
        grid=(1,),
        in_specs=[_full((r, d)), _full((r, d)), _full((d, d)), _full((1, d)),
                  _full((1, d)), _full((d, d)), _full((1, d)), _full((1, d))],
        out_specs=_full((r, d)),
        out_shape=jax.ShapeDtypeStruct((r, d), jnp.float32),
    )(x6, add, w['agtw'], w['nw'], w['nb'], w['lw'], w['lgw'], w['lgb'])


def _feats(ctr6, dest_flat, x6, w):
    r, d = x6.shape
    return pl.pallas_call(
        _feats_body,
        grid=(1,),
        in_specs=[_full((r, 2)), _full((r, 2)), _full((r, d)), _full((d, 2)),
                  _full((1, d)), _full((d, d)), _full((1, d)), _full((1, d)),
                  _full((d, d)), _full((d, d)), _full((1, d)), _full((1, d))],
        out_specs=_full((r, d)),
        out_shape=jax.ShapeDtypeStruct((r, d), jnp.float32),
    )(ctr6, dest_flat, x6, w['w0t'], w['b0'], w['dlw'], w['dlgw'], w['dlgb'],
      w['wad'], w['waa'], w['agw'], w['agb'])


def _cls_scores(feats, w):
    r, d = feats.shape
    return pl.pallas_call(
        _cls_body,
        grid=(1,),
        in_specs=[_full((r, d)), _full((d, d)), _full((1, d)), _full((1, d)),
                  _full((d, d)), _full((1, d)), _full((1, d))],
        out_specs=_full((r, d)),
        out_shape=jax.ShapeDtypeStruct((r, d), jnp.float32),
    )(feats, w['W1'], w['g1w'], w['g1b'], w['W2'], w['g2w'], w['g2b'])


def _sort_head(cls2, reg_flat):
    na, kk = cls2.shape
    clso, rego = pl.pallas_call(
        _sort_body,
        grid=(1,),
        in_specs=[_full((na, kk)), _full((na, 2 * kk))],
        out_specs=[_full((na, kk)), _full((na, 2 * kk))],
        out_shape=[jax.ShapeDtypeStruct((na, kk), jnp.float32),
                   jax.ShapeDtypeStruct((na, 2 * kk), jnp.float32)],
    )(cls2, reg_flat)
    return clso, rego.reshape(na, kk, 2)



def _row(v):
    return v.reshape(1, -1)


def _att_weights(p, d):
    wc = p['ctx_l']['W']
    return {
        'w0t': p['dist_W0'],
        'b0': _row(p['dist_b0']),
        'dlw': p['dist_l']['W'],
        'dlgw': _row(p['dist_l']['gnw']),
        'dlgb': _row(p['dist_l']['gnb']),
        'wd': wc[:, :d],
        'wq': wc[:, d:2 * d],
        'wcf': wc[:, 2 * d:],
        'cgw': _row(p['ctx_l']['gnw']),
        'cgb': _row(p['ctx_l']['gnb']),
        'w2': p['ctx_W2'],
        'agtw': p['agt_W'],
        'nw': _row(p['norm_w']),
        'nb': _row(p['norm_b']),
        'lw': p['linear']['W'],
        'lgw': _row(p['linear']['gnw']),
        'lgb': _row(p['linear']['gnb']),
        'qw': p['query']['W'],
        'qgw': _row(p['query']['gnw']),
        'qgb': _row(p['query']['gnb']),
    }


def kernel(actors, actor_idcs, actor_ctrs, nodes, node_idcs, node_ctrs, params):
    actors = actors[actor_idcs]
    nodes = nodes[node_idcs]
    na, d = actors.shape
    kk = len(params['pred'])

    def _gn_x(x, w, b):
        mu = jnp.mean(x, axis=1, keepdims=True)
        var = jnp.mean((x - mu) ** 2, axis=1, keepdims=True)
        return (x - mu) / jnp.sqrt(var + EPS) * w + b

    preds = []
    for pp in params['pred']:
        rp = pp['res']
        out = _relu(_gn_x(actors @ rp['W1'].T, rp['gn1w'], rp['gn1b']))
        out = _gn_x(out @ rp['W2'].T, rp['gn2w'], rp['gn2b'])
        out = _relu(out + actors)
        preds.append(out @ pp['W'].T + pp['b'])
    reg_nak0 = jnp.stack(preds, axis=1) + actor_ctrs[:, None, :]
    reg6 = jnp.transpose(reg_nak0, (1, 0, 2))
    dest_flat = reg6.reshape(kk * na, 2)

    dxp = jnp.pad(dest_flat[:, 0], (0, NAKP - kk * na))
    dyp = jnp.pad(dest_flat[:, 1], (0, NAKP - kk * na))
    ncx = jnp.pad(node_ctrs[:, 0], (0, NNP - node_ctrs.shape[0]),
                  constant_values=1e4)
    ncy = jnp.pad(node_ctrs[:, 1], (0, NNP - node_ctrs.shape[0]),
                  constant_values=1e4)
    ea, en, dvx, dvy, cnt = _edge_build(dxp, dyp, ncx, ncy)
    ea2 = ea.reshape(TOTAL_E, 1)
    dvx2 = dvx.reshape(TOTAL_E, 1)
    dvy2 = dvy.reshape(TOTAL_E, 1)

    ad = params['att_dest']
    w1 = _att_weights(ad['m2a'][0], d)
    w2 = _att_weights(ad['m2a'][1], d)

    actors6 = jnp.tile(actors, (kk, 1))
    pad6 = ((0, NAKP - kk * na), (0, 0))

    aq1 = _lin2(actors, w1['qw'], w1['qgw'], w1['qgb'], w1['wq'])
    aq1p = jnp.pad(jnp.tile(aq1, (kk, 1)), pad6)
    ac1 = _mm(nodes, w1['wcf'])
    gc1 = _gather_rows(ac1, en, cnt)
    add1 = _edge_mlp(cnt, ea2, dvx2, dvy2, aq1p, gc1, w1)
    a1 = _epilogue(actors6, add1[:kk * na], w1)

    aq2 = _lin2(a1, w2['qw'], w2['qgw'], w2['qgb'], w2['wq'])
    aq2p = jnp.pad(aq2, pad6)
    ac2 = _mm(nodes, w2['wcf'])
    gc2 = _gather_rows(ac2, en, cnt)
    add2 = _edge_mlp(cnt, ea2, dvx2, dvy2, aq2p, gc2, w2)
    a2 = _epilogue(a1, add2[:kk * na], w2)

    wa = ad['agt']['W']
    fw = {
        'w0t': ad['dist_W0'],
        'b0': _row(ad['dist_b0']),
        'dlw': ad['dist_l']['W'],
        'dlgw': _row(ad['dist_l']['gnw']),
        'dlgb': _row(ad['dist_l']['gnb']),
        'wad': wa[:, :d],
        'waa': wa[:, d:],
        'agw': _row(ad['agt']['gnw']),
        'agb': _row(ad['agt']['gnb']),
    }
    ctr6 = jnp.tile(actor_ctrs, (kk, 1))
    feats = _feats(ctr6, dest_flat, a2, fw)

    cw = {
        'W1': params['cls']['res']['W1'],
        'g1w': _row(params['cls']['res']['gn1w']),
        'g1b': _row(params['cls']['res']['gn1b']),
        'W2': params['cls']['res']['W2'],
        'g2w': _row(params['cls']['res']['gn2w']),
        'g2b': _row(params['cls']['res']['gn2b']),
        'Wp': params['cls']['W'],
    }
    hres = _cls_scores(feats, cw)
    scores = hres @ params['cls']['W'].T
    cls2 = scores.reshape(kk, na).T

    reg_nak = jnp.transpose(reg6, (1, 0, 2))
    cls_s, reg_s = _sort_head(cls2, reg_nak.reshape(na, 2 * kk))
    return cls_s, reg_s

# --- scband reference (transcript-rebuilt; emitter-appended) ---
"""Pipeline reference for scband-test-net-19576460935603 (READ-ONLY COPY).

The authoritative reference and input builder live on the scoring server;
editing this copy changes nothing except your own understanding.
"""

import jax, jax.numpy as jnp
import numpy as np

N_ACTOR = 1000
N_NODE = 5000
D = 128
K = 6
DIST_TH = 0.15
EPS = 1e-5


def _gn(x, w, b):
    mu = jnp.mean(x, axis=1, keepdims=True)
    var = jnp.mean((x - mu) ** 2, axis=1, keepdims=True)
    return (x - mu) / jnp.sqrt(var + EPS) * w + b


def _lin_gn(x, p, act=True):
    h = _gn(x @ p['W'].T, p['gnw'], p['gnb'])
    return jax.nn.relu(h) if act else h


def _linres(x, p):
    out = jax.nn.relu(_gn(x @ p['W1'].T, p['gn1w'], p['gn1b']))
    out = _gn(out @ p['W2'].T, p['gn2w'], p['gn2b'])
    return jax.nn.relu(out + x)


def _att(agts, ctx_feats, dest, node_ctrs, p):
    res = agts
    q = _lin_gn(agts, p['query'])
    na = agts.shape[0]
    n_out = p['ctx_W2'].shape[0]
    n_chunk = 250
    n_blocks = node_ctrs.shape[0] // n_chunk
    nc = node_ctrs.reshape(n_blocks, n_chunk, node_ctrs.shape[1])
    cf = ctx_feats.reshape(n_blocks, n_chunk, ctx_feats.shape[1])

    def body(acc, xs):
        nc_b, cf_b = xs
        dvec = dest[:, None, :] - nc_b[None, :, :]
        m = ((dvec ** 2).sum(-1) <= DIST_TH * DIST_TH)
        d = jax.nn.relu(dvec.reshape(-1, 2) @ p['dist_W0'].T + p['dist_b0'])
        d = _lin_gn(d, p['dist_l'])
        qq = jnp.broadcast_to(q[:, None, :], (na, n_chunk, q.shape[1])).reshape(-1, q.shape[1])
        cc = jnp.broadcast_to(cf_b[None, :, :], (na, n_chunk, cf_b.shape[1])).reshape(-1, cf_b.shape[1])
        c = jnp.concatenate([d, qq, cc], axis=1)
        c = _lin_gn(c, p['ctx_l'])
        c = c @ p['ctx_W2'].T
        c = c.reshape(na, n_chunk, n_out) * m[:, :, None]
        return acc + c.sum(axis=1), None

    add, _ = jax.lax.scan(body, jnp.zeros((na, n_out), agts.dtype), (nc, cf))
    a = agts @ p['agt_W'].T + add
    a = jax.nn.relu(_gn(a, p['norm_w'], p['norm_b']))
    a = _lin_gn(a, p['linear'], act=False)
    return jax.nn.relu(a + res)


def _pred_reg(actors, actor_ctrs, params):
    preds = [_linres(actors, pp['res']) @ pp['W'].T + pp['b'] for pp in params['pred']]
    reg = jnp.stack(preds, axis=1) + actor_ctrs[:, None, :]
    return reg


def _forward(actors, actor_ctrs, nodes, node_ctrs, params):
    reg = _pred_reg(actors, actor_ctrs, params)
    dest_ctrs = jax.lax.stop_gradient(reg)
    ad = params['att_dest']
    k_feats = []
    for k in range(K):
        dest = dest_ctrs[:, k, :]
        dist = jax.nn.relu((actor_ctrs - dest) @ ad['dist_W0'].T + ad['dist_b0'])
        dist = _lin_gn(dist, ad['dist_l'])
        a = actors
        for att_p in ad['m2a']:
            a = _att(a, nodes, dest, node_ctrs, att_p)
        a = _lin_gn(jnp.concatenate([dist, a], axis=1), ad['agt'])
        k_feats.append(a)
    feats = jnp.stack(k_feats, axis=1).reshape(-1, D)
    cls = _linres(feats, params['cls']['res']) @ params['cls']['W'].T + params['cls']['b']
    cls = jax.nn.softmax(cls.reshape(-1, K), axis=1)
    sort_idcs = jnp.argsort(-cls, axis=1)
    cls_s = jnp.take_along_axis(cls, sort_idcs, axis=1)
    reg_s = jnp.take_along_axis(reg, sort_idcs[:, :, None], axis=1)
    return cls_s, reg_s


def _mk_params(rng):
    def lingn(nin, nout):
        return {'W': jnp.asarray(rng.normal(0, 1 / np.sqrt(nin), (nout, nin)), jnp.float32),
                'gnw': jnp.asarray(1.0 + 0.1 * rng.normal(size=nout), jnp.float32),
                'gnb': jnp.asarray(0.1 * rng.normal(size=nout), jnp.float32)}

    def linres(n):
        p = lingn(n, n)
        q = lingn(n, n)
        return {'W1': p['W'], 'gn1w': p['gnw'], 'gn1b': p['gnb'],
                'W2': q['W'], 'gn2w': q['gnw'], 'gn2b': q['gnb']}

    def att(n_agt, n_ctx):
        return {'dist_W0': jnp.asarray(rng.normal(0, 1 / np.sqrt(2), (n_ctx, 2)), jnp.float32),
                'dist_b0': jnp.asarray(0.1 * rng.normal(size=n_ctx), jnp.float32),
                'dist_l': lingn(n_ctx, n_ctx),
                'query': lingn(n_agt, n_ctx),
                'ctx_l': lingn(3 * n_ctx, n_agt),
                'ctx_W2': jnp.asarray(rng.normal(0, 1 / np.sqrt(n_agt), (n_agt, n_agt)), jnp.float32),
                'agt_W': jnp.asarray(rng.normal(0, 1 / np.sqrt(n_agt), (n_agt, n_agt)), jnp.float32),
                'norm_w': jnp.asarray(1.0 + 0.1 * rng.normal(size=n_agt), jnp.float32),
                'norm_b': jnp.asarray(0.1 * rng.normal(size=n_agt), jnp.float32),
                'linear': lingn(n_agt, n_agt)}

    return {'pred': [{'res': linres(D),
                      'W': jnp.asarray(rng.normal(0, 1 / np.sqrt(D), (2, D)), jnp.float32),
                      'b': jnp.asarray(0.1 * rng.normal(size=2), jnp.float32)} for _ in range(K)],
            'att_dest': {'dist_W0': jnp.asarray(rng.normal(0, 1 / np.sqrt(2), (D, 2)), jnp.float32),
                         'dist_b0': jnp.asarray(0.1 * rng.normal(size=D), jnp.float32),
                         'dist_l': lingn(D, D),
                         'agt': lingn(2 * D, D),
                         'm2a': [att(D, D) for _ in range(2)]},
            'cls': {'res': linres(D),
                    'W': jnp.asarray(rng.normal(0, 1 / np.sqrt(D), (1, D)), jnp.float32),
                    'b': jnp.asarray(0.1 * rng.normal(size=1), jnp.float32)}}


def setup_inputs(seed: int = 0):
    key = jax.random.key(seed)
    k1, k2, k3, k4 = jax.random.split(key, 4)
    actors = jax.random.normal(k1, (N_ACTOR, D), jnp.float32)
    actor_ctrs = jax.random.normal(k2, (N_ACTOR, 2), jnp.float32)
    nodes = jax.random.normal(k3, (N_NODE, D), jnp.float32)
    node_ctrs = jax.random.normal(k4, (N_NODE, 2), jnp.float32)
    actor_idcs = jnp.arange(N_ACTOR, dtype=jnp.int32)
    node_idcs = jnp.arange(N_NODE, dtype=jnp.int32)
    params = _mk_params(np.random.default_rng(0))
    return {'actors': actors, 'actor_idcs': actor_idcs, 'actor_ctrs': actor_ctrs,
            'nodes': nodes, 'node_idcs': node_idcs, 'node_ctrs': node_ctrs, 'params': params}


def reference(actors, actor_idcs, actor_ctrs, nodes, node_idcs, node_ctrs, params):
    # batch_size == 1: actor_idcs/node_idcs are arange, so per-batch slicing is identity
    actors = actors[actor_idcs]
    nodes = nodes[node_idcs]
    return _forward(actors, actor_ctrs, nodes, node_ctrs, params)

if __name__ == "__main__":
    import jax
    _d = setup_inputs()
    print(jax.jit(kernel)(*tuple(_d.values())))

</pallas_src>

<mosaic_0001>
#map = affine_map<(d0, d1) -> (0, 0)>
#map1 = affine_map<(d0, d1) -> (0)>
module attributes {stable_mosaic.version = 14 : i64} {
  func.func @_gather_body(%arg0: i32, %arg1: i32, %arg2: memref<5000x128xf32, #tpu.memory_space<hbm>>, %arg3: memref<262144xi32, #tpu.memory_space<hbm>>, %arg4: memref<512xi32, #tpu.memory_space<hbm>>, %arg5: memref<262144x128xf32, #tpu.memory_space<hbm>>, %arg6: memref<8192xi32, #tpu.memory_space<vmem>>, %arg7: memref<16xi32, #tpu.memory_space<vmem>>, %arg8: memref<32xi32, #tpu.memory_space<vmem>>, %arg9: memref<128x128xf32, #tpu.memory_space<vmem>>, %arg10: memref<128x128xf32, #tpu.memory_space<vmem>>, %arg11: memref<128x128xf32, #tpu.memory_space<vmem>>, %arg12: memref<128x128xf32, #tpu.memory_space<vmem>>, %arg13: memref<!tpu.dma_semaphore, #tpu.memory_space<semaphore_mem>>, %arg14: memref<!tpu.dma_semaphore, #tpu.memory_space<semaphore_mem>>, %arg15: memref<!tpu.dma_semaphore, #tpu.memory_space<semaphore_mem>>, %arg16: memref<!tpu.dma_semaphore, #tpu.memory_space<semaphore_mem>>, %arg17: memref<!tpu.dma_semaphore, #tpu.memory_space<semaphore_mem>>, %arg18: memref<!tpu.dma_semaphore, #tpu.memory_space<semaphore_mem>>, %arg19: memref<!tpu.dma_semaphore, #tpu.memory_space<semaphore_mem>>, %arg20: memref<!tpu.dma_semaphore, #tpu.memory_space<semaphore_mem>>) attributes {dimension_semantics = [#tpu.dimension_semantics<core_parallel>, #tpu.dimension_semantics<subcore_parallel>], iteration_bounds = array<i64: 2, 16>, scalar_prefetch = 0 : i64, scratch_operands = 15 : i64, tpu.core_type = #tpu.core_type<sc_vector_subcore>, window_params = [{transform_indices = #map}, {transform_indices = #map1}, {transform_indices = #map1}, {transform_indices = #map}]} {
    %mul3A = arith.constant 2 : i32
    %mul3A_0 = arith.muli %arg1, %mul3A : i32
    %add3A = arith.addi %mul3A_0, %arg0 : i32
    %mul3A_1 = arith.constant 8192 : i32
    %mul3A_2 = arith.muli %add3A, %mul3A_1 : i32
    %mul3A_3 = arith.constant 16 : i32
    %mul3A_4 = arith.muli %add3A, %mul3A_3 : i32
    "tpu.region"() ({
      %run_scoped3A = tpu.sem_alloc : memref<!tpu.dma_semaphore, #tpu.memory_space<semaphore_mem>>
      %dma_start3A = tpu.memref_slice %arg4[%mul3A_4] : memref<512xi32, #tpu.memory_space<hbm>> -> memref<16xi32, #tpu.memory_space<hbm>>
      %dma_start3A_15 = tpu.memref_slice %arg4[%mul3A_4] : memref<512xi32, #tpu.memory_space<hbm>> -> memref<16xi32, #tpu.memory_space<hbm>>
      tpu.enqueue_dma source(%dma_start3A_15 : memref<16xi32, #tpu.memory_space<hbm>>) target(%arg7 : memref<16xi32, #tpu.memory_space<vmem>>) target_semaphore(%run_scoped3A : memref<!tpu.dma_semaphore, #tpu.memory_space<semaphore_mem>>)
      %dma_wait3A = tpu.memref_slice %arg4[%mul3A_4] : memref<512xi32, #tpu.memory_space<hbm>> -> memref<16xi32, #tpu.memory_space<hbm>>
      %dma_wait3A_16 = tpu.memref_slice %arg4[%mul3A_4] : memref<512xi32, #tpu.memory_space<hbm>> -> memref<16xi32, #tpu.memory_space<hbm>>
      tpu.wait_dma2 semaphore(%run_scoped3A : memref<!tpu.dma_semaphore, #tpu.memory_space<semaphore_mem>>) src(%dma_wait3A_16 : memref<16xi32, #tpu.memory_space<hbm>>) dst(%arg7 : memref<16xi32, #tpu.memory_space<vmem>>)
      tpu.yield
    }) : () -> ()
    %get3A = arith.constant 0 : index
    %get3A_5 = tpu.vector_load %arg7[%get3A] {strides = array<i32>} : memref<16xi32, #tpu.memory_space<vmem>>, vector<16xi32>,
    %get3A_6 = vector.shape_cast %get3A_5 : vector<16xi32> to vector<16xi32>
    %swap3A = arith.constant 0 : index
    %swap3A_7 = tpu.vector_load %arg8[%swap3A] {strides = array<i32>} : memref<32xi32, #tpu.memory_space<vmem>>, vector<16xi32>,
    %swap3A_8 = vector.shape_cast %swap3A_7 : vector<16xi32> to vector<16xi32>
    %swap3A_9 = vector.shape_cast %get3A_6 : vector<16xi32> to vector<16xi32>
    tpu.vector_store %arg8[%swap3A], %swap3A_9 {strides = array<i32>} : memref<32xi32, #tpu.memory_space<vmem>>, vector<16xi32>,
    "tpu.region"() ({
      %run_scoped3A = tpu.sem_alloc : memref<!tpu.dma_semaphore, #tpu.memory_space<semaphore_mem>>
      %dma_start3A = tpu.memref_slice %arg3[%mul3A_2] : memref<262144xi32, #tpu.memory_space<hbm>> -> memref<8192xi32, #tpu.memory_space<hbm>>
      %dma_start3A_15 = tpu.memref_slice %arg3[%mul3A_2] : memref<262144xi32, #tpu.memory_space<hbm>> -> memref<8192xi32, #tpu.memory_space<hbm>>
      tpu.enqueue_dma source(%dma_start3A_15 : memref<8192xi32, #tpu.memory_space<hbm>>) target(%arg6 : memref<8192xi32, #tpu.memory_space<vmem>>) target_semaphore(%run_scoped3A : memref<!tpu.dma_semaphore, #tpu.memory_space<semaphore_mem>>)
      %dma_wait3A = tpu.memref_slice %arg3[%mul3A_2] : memref<262144xi32, #tpu.memory_space<hbm>> -> memref<8192xi32, #tpu.memory_space<hbm>>
      %dma_wait3A_16 = tpu.memref_slice %arg3[%mul3A_2] : memref<262144xi32, #tpu.memory_space<hbm>> -> memref<8192xi32, #tpu.memory_space<hbm>>
      tpu.wait_dma2 semaphore(%run_scoped3A : memref<!tpu.dma_semaphore, #tpu.memory_space<semaphore_mem>>) src(%dma_wait3A_16 : memref<8192xi32, #tpu.memory_space<hbm>>) dst(%arg6 : memref<8192xi32, #tpu.memory_space<vmem>>)
      tpu.yield
    }) : () -> ()
    %scan3A = arith.constant 0 : i32
    %scan3A_10 = arith.constant 0 : i32
    %scan3A_11 = arith.constant 16 : i32
    %scan3A_12 = arith.addi %scan3A_10, %scan3A_11 : i32
    %scan3A_13 = arith.constant 1 : i32
    scf.for %scan3A_15 = %scan3A_10 to %scan3A_12 step %scan3A_13  : i32 {
      %get3A_16 = arith.index_cast %scan3A_15 : i32 to index
      %get3A_17 = tpu.vector_load %arg8[%get3A_16] {strides = array<i32>} : memref<32xi32, #tpu.memory_space<vmem>>, vector<16xi32>,
      %get3A_18 = vector.shape_cast %get3A_17 : vector<16xi32> to vector<16xi32>
      %slice3A = vector.extract_strided_slice %get3A_18 {offsets = [0], sizes = [1], strides = [1]} : vector<16xi32> to vector<1xi32>
      %squeeze3A = vector.extract %slice3A[0] : i32 from vector<1xi32>
      %mul3A_19 = arith.constant 512 : i32
      %mul3A_20 = arith.muli %scan3A_15, %mul3A_19 : i32
      %gt3A = arith.constant 0 : i32
      %gt3A_21 = arith.cmpi sgt, %squeeze3A, %gt3A : i32
      %convert_element_type3A = arith.extui %gt3A_21 : i1 to i32
      %cond3A = arith.constant 0 : i32
      %cond3A_22 = arith.cmpi ne, %convert_element_type3A, %cond3A : i32
      scf.if %cond3A_22 {
        %add3A_78 = arith.constant 0 : i32
        %add3A_79 = arith.addi %mul3A_20, %add3A_78 : i32
        %dma_start3A = tpu.memref_slice %arg6[%add3A_79] : memref<8192xi32, #tpu.memory_space<vmem>> -> memref<128xi32, #tpu.memory_space<vmem>>
        %dma_start3A_80 = arith.constant 0 : i32
        %dma_start3A_81 = arith.constant 0 : i32
        %dma_start3A_82 = tpu.memref_slice %arg2[%dma_start3A_80, %dma_start3A_81] : memref<5000x128xf32, #tpu.memory_space<hbm>> -> memref<5000x128xf32, #tpu.memory_space<hbm>>
        tpu.enqueue_indirect_dma source(%dma_start3A_82 : memref<5000x128xf32, #tpu.memory_space<hbm>>) target(%arg9 : memref<128x128xf32, #tpu.memory_space<vmem>>) offsets(%dma_start3A : memref<128xi32, #tpu.memory_space<vmem>>) semaphore(%arg13 : memref<!tpu.dma_semaphore, #tpu.memory_space<semaphore_mem>>)
      } else {
      }
      %gt3A_23 = arith.constant 128 : i32
      %gt3A_24 = arith.cmpi sgt, %squeeze3A, %gt3A_23 : i32
      %convert_element_type3A_25 = arith.extui %gt3A_24 : i1 to i32
      %cond3A_26 = arith.constant 0 : i32
      %cond3A_27 = arith.cmpi ne, %convert_element_type3A_25, %cond3A_26 : i32
      scf.if %cond3A_27 {
        %add3A_78 = arith.constant 128 : i32
        %add3A_79 = arith.addi %mul3A_20, %add3A_78 : i32
        %dma_start3A = tpu.memref_slice %arg6[%add3A_79] : memref<8192xi32, #tpu.memory_space<vmem>> -> memref<128xi32, #tpu.memory_space<vmem>>
        %dma_start3A_80 = arith.constant 0 : i32
        %dma_start3A_81 = arith.constant 0 : i32
        %dma_start3A_82 = tpu.memref_slice %arg2[%dma_start3A_80, %dma_start3A_81] : memref<5000x128xf32, #tpu.memory_space<hbm>> -> memref<5000x128xf32, #tpu.memory_space<hbm>>
        tpu.enqueue_indirect_dma source(%dma_start3A_82 : memref<5000x128xf32, #tpu.memory_space<hbm>>) target(%arg10 : memref<128x128xf32, #tpu.memory_space<vmem>>) offsets(%dma_start3A : memref<128xi32, #tpu.memory_space<vmem>>) semaphore(%arg14 : memref<!tpu.dma_semaphore, #tpu.memory_space<semaphore_mem>>)
      } else {
      }
      %gt3A_28 = arith.constant 256 : i32
      %gt3A_29 = arith.cmpi sgt, %squeeze3A, %gt3A_28 : i32
      %convert_element_type3A_30 = arith.extui %gt3A_29 : i1 to i32
      %cond3A_31 = arith.constant 0 : i32
      %cond3A_32 = arith.cmpi ne, %convert_element_type3A_30, %cond3A_31 : i32
      scf.if %cond3A_32 {
        %add3A_78 = arith.constant 256 : i32
        %add3A_79 = arith.addi %mul3A_20, %add3A_78 : i32
        %dma_start3A = tpu.memref_slice %arg6[%add3A_79] : memref<8192xi32, #tpu.memory_space<vmem>> -> memref<128xi32, #tpu.memory_space<vmem>>
        %dma_start3A_80 = arith.constant 0 : i32
        %dma_start3A_81 = arith.constant 0 : i32
        %dma_start3A_82 = tpu.memref_slice %arg2[%dma_start3A_80, %dma_start3A_81] : memref<5000x128xf32, #tpu.memory_space<hbm>> -> memref<5000x128xf32, #tpu.memory_space<hbm>>
        tpu.enqueue_indirect_dma source(%dma_start3A_82 : memref<5000x128xf32, #tpu.memory_space<hbm>>) target(%arg11 : memref<128x128xf32, #tpu.memory_space<vmem>>) offsets(%dma_start3A : memref<128xi32, #tpu.memory_space<vmem>>) semaphore(%arg15 : memref<!tpu.dma_semaphore, #tpu.memory_space<semaphore_mem>>)
      } else {
      }
      %gt3A_33 = arith.constant 384 : i32
      %gt3A_34 = arith.cmpi sgt, %squeeze3A, %gt3A_33 : i32
      %convert_element_type3A_35 = arith.extui %gt3A_34 : i1 to i32
      %cond3A_36 = arith.constant 0 : i32
      %cond3A_37 = arith.cmpi ne, %convert_element_type3A_35, %cond3A_36 : i32
      scf.if %cond3A_37 {
        %add3A_78 = arith.constant 384 : i32
        %add3A_79 = arith.addi %mul3A_20, %add3A_78 : i32
        %dma_start3A = tpu.memref_slice %arg6[%add3A_79] : memref<8192xi32, #tpu.memory_space<vmem>> -> memref<128xi32, #tpu.memory_space<vmem>>
        %dma_start3A_80 = arith.constant 0 : i32
        %dma_start3A_81 = arith.constant 0 : i32
        %dma_start3A_82 = tpu.memref_slice %arg2[%dma_start3A_80, %dma_start3A_81] : memref<5000x128xf32, #tpu.memory_space<hbm>> -> memref<5000x128xf32, #tpu.memory_space<hbm>>
        tpu.enqueue_indirect_dma source(%dma_start3A_82 : memref<5000x128xf32, #tpu.memory_space<hbm>>) target(%arg12 : memref<128x128xf32, #tpu.memory_space<vmem>>) offsets(%dma_start3A : memref<128xi32, #tpu.memory_space<vmem>>) semaphore(%arg16 : memref<!tpu.dma_semaphore, #tpu.memory_space<semaphore_mem>>)
      } else {
      }
      %gt3A_38 = arith.constant 0 : i32
      %gt3A_39 = arith.cmpi sgt, %squeeze3A, %gt3A_38 : i32
      %convert_element_type3A_40 = arith.extui %gt3A_39 : i1 to i32
      %cond3A_41 = arith.constant 0 : i32
      %cond3A_42 = arith.cmpi ne, %convert_element_type3A_40, %cond3A_41 : i32
      scf.if %cond3A_42 {
        %add3A_78 = arith.constant 0 : i32
        %add3A_79 = arith.addi %mul3A_20, %add3A_78 : i32
        %dma_wait3A = tpu.memref_slice %arg6[%add3A_79] : memref<8192xi32, #tpu.memory_space<vmem>> -> memref<128xi32, #tpu.memory_space<vmem>>
        %dma_wait3A_80 = arith.constant 0 : i32
        %dma_wait3A_81 = arith.constant 0 : i32
        %dma_wait3A_82 = tpu.memref_slice %arg2[%dma_wait3A_80, %dma_wait3A_81] : memref<5000x128xf32, #tpu.memory_space<hbm>> -> memref<5000x128xf32, #tpu.memory_space<hbm>>
        tpu.wait_indirect_dma semaphore(%arg13 : memref<!tpu.dma_semaphore, #tpu.memory_space<semaphore_mem>>) src(%dma_wait3A_82 : memref<5000x128xf32, #tpu.memory_space<hbm>>) dst(%arg9 : memref<128x128xf32, #tpu.memory_space<vmem>>)
        %add3A_83 = arith.addi %mul3A_2, %mul3A_20 : i32
        %add3A_84 = arith.constant 0 : i32
        %add3A_85 = arith.addi %add3A_83, %add3A_84 : i32
        %dma_start3A = arith.constant 0 : i32
        %dma_start3A_86 = tpu.memref_slice %arg5[%add3A_85, %dma_start3A] : memref<262144x128xf32, #tpu.memory_space<hbm>> -> memref<128x128xf32, #tpu.memory_space<hbm>>
        %dma_start3A_87 = arith.constant 0 : i32
        %dma_start3A_88 = tpu.memref_slice %arg5[%add3A_85, %dma_start3A_87] : memref<262144x128xf32, #tpu.memory_space<hbm>> -> memref<128x128xf32, #tpu.memory_space<hbm>>
        tpu.enqueue_dma source(%arg9 : memref<128x128xf32, #tpu.memory_space<vmem>>) target(%dma_start3A_88 : memref<128x128xf32, #tpu.memory_space<hbm>>) target_semaphore(%arg17 : memref<!tpu.dma_semaphore, #tpu.memory_space<semaphore_mem>>)
      } else {
      }
      %gt3A_43 = arith.constant 128 : i32
      %gt3A_44 = arith.cmpi sgt, %squeeze3A, %gt3A_43 : i32
      %convert_element_type3A_45 = arith.extui %gt3A_44 : i1 to i32
      %cond3A_46 = arith.constant 0 : i32
      %cond3A_47 = arith.cmpi ne, %convert_element_type3A_45, %cond3A_46 : i32
      scf.if %cond3A_47 {
        %add3A_78 = arith.constant 128 : i32
        %add3A_79 = arith.addi %mul3A_20, %add3A_78 : i32
        %dma_wait3A = tpu.memref_slice %arg6[%add3A_79] : memref<8192xi32, #tpu.memory_space<vmem>> -> memref<128xi32, #tpu.memory_space<vmem>>
        %dma_wait3A_80 = arith.constant 0 : i32
        %dma_wait3A_81 = arith.constant 0 : i32
        %dma_wait3A_82 = tpu.memref_slice %arg2[%dma_wait3A_80, %dma_wait3A_81] : memref<5000x128xf32, #tpu.memory_space<hbm>> -> memref<5000x128xf32, #tpu.memory_space<hbm>>
        tpu.wait_indirect_dma semaphore(%arg14 : memref<!tpu.dma_semaphore, #tpu.memory_space<semaphore_mem>>) src(%dma_wait3A_82 : memref<5000x128xf32, #tpu.memory_space<hbm>>) dst(%arg10 : memref<128x128xf32, #tpu.memory_space<vmem>>)
        %add3A_83 = arith.addi %mul3A_2, %mul3A_20 : i32
        %add3A_84 = arith.constant 128 : i32
        %add3A_85 = arith.addi %add3A_83, %add3A_84 : i32
        %dma_start3A = arith.constant 0 : i32
        %dma_start3A_86 = tpu.memref_slice %arg5[%add3A_85, %dma_start3A] : memref<262144x128xf32, #tpu.memory_space<hbm>> -> memref<128x128xf32, #tpu.memory_space<hbm>>
        %dma_start3A_87 = arith.constant 0 : i32
        %dma_start3A_88 = tpu.memref_slice %arg5[%add3A_85, %dma_start3A_87] : memref<262144x128xf32, #tpu.memory_space<hbm>> -> memref<128x128xf32, #tpu.memory_space<hbm>>
        tpu.enqueue_dma source(%arg10 : memref<128x128xf32, #tpu.memory_space<vmem>>) target(%dma_start3A_88 : memref<128x128xf32, #tpu.memory_space<hbm>>) target_semaphore(%arg18 : memref<!tpu.dma_semaphore, #tpu.memory_space<semaphore_mem>>)
      } else {
      }
      %gt3A_48 = arith.constant 256 : i32
      %gt3A_49 = arith.cmpi sgt, %squeeze3A, %gt3A_48 : i32
      %convert_element_type3A_50 = arith.extui %gt3A_49 : i1 to i32
      %cond3A_51 = arith.constant 0 : i32
      %cond3A_52 = arith.cmpi ne, %convert_element_type3A_50, %cond3A_51 : i32
      scf.if %cond3A_52 {
        %add3A_78 = arith.constant 256 : i32
        %add3A_79 = arith.addi %mul3A_20, %add3A_78 : i32
        %dma_wait3A = tpu.memref_slice %arg6[%add3A_79] : memref<8192xi32, #tpu.memory_space<vmem>> -> memref<128xi32, #tpu.memory_space<vmem>>
        %dma_wait3A_80 = arith.constant 0 : i32
        %dma_wait3A_81 = arith.constant 0 : i32
        %dma_wait3A_82 = tpu.memref_slice %arg2[%dma_wait3A_80, %dma_wait3A_81] : memref<5000x128xf32, #tpu.memory_space<hbm>> -> memref<5000x128xf32, #tpu.memory_space<hbm>>
        tpu.wait_indirect_dma semaphore(%arg15 : memref<!tpu.dma_semaphore, #tpu.memory_space<semaphore_mem>>) src(%dma_wait3A_82 : memref<5000x128xf32, #tpu.memory_space<hbm>>) dst(%arg11 : memref<128x128xf32, #tpu.memory_space<vmem>>)
        %add3A_83 = arith.addi %mul3A_2, %mul3A_20 : i32
        %add3A_84 = arith.constant 256 : i32
        %add3A_85 = arith.addi %add3A_83, %add3A_84 : i32
        %dma_start3A = arith.constant 0 : i32
        %dma_start3A_86 = tpu.memref_slice %arg5[%add3A_85, %dma_start3A] : memref<262144x128xf32, #tpu.memory_space<hbm>> -> memref<128x128xf32, #tpu.memory_space<hbm>>
        %dma_start3A_87 = arith.constant 0 : i32
        %dma_start3A_88 = tpu.memref_slice %arg5[%add3A_85, %dma_start3A_87] : memref<262144x128xf32, #tpu.memory_space<hbm>> -> memref<128x128xf32, #tpu.memory_space<hbm>>
        tpu.enqueue_dma source(%arg11 : memref<128x128xf32, #tpu.memory_space<vmem>>) target(%dma_start3A_88 : memref<128x128xf32, #tpu.memory_space<hbm>>) target_semaphore(%arg19 : memref<!tpu.dma_semaphore, #tpu.memory_space<semaphore_mem>>)
      } else {
      }
      %gt3A_53 = arith.constant 384 : i32
      %gt3A_54 = arith.cmpi sgt, %squeeze3A, %gt3A_53 : i32
      %convert_element_type3A_55 = arith.extui %gt3A_54 : i1 to i32
      %cond3A_56 = arith.constant 0 : i32
      %cond3A_57 = arith.cmpi ne, %convert_element_type3A_55, %cond3A_56 : i32
      scf.if %cond3A_57 {
        %add3A_78 = arith.constant 384 : i32
        %add3A_79 = arith.addi %mul3A_20, %add3A_78 : i32
        %dma_wait3A = tpu.memref_slice %arg6[%add3A_79] : memref<8192xi32, #tpu.memory_space<vmem>> -> memref<128xi32, #tpu.memory_space<vmem>>
        %dma_wait3A_80 = arith.constant 0 : i32
        %dma_wait3A_81 = arith.constant 0 : i32
        %dma_wait3A_82 = tpu.memref_slice %arg2[%dma_wait3A_80, %dma_wait3A_81] : memref<5000x128xf32, #tpu.memory_space<hbm>> -> memref<5000x128xf32, #tpu.memory_space<hbm>>
        tpu.wait_indirect_dma semaphore(%arg16 : memref<!tpu.dma_semaphore, #tpu.memory_space<semaphore_mem>>) src(%dma_wait3A_82 : memref<5000x128xf32, #tpu.memory_space<hbm>>) dst(%arg12 : memref<128x128xf32, #tpu.memory_space<vmem>>)
        %add3A_83 = arith.addi %mul3A_2, %mul3A_20 : i32
        %add3A_84 = arith.constant 384 : i32
        %add3A_85 = arith.addi %add3A_83, %add3A_84 : i32
        %dma_start3A = arith.constant 0 : i32
        %dma_start3A_86 = tpu.memref_slice %arg5[%add3A_85, %dma_start3A] : memref<262144x128xf32, #tpu.memory_space<hbm>> -> memref<128x128xf32, #tpu.memory_space<hbm>>
        %dma_start3A_87 = arith.constant 0 : i32
        %dma_start3A_88 = tpu.memref_slice %arg5[%add3A_85, %dma_start3A_87] : memref<262144x128xf32, #tpu.memory_space<hbm>> -> memref<128x128xf32, #tpu.memory_space<hbm>>
        tpu.enqueue_dma source(%arg12 : memref<128x128xf32, #tpu.memory_space<vmem>>) target(%dma_start3A_88 : memref<128x128xf32, #tpu.memory_space<hbm>>) target_semaphore(%arg20 : memref<!tpu.dma_semaphore, #tpu.memory_space<semaphore_mem>>)
      } else {
      }
      %gt3A_58 = arith.constant 0 : i32
      %gt3A_59 = arith.cmpi sgt, %squeeze3A, %gt3A_58 : i32
      %convert_element_type3A_60 = arith.extui %gt3A_59 : i1 to i32
      %cond3A_61 = arith.constant 0 : i32
      %cond3A_62 = arith.cmpi ne, %convert_element_type3A_60, %cond3A_61 : i32
      scf.if %cond3A_62 {
        %add3A_78 = arith.addi %mul3A_2, %mul3A_20 : i32
        %add3A_79 = arith.constant 0 : i32
        %add3A_80 = arith.addi %add3A_78, %add3A_79 : i32
        %dma_wait3A = arith.constant 0 : i32
        %dma_wait3A_81 = tpu.memref_slice %arg5[%add3A_80, %dma_wait3A] : memref<262144x128xf32, #tpu.memory_space<hbm>> -> memref<128x128xf32, #tpu.memory_space<hbm>>
        %dma_wait3A_82 = arith.constant 0 : i32
        %dma_wait3A_83 = tpu.memref_slice %arg5[%add3A_80, %dma_wait3A_82] : memref<262144x128xf32, #tpu.memory_space<hbm>> -> memref<128x128xf32, #tpu.memory_space<hbm>>
        tpu.wait_dma2 semaphore(%arg17 : memref<!tpu.dma_semaphore, #tpu.memory_space<semaphore_mem>>) src(%arg9 : memref<128x128xf32, #tpu.memory_space<vmem>>) dst(%dma_wait3A_83 : memref<128x128xf32, #tpu.memory_space<hbm>>)
      } else {
      }
      %gt3A_63 = arith.constant 128 : i32
      %gt3A_64 = arith.cmpi sgt, %squeeze3A, %gt3A_63 : i32
      %convert_element_type3A_65 = arith.extui %gt3A_64 : i1 to i32
      %cond3A_66 = arith.constant 0 : i32
      %cond3A_67 = arith.cmpi ne, %convert_element_type3A_65, %cond3A_66 : i32
      scf.if %cond3A_67 {
        %add3A_78 = arith.addi %mul3A_2, %mul3A_20 : i32
        %add3A_79 = arith.constant 128 : i32
        %add3A_80 = arith.addi %add3A_78, %add3A_79 : i32
        %dma_wait3A = arith.constant 0 : i32
        %dma_wait3A_81 = tpu.memref_slice %arg5[%add3A_80, %dma_wait3A] : memref<262144x128xf32, #tpu.memory_space<hbm>> -> memref<128x128xf32, #tpu.memory_space<hbm>>
        %dma_wait3A_82 = arith.constant 0 : i32
        %dma_wait3A_83 = tpu.memref_slice %arg5[%add3A_80, %dma_wait3A_82] : memref<262144x128xf32, #tpu.memory_space<hbm>> -> memref<128x128xf32, #tpu.memory_space<hbm>>
        tpu.wait_dma2 semaphore(%arg18 : memref<!tpu.dma_semaphore, #tpu.memory_space<semaphore_mem>>) src(%arg10 : memref<128x128xf32, #tpu.memory_space<vmem>>) dst(%dma_wait3A_83 : memref<128x128xf32, #tpu.memory_space<hbm>>)
      } else {
      }
      %gt3A_68 = arith.constant 256 : i32
      %gt3A_69 = arith.cmpi sgt, %squeeze3A, %gt3A_68 : i32
      %convert_element_type3A_70 = arith.extui %gt3A_69 : i1 to i32
      %cond3A_71 = arith.constant 0 : i32
      %cond3A_72 = arith.cmpi ne, %convert_element_type3A_70, %cond3A_71 : i32
      scf.if %cond3A_72 {
        %add3A_78 = arith.addi %mul3A_2, %mul3A_20 : i32
        %add3A_79 = arith.constant 256 : i32
        %add3A_80 = arith.addi %add3A_78, %add3A_79 : i32
        %dma_wait3A = arith.constant 0 : i32
        %dma_wait3A_81 = tpu.memref_slice %arg5[%add3A_80, %dma_wait3A] : memref<262144x128xf32, #tpu.memory_space<hbm>> -> memref<128x128xf32, #tpu.memory_space<hbm>>
        %dma_wait3A_82 = arith.constant 0 : i32
        %dma_wait3A_83 = tpu.memref_slice %arg5[%add3A_80, %dma_wait3A_82] : memref<262144x128xf32, #tpu.memory_space<hbm>> -> memref<128x128xf32, #tpu.memory_space<hbm>>
        tpu.wait_dma2 semaphore(%arg19 : memref<!tpu.dma_semaphore, #tpu.memory_space<semaphore_mem>>) src(%arg11 : memref<128x128xf32, #tpu.memory_space<vmem>>) dst(%dma_wait3A_83 : memref<128x128xf32, #tpu.memory_space<hbm>>)
      } else {
      }
      %gt3A_73 = arith.constant 384 : i32
      %gt3A_74 = arith.cmpi sgt, %squeeze3A, %gt3A_73 : i32
      %convert_element_type3A_75 = arith.extui %gt3A_74 : i1 to i32
      %cond3A_76 = arith.constant 0 : i32
      %cond3A_77 = arith.cmpi ne, %convert_element_type3A_75, %cond3A_76 : i32
      scf.if %cond3A_77 {
        %add3A_78 = arith.addi %mul3A_2, %mul3A_20 : i32
        %add3A_79 = arith.constant 384 : i32
        %add3A_80 = arith.addi %add3A_78, %add3A_79 : i32
        %dma_wait3A = arith.constant 0 : i32
        %dma_wait3A_81 = tpu.memref_slice %arg5[%add3A_80, %dma_wait3A] : memref<262144x128xf32, #tpu.memory_space<hbm>> -> memref<128x128xf32, #tpu.memory_space<hbm>>
        %dma_wait3A_82 = arith.constant 0 : i32
        %dma_wait3A_83 = tpu.memref_slice %arg5[%add3A_80, %dma_wait3A_82] : memref<262144x128xf32, #tpu.memory_space<hbm>> -> memref<128x128xf32, #tpu.memory_space<hbm>>
        tpu.wait_dma2 semaphore(%arg20 : memref<!tpu.dma_semaphore, #tpu.memory_space<semaphore_mem>>) src(%arg12 : memref<128x128xf32, #tpu.memory_space<vmem>>) dst(%dma_wait3A_83 : memref<128x128xf32, #tpu.memory_space<hbm>>)
      } else {
      }
    }
    %scan3A_14 = arith.constant 16 : i32
    return
  }
}

#map = affine_map<(d0, d1) -> (0, 0)>
#map1 = affine_map<(d0, d1) -> (0)>
module attributes {stable_mosaic.version = 14 : i64} {
  func.func @_gather_body(%arg0: i32, %arg1: i32, %arg2: memref<5000x128xf32, #tpu.memory_space<hbm>>, %arg3: memref<262144xi32, #tpu.memory_space<hbm>>, %arg4: memref<512xi32, #tpu.memory_space<hbm>>, %arg5: memref<262144x128xf32, #tpu.memory_space<hbm>>, %arg6: memref<8192xi32, #tpu.memory_space<vmem>>, %arg7: memref<16xi32, #tpu.memory_space<vmem>>, %arg8: memref<32xi32, #tpu.memory_space<vmem>>, %arg9: memref<128x128xf32, #tpu.memory_space<vmem>>, %arg10: memref<128x128xf32, #tpu.memory_space<vmem>>, %arg11: memref<128x128xf32, #tpu.memory_space<vmem>>, %arg12: memref<128x128xf32, #tpu.memory_space<vmem>>, %arg13: memref<!tpu.dma_semaphore, #tpu.memory_space<semaphore_mem>>, %arg14: memref<!tpu.dma_semaphore, #tpu.memory_space<semaphore_mem>>, %arg15: memref<!tpu.dma_semaphore, #tpu.memory_space<semaphore_mem>>, %arg16: memref<!tpu.dma_semaphore, #tpu.memory_space<semaphore_mem>>, %arg17: memref<!tpu.dma_semaphore, #tpu.memory_space<semaphore_mem>>, %arg18: memref<!tpu.dma_semaphore, #tpu.memory_space<semaphore_mem>>, %arg19: memref<!tpu.dma_semaphore, #tpu.memory_space<semaphore_mem>>, %arg20: memref<!tpu.dma_semaphore, #tpu.memory_space<semaphore_mem>>) attributes {dimension_semantics = [#tpu.dimension_semantics<core_parallel>, #tpu.dimension_semantics<subcore_parallel>], iteration_bounds = array<i64: 2, 16>, scalar_prefetch = 0 : i64, scratch_operands = 15 : i64, tpu.core_type = #tpu.core_type<sc_vector_subcore>, window_params = [{transform_indices = #map}, {transform_indices = #map1}, {transform_indices = #map1}, {transform_indices = #map}]} {
    %mul3A = arith.constant 2 : i32
    %mul3A_0 = arith.muli %arg1, %mul3A : i32
    %add3A = arith.addi %mul3A_0, %arg0 : i32
    %mul3A_1 = arith.constant 8192 : i32
    %mul3A_2 = arith.muli %add3A, %mul3A_1 : i32
    %mul3A_3 = arith.constant 16 : i32
    %mul3A_4 = arith.muli %add3A, %mul3A_3 : i32
    "tpu.region"() ({
      %run_scoped3A = tpu.sem_alloc : memref<!tpu.dma_semaphore, #tpu.memory_space<semaphore_mem>>
      %dma_start3A = tpu.memref_slice %arg4[%mul3A_4] : memref<512xi32, #tpu.memory_space<hbm>> -> memref<16xi32, #tpu.memory_space<hbm>>
      %dma_start3A_15 = tpu.memref_slice %arg4[%mul3A_4] : memref<512xi32, #tpu.memory_space<hbm>> -> memref<16xi32, #tpu.memory_space<hbm>>
      tpu.enqueue_dma source(%dma_start3A_15 : memref<16xi32, #tpu.memory_space<hbm>>) target(%arg7 : memref<16xi32, #tpu.memory_space<vmem>>) target_semaphore(%run_scoped3A : memref<!tpu.dma_semaphore, #tpu.memory_space<semaphore_mem>>)
      %dma_wait3A = tpu.memref_slice %arg4[%mul3A_4] : memref<512xi32, #tpu.memory_space<hbm>> -> memref<16xi32, #tpu.memory_space<hbm>>
      %dma_wait3A_16 = tpu.memref_slice %arg4[%mul3A_4] : memref<512xi32, #tpu.memory_space<hbm>> -> memref<16xi32, #tpu.memory_space<hbm>>
      tpu.wait_dma2 semaphore(%run_scoped3A : memref<!tpu.dma_semaphore, #tpu.memory_space<semaphore_mem>>) src(%dma_wait3A_16 : memref<16xi32, #tpu.memory_space<hbm>>) dst(%arg7 : memref<16xi32, #tpu.memory_space<vmem>>)
      tpu.yield
    }) : () -> ()
    %get3A = arith.constant 0 : index
    %get3A_5 = tpu.vector_load %arg7[%get3A] {strides = array<i32>} : memref<16xi32, #tpu.memory_space<vmem>>, vector<16xi32>,
    %get3A_6 = vector.shape_cast %get3A_5 : vector<16xi32> to vector<16xi32>
    %swap3A = arith.constant 0 : index
    %swap3A_7 = tpu.vector_load %arg8[%swap3A] {strides = array<i32>} : memref<32xi32, #tpu.memory_space<vmem>>, vector<16xi32>,
    %swap3A_8 = vector.shape_cast %swap3A_7 : vector<16xi32> to vector<16xi32>
    %swap3A_9 = vector.shape_cast %get3A_6 : vector<16xi32> to vector<16xi32>
    tpu.vector_store %arg8[%swap3A], %swap3A_9 {strides = array<i32>} : memref<32xi32, #tpu.memory_space<vmem>>, vector<16xi32>,
    "tpu.region"() ({
      %run_scoped3A = tpu.sem_alloc : memref<!tpu.dma_semaphore, #tpu.memory_space<semaphore_mem>>
      %dma_start3A = tpu.memref_slice %arg3[%mul3A_2] : memref<262144xi32, #tpu.memory_space<hbm>> -> memref<8192xi32, #tpu.memory_space<hbm>>
      %dma_start3A_15 = tpu.memref_slice %arg3[%mul3A_2] : memref<262144xi32, #tpu.memory_space<hbm>> -> memref<8192xi32, #tpu.memory_space<hbm>>
      tpu.enqueue_dma source(%dma_start3A_15 : memref<8192xi32, #tpu.memory_space<hbm>>) target(%arg6 : memref<8192xi32, #tpu.memory_space<vmem>>) target_semaphore(%run_scoped3A : memref<!tpu.dma_semaphore, #tpu.memory_space<semaphore_mem>>)
      %dma_wait3A = tpu.memref_slice %arg3[%mul3A_2] : memref<262144xi32, #tpu.memory_space<hbm>> -> memref<8192xi32, #tpu.memory_space<hbm>>
      %dma_wait3A_16 = tpu.memref_slice %arg3[%mul3A_2] : memref<262144xi32, #tpu.memory_space<hbm>> -> memref<8192xi32, #tpu.memory_space<hbm>>
      tpu.wait_dma2 semaphore(%run_scoped3A : memref<!tpu.dma_semaphore, #tpu.memory_space<semaphore_mem>>) src(%dma_wait3A_16 : memref<8192xi32, #tpu.memory_space<hbm>>) dst(%arg6 : memref<8192xi32, #tpu.memory_space<vmem>>)
      tpu.yield
    }) : () -> ()
    %scan3A = arith.constant 0 : i32
    %scan3A_10 = arith.constant 0 : i32
    %scan3A_11 = arith.constant 16 : i32
    %scan3A_12 = arith.addi %scan3A_10, %scan3A_11 : i32
    %scan3A_13 = arith.constant 1 : i32
    scf.for %scan3A_15 = %scan3A_10 to %scan3A_12 step %scan3A_13  : i32 {
      %get3A_16 = arith.index_cast %scan3A_15 : i32 to index
      %get3A_17 = tpu.vector_load %arg8[%get3A_16] {strides = array<i32>} : memref<32xi32, #tpu.memory_space<vmem>>, vector<16xi32>,
      %get3A_18 = vector.shape_cast %get3A_17 : vector<16xi32> to vector<16xi32>
      %slice3A = vector.extract_strided_slice %get3A_18 {offsets = [0], sizes = [1], strides = [1]} : vector<16xi32> to vector<1xi32>
      %squeeze3A = vector.extract %slice3A[0] : i32 from vector<1xi32>
      %mul3A_19 = arith.constant 512 : i32
      %mul3A_20 = arith.muli %scan3A_15, %mul3A_19 : i32
      %gt3A = arith.constant 0 : i32
      %gt3A_21 = arith.cmpi sgt, %squeeze3A, %gt3A : i32
      %convert_element_type3A = arith.extui %gt3A_21 : i1 to i32
      %cond3A = arith.constant 0 : i32
      %cond3A_22 = arith.cmpi ne, %convert_element_type3A, %cond3A : i32
      scf.if %cond3A_22 {
        %add3A_78 = arith.constant 0 : i32
        %add3A_79 = arith.addi %mul3A_20, %add3A_78 : i32
        %dma_start3A = tpu.memref_slice %arg6[%add3A_79] : memref<8192xi32, #tpu.memory_space<vmem>> -> memref<128xi32, #tpu.memory_space<vmem>>
        %dma_start3A_80 = arith.constant 0 : i32
        %dma_start3A_81 = arith.constant 0 : i32
        %dma_start3A_82 = tpu.memref_slice %arg2[%dma_start3A_80, %dma_start3A_81] : memref<5000x128xf32, #tpu.memory_space<hbm>> -> memref<5000x128xf32, #tpu.memory_space<hbm>>
        tpu.enqueue_indirect_dma source(%dma_start3A_82 : memref<5000x128xf32, #tpu.memory_space<hbm>>) target(%arg9 : memref<128x128xf32, #tpu.memory_space<vmem>>) offsets(%dma_start3A : memref<128xi32, #tpu.memory_space<vmem>>) semaphore(%arg13 : memref<!tpu.dma_semaphore, #tpu.memory_space<semaphore_mem>>)
      } else {
      }
      %gt3A_23 = arith.constant 128 : i32
      %gt3A_24 = arith.cmpi sgt, %squeeze3A, %gt3A_23 : i32
      %convert_element_type3A_25 = arith.extui %gt3A_24 : i1 to i32
      %cond3A_26 = arith.constant 0 : i32
      %cond3A_27 = arith.cmpi ne, %convert_element_type3A_25, %cond3A_26 : i32
      scf.if %cond3A_27 {
        %add3A_78 = arith.constant 128 : i32
        %add3A_79 = arith.addi %mul3A_20, %add3A_78 : i32
        %dma_start3A = tpu.memref_slice %arg6[%add3A_79] : memref<8192xi32, #tpu.memory_space<vmem>> -> memref<128xi32, #tpu.memory_space<vmem>>
        %dma_start3A_80 = arith.constant 0 : i32
        %dma_start3A_81 = arith.constant 0 : i32
        %dma_start3A_82 = tpu.memref_slice %arg2[%dma_start3A_80, %dma_start3A_81] : memref<5000x128xf32, #tpu.memory_space<hbm>> -> memref<5000x128xf32, #tpu.memory_space<hbm>>
        tpu.enqueue_indirect_dma source(%dma_start3A_82 : memref<5000x128xf32, #tpu.memory_space<hbm>>) target(%arg10 : memref<128x128xf32, #tpu.memory_space<vmem>>) offsets(%dma_start3A : memref<128xi32, #tpu.memory_space<vmem>>) semaphore(%arg14 : memref<!tpu.dma_semaphore, #tpu.memory_space<semaphore_mem>>)
      } else {
      }
      %gt3A_28 = arith.constant 256 : i32
      %gt3A_29 = arith.cmpi sgt, %squeeze3A, %gt3A_28 : i32
      %convert_element_type3A_30 = arith.extui %gt3A_29 : i1 to i32
      %cond3A_31 = arith.constant 0 : i32
      %cond3A_32 = arith.cmpi ne, %convert_element_type3A_30, %cond3A_31 : i32
      scf.if %cond3A_32 {
        %add3A_78 = arith.constant 256 : i32
        %add3A_79 = arith.addi %mul3A_20, %add3A_78 : i32
        %dma_start3A = tpu.memref_slice %arg6[%add3A_79] : memref<8192xi32, #tpu.memory_space<vmem>> -> memref<128xi32, #tpu.memory_space<vmem>>
        %dma_start3A_80 = arith.constant 0 : i32
        %dma_start3A_81 = arith.constant 0 : i32
        %dma_start3A_82 = tpu.memref_slice %arg2[%dma_start3A_80, %dma_start3A_81] : memref<5000x128xf32, #tpu.memory_space<hbm>> -> memref<5000x128xf32, #tpu.memory_space<hbm>>
        tpu.enqueue_indirect_dma source(%dma_start3A_82 : memref<5000x128xf32, #tpu.memory_space<hbm>>) target(%arg11 : memref<128x128xf32, #tpu.memory_space<vmem>>) offsets(%dma_start3A : memref<128xi32, #tpu.memory_space<vmem>>) semaphore(%arg15 : memref<!tpu.dma_semaphore, #tpu.memory_space<semaphore_mem>>)
      } else {
      }
      %gt3A_33 = arith.constant 384 : i32
      %gt3A_34 = arith.cmpi sgt, %squeeze3A, %gt3A_33 : i32
      %convert_element_type3A_35 = arith.extui %gt3A_34 : i1 to i32
      %cond3A_36 = arith.constant 0 : i32
      %cond3A_37 = arith.cmpi ne, %convert_element_type3A_35, %cond3A_36 : i32
      scf.if %cond3A_37 {
        %add3A_78 = arith.constant 384 : i32
        %add3A_79 = arith.addi %mul3A_20, %add3A_78 : i32
        %dma_start3A = tpu.memref_slice %arg6[%add3A_79] : memref<8192xi32, #tpu.memory_space<vmem>> -> memref<128xi32, #tpu.memory_space<vmem>>
        %dma_start3A_80 = arith.constant 0 : i32
        %dma_start3A_81 = arith.constant 0 : i32
        %dma_start3A_82 = tpu.memref_slice %arg2[%dma_start3A_80, %dma_start3A_81] : memref<5000x128xf32, #tpu.memory_space<hbm>> -> memref<5000x128xf32, #tpu.memory_space<hbm>>
        tpu.enqueue_indirect_dma source(%dma_start3A_82 : memref<5000x128xf32, #tpu.memory_space<hbm>>) target(%arg12 : memref<128x128xf32, #tpu.memory_space<vmem>>) offsets(%dma_start3A : memref<128xi32, #tpu.memory_space<vmem>>) semaphore(%arg16 : memref<!tpu.dma_semaphore, #tpu.memory_space<semaphore_mem>>)
      } else {
      }
      %gt3A_38 = arith.constant 0 : i32
      %gt3A_39 = arith.cmpi sgt, %squeeze3A, %gt3A_38 : i32
      %convert_element_type3A_40 = arith.extui %gt3A_39 : i1 to i32
      %cond3A_41 = arith.constant 0 : i32
      %cond3A_42 = arith.cmpi ne, %convert_element_type3A_40, %cond3A_41 : i32
      scf.if %cond3A_42 {
        %add3A_78 = arith.constant 0 : i32
        %add3A_79 = arith.addi %mul3A_20, %add3A_78 : i32
        %dma_wait3A = tpu.memref_slice %arg6[%add3A_79] : memref<8192xi32, #tpu.memory_space<vmem>> -> memref<128xi32, #tpu.memory_space<vmem>>
        %dma_wait3A_80 = arith.constant 0 : i32
        %dma_wait3A_81 = arith.constant 0 : i32
        %dma_wait3A_82 = tpu.memref_slice %arg2[%dma_wait3A_80, %dma_wait3A_81] : memref<5000x128xf32, #tpu.memory_space<hbm>> -> memref<5000x128xf32, #tpu.memory_space<hbm>>
        tpu.wait_indirect_dma semaphore(%arg13 : memref<!tpu.dma_semaphore, #tpu.memory_space<semaphore_mem>>) src(%dma_wait3A_82 : memref<5000x128xf32, #tpu.memory_space<hbm>>) dst(%arg9 : memref<128x128xf32, #tpu.memory_space<vmem>>)
        %add3A_83 = arith.addi %mul3A_2, %mul3A_20 : i32
        %add3A_84 = arith.constant 0 : i32
        %add3A_85 = arith.addi %add3A_83, %add3A_84 : i32
        %dma_start3A = arith.constant 0 : i32
        %dma_start3A_86 = tpu.memref_slice %arg5[%add3A_85, %dma_start3A] : memref<262144x128xf32, #tpu.memory_space<hbm>> -> memref<128x128xf32, #tpu.memory_space<hbm>>
        %dma_start3A_87 = arith.constant 0 : i32
        %dma_start3A_88 = tpu.memref_slice %arg5[%add3A_85, %dma_start3A_87] : memref<262144x128xf32, #tpu.memory_space<hbm>> -> memref<128x128xf32, #tpu.memory_space<hbm>>
        tpu.enqueue_dma source(%arg9 : memref<128x128xf32, #tpu.memory_space<vmem>>) target(%dma_start3A_88 : memref<128x128xf32, #tpu.memory_space<hbm>>) target_semaphore(%arg17 : memref<!tpu.dma_semaphore, #tpu.memory_space<semaphore_mem>>)
      } else {
      }
      %gt3A_43 = arith.constant 128 : i32
      %gt3A_44 = arith.cmpi sgt, %squeeze3A, %gt3A_43 : i32
      %convert_element_type3A_45 = arith.extui %gt3A_44 : i1 to i32
      %cond3A_46 = arith.constant 0 : i32
      %cond3A_47 = arith.cmpi ne, %convert_element_type3A_45, %cond3A_46 : i32
      scf.if %cond3A_47 {
        %add3A_78 = arith.constant 128 : i32
        %add3A_79 = arith.addi %mul3A_20, %add3A_78 : i32
        %dma_wait3A = tpu.memref_slice %arg6[%add3A_79] : memref<8192xi32, #tpu.memory_space<vmem>> -> memref<128xi32, #tpu.memory_space<vmem>>
        %dma_wait3A_80 = arith.constant 0 : i32
        %dma_wait3A_81 = arith.constant 0 : i32
        %dma_wait3A_82 = tpu.memref_slice %arg2[%dma_wait3A_80, %dma_wait3A_81] : memref<5000x128xf32, #tpu.memory_space<hbm>> -> memref<5000x128xf32, #tpu.memory_space<hbm>>
        tpu.wait_indirect_dma semaphore(%arg14 : memref<!tpu.dma_semaphore, #tpu.memory_space<semaphore_mem>>) src(%dma_wait3A_82 : memref<5000x128xf32, #tpu.memory_space<hbm>>) dst(%arg10 : memref<128x128xf32, #tpu.memory_space<vmem>>)
        %add3A_83 = arith.addi %mul3A_2, %mul3A_20 : i32
        %add3A_84 = arith.constant 128 : i32
        %add3A_85 = arith.addi %add3A_83, %add3A_84 : i32
        %dma_start3A = arith.constant 0 : i32
        %dma_start3A_86 = tpu.memref_slice %arg5[%add3A_85, %dma_start3A] : memref<262144x128xf32, #tpu.memory_space<hbm>> -> memref<128x128xf32, #tpu.memory_space<hbm>>
        %dma_start3A_87 = arith.constant 0 : i32
        %dma_start3A_88 = tpu.memref_slice %arg5[%add3A_85, %dma_start3A_87] : memref<262144x128xf32, #tpu.memory_space<hbm>> -> memref<128x128xf32, #tpu.memory_space<hbm>>
        tpu.enqueue_dma source(%arg10 : memref<128x128xf32, #tpu.memory_space<vmem>>) target(%dma_start3A_88 : memref<128x128xf32, #tpu.memory_space<hbm>>) target_semaphore(%arg18 : memref<!tpu.dma_semaphore, #tpu.memory_space<semaphore_mem>>)
      } else {
      }
      %gt3A_48 = arith.constant 256 : i32
      %gt3A_49 = arith.cmpi sgt, %squeeze3A, %gt3A_48 : i32
      %convert_element_type3A_50 = arith.extui %gt3A_49 : i1 to i32
      %cond3A_51 = arith.constant 0 : i32
      %cond3A_52 = arith.cmpi ne, %convert_element_type3A_50, %cond3A_51 : i32
      scf.if %cond3A_52 {
        %add3A_78 = arith.constant 256 : i32
        %add3A_79 = arith.addi %mul3A_20, %add3A_78 : i32
        %dma_wait3A = tpu.memref_slice %arg6[%add3A_79] : memref<8192xi32, #tpu.memory_space<vmem>> -> memref<128xi32, #tpu.memory_space<vmem>>
        %dma_wait3A_80 = arith.constant 0 : i32
        %dma_wait3A_81 = arith.constant 0 : i32
        %dma_wait3A_82 = tpu.memref_slice %arg2[%dma_wait3A_80, %dma_wait3A_81] : memref<5000x128xf32, #tpu.memory_space<hbm>> -> memref<5000x128xf32, #tpu.memory_space<hbm>>
        tpu.wait_indirect_dma semaphore(%arg15 : memref<!tpu.dma_semaphore, #tpu.memory_space<semaphore_mem>>) src(%dma_wait3A_82 : memref<5000x128xf32, #tpu.memory_space<hbm>>) dst(%arg11 : memref<128x128xf32, #tpu.memory_space<vmem>>)
        %add3A_83 = arith.addi %mul3A_2, %mul3A_20 : i32
        %add3A_84 = arith.constant 256 : i32
        %add3A_85 = arith.addi %add3A_83, %add3A_84 : i32
        %dma_start3A = arith.constant 0 : i32
        %dma_start3A_86 = tpu.memref_slice %arg5[%add3A_85, %dma_start3A] : memref<262144x128xf32, #tpu.memory_space<hbm>> -> memref<128x128xf32, #tpu.memory_space<hbm>>
        %dma_start3A_87 = arith.constant 0 : i32
        %dma_start3A_88 = tpu.memref_slice %arg5[%add3A_85, %dma_start3A_87] : memref<262144x128xf32, #tpu.memory_space<hbm>> -> memref<128x128xf32, #tpu.memory_space<hbm>>
        tpu.enqueue_dma source(%arg11 : memref<128x128xf32, #tpu.memory_space<vmem>>) target(%dma_start3A_88 : memref<128x128xf32, #tpu.memory_space<hbm>>) target_semaphore(%arg19 : memref<!tpu.dma_semaphore, #tpu.memory_space<semaphore_mem>>)
      } else {
      }
      %gt3A_53 = arith.constant 384 : i32
      %gt3A_54 = arith.cmpi sgt, %squeeze3A, %gt3A_53 : i32
      %convert_element_type3A_55 = arith.extui %gt3A_54 : i1 to i32
      %cond3A_56 = arith.constant 0 : i32
      %cond3A_57 = arith.cmpi ne, %convert_element_type3A_55, %cond3A_56 : i32
      scf.if %cond3A_57 {
        %add3A_78 = arith.constant 384 : i32
        %add3A_79 = arith.addi %mul3A_20, %add3A_78 : i32
        %dma_wait3A = tpu.memref_slice %arg6[%add3A_79] : memref<8192xi32, #tpu.memory_space<vmem>> -> memref<128xi32, #tpu.memory_space<vmem>>
        %dma_wait3A_80 = arith.constant 0 : i32
        %dma_wait3A_81 = arith.constant 0 : i32
        %dma_wait3A_82 = tpu.memref_slice %arg2[%dma_wait3A_80, %dma_wait3A_81] : memref<5000x128xf32, #tpu.memory_space<hbm>> -> memref<5000x128xf32, #tpu.memory_space<hbm>>
        tpu.wait_indirect_dma semaphore(%arg16 : memref<!tpu.dma_semaphore, #tpu.memory_space<semaphore_mem>>) src(%dma_wait3A_82 : memref<5000x128xf32, #tpu.memory_space<hbm>>) dst(%arg12 : memref<128x128xf32, #tpu.memory_space<vmem>>)
        %add3A_83 = arith.addi %mul3A_2, %mul3A_20 : i32
        %add3A_84 = arith.constant 384 : i32
        %add3A_85 = arith.addi %add3A_83, %add3A_84 : i32
        %dma_start3A = arith.constant 0 : i32
        %dma_start3A_86 = tpu.memref_slice %arg5[%add3A_85, %dma_start3A] : memref<262144x128xf32, #tpu.memory_space<hbm>> -> memref<128x128xf32, #tpu.memory_space<hbm>>
        %dma_start3A_87 = arith.constant 0 : i32
        %dma_start3A_88 = tpu.memref_slice %arg5[%add3A_85, %dma_start3A_87] : memref<262144x128xf32, #tpu.memory_space<hbm>> -> memref<128x128xf32, #tpu.memory_space<hbm>>
        tpu.enqueue_dma source(%arg12 : memref<128x128xf32, #tpu.memory_space<vmem>>) target(%dma_start3A_88 : memref<128x128xf32, #tpu.memory_space<hbm>>) target_semaphore(%arg20 : memref<!tpu.dma_semaphore, #tpu.memory_space<semaphore_mem>>)
      } else {
      }
      %gt3A_58 = arith.constant 0 : i32
      %gt3A_59 = arith.cmpi sgt, %squeeze3A, %gt3A_58 : i32
      %convert_element_type3A_60 = arith.extui %gt3A_59 : i1 to i32
      %cond3A_61 = arith.constant 0 : i32
      %cond3A_62 = arith.cmpi ne, %convert_element_type3A_60, %cond3A_61 : i32
      scf.if %cond3A_62 {
        %add3A_78 = arith.addi %mul3A_2, %mul3A_20 : i32
        %add3A_79 = arith.constant 0 : i32
        %add3A_80 = arith.addi %add3A_78, %add3A_79 : i32
        %dma_wait3A = arith.constant 0 : i32
        %dma_wait3A_81 = tpu.memref_slice %arg5[%add3A_80, %dma_wait3A] : memref<262144x128xf32, #tpu.memory_space<hbm>> -> memref<128x128xf32, #tpu.memory_space<hbm>>
        %dma_wait3A_82 = arith.constant 0 : i32
        %dma_wait3A_83 = tpu.memref_slice %arg5[%add3A_80, %dma_wait3A_82] : memref<262144x128xf32, #tpu.memory_space<hbm>> -> memref<128x128xf32, #tpu.memory_space<hbm>>
        tpu.wait_dma2 semaphore(%arg17 : memref<!tpu.dma_semaphore, #tpu.memory_space<semaphore_mem>>) src(%arg9 : memref<128x128xf32, #tpu.memory_space<vmem>>) dst(%dma_wait3A_83 : memref<128x128xf32, #tpu.memory_space<hbm>>)
      } else {
      }
      %gt3A_63 = arith.constant 128 : i32
      %gt3A_64 = arith.cmpi sgt, %squeeze3A, %gt3A_63 : i32
      %convert_element_type3A_65 = arith.extui %gt3A_64 : i1 to i32
      %cond3A_66 = arith.constant 0 : i32
      %cond3A_67 = arith.cmpi ne, %convert_element_type3A_65, %cond3A_66 : i32
      scf.if %cond3A_67 {
        %add3A_78 = arith.addi %mul3A_2, %mul3A_20 : i32
        %add3A_79 = arith.constant 128 : i32
        %add3A_80 = arith.addi %add3A_78, %add3A_79 : i32
        %dma_wait3A = arith.constant 0 : i32
        %dma_wait3A_81 = tpu.memref_slice %arg5[%add3A_80, %dma_wait3A] : memref<262144x128xf32, #tpu.memory_space<hbm>> -> memref<128x128xf32, #tpu.memory_space<hbm>>
        %dma_wait3A_82 = arith.constant 0 : i32
        %dma_wait3A_83 = tpu.memref_slice %arg5[%add3A_80, %dma_wait3A_82] : memref<262144x128xf32, #tpu.memory_space<hbm>> -> memref<128x128xf32, #tpu.memory_space<hbm>>
        tpu.wait_dma2 semaphore(%arg18 : memref<!tpu.dma_semaphore, #tpu.memory_space<semaphore_mem>>) src(%arg10 : memref<128x128xf32, #tpu.memory_space<vmem>>) dst(%dma_wait3A_83 : memref<128x128xf32, #tpu.memory_space<hbm>>)
      } else {
      }
      %gt3A_68 = arith.constant 256 : i32
      %gt3A_69 = arith.cmpi sgt, %squeeze3A, %gt3A_68 : i32
      %convert_element_type3A_70 = arith.extui %gt3A_69 : i1 to i32
      %cond3A_71 = arith.constant 0 : i32
      %cond3A_72 = arith.cmpi ne, %convert_element_type3A_70, %cond3A_71 : i32
      scf.if %cond3A_72 {
        %add3A_78 = arith.addi %mul3A_2, %mul3A_20 : i32
        %add3A_79 = arith.constant 256 : i32
        %add3A_80 = arith.addi %add3A_78, %add3A_79 : i32
        %dma_wait3A = arith.constant 0 : i32
        %dma_wait3A_81 = tpu.memref_slice %arg5[%add3A_80, %dma_wait3A] : memref<262144x128xf32, #tpu.memory_space<hbm>> -> memref<128x128xf32, #tpu.memory_space<hbm>>
        %dma_wait3A_82 = arith.constant 0 : i32
        %dma_wait3A_83 = tpu.memref_slice %arg5[%add3A_80, %dma_wait3A_82] : memref<262144x128xf32, #tpu.memory_space<hbm>> -> memref<128x128xf32, #tpu.memory_space<hbm>>
        tpu.wait_dma2 semaphore(%arg19 : memref<!tpu.dma_semaphore, #tpu.memory_space<semaphore_mem>>) src(%arg11 : memref<128x128xf32, #tpu.memory_space<vmem>>) dst(%dma_wait3A_83 : memref<128x128xf32, #tpu.memory_space<hbm>>)
      } else {
      }
      %gt3A_73 = arith.constant 384 : i32
      %gt3A_74 = arith.cmpi sgt, %squeeze3A, %gt3A_73 : i32
      %convert_element_type3A_75 = arith.extui %gt3A_74 : i1 to i32
      %cond3A_76 = arith.constant 0 : i32
      %cond3A_77 = arith.cmpi ne, %convert_element_type3A_75, %cond3A_76 : i32
      scf.if %cond3A_77 {
        %add3A_78 = arith.addi %mul3A_2, %mul3A_20 : i32
        %add3A_79 = arith.constant 384 : i32
        %add3A_80 = arith.addi %add3A_78, %add3A_79 : i32
        %dma_wait3A = arith.constant 0 : i32
        %dma_wait3A_81 = tpu.memref_slice %arg5[%add3A_80, %dma_wait3A] : memref<262144x128xf32, #tpu.memory_space<hbm>> -> memref<128x128xf32, #tpu.memory_space<hbm>>
        %dma_wait3A_82 = arith.constant 0 : i32
        %dma_wait3A_83 = tpu.memref_slice %arg5[%add3A_80, %dma_wait3A_82] : memref<262144x128xf32, #tpu.memory_space<hbm>> -> memref<128x128xf32, #tpu.memory_space<hbm>>
        tpu.wait_dma2 semaphore(%arg20 : memref<!tpu.dma_semaphore, #tpu.memory_space<semaphore_mem>>) src(%arg12 : memref<128x128xf32, #tpu.memory_space<vmem>>) dst(%dma_wait3A_83 : memref<128x128xf32, #tpu.memory_space<hbm>>)
      } else {
      }
    }
    %scan3A_14 = arith.constant 16 : i32
    return
  }
}

#map = affine_map<(d0, d1) -> (0)>
module attributes {stable_mosaic.version = 14 : i64} {
  func.func @_edge_build_body(%arg0: i32, %arg1: i32, %arg2: memref<6144xf32, #tpu.memory_space<hbm>>, %arg3: memref<6144xf32, #tpu.memory_space<hbm>>, %arg4: memref<5120xf32, #tpu.memory_space<hbm>>, %arg5: memref<5120xf32, #tpu.memory_space<hbm>>, %arg6: memref<8192xi32, #tpu.memory_space<hbm>>, %arg7: memref<8192xi32, #tpu.memory_space<hbm>>, %arg8: memref<8192xf32, #tpu.memory_space<hbm>>, %arg9: memref<262144xi32, #tpu.memory_space<hbm>>, %arg10: memref<262144xi32, #tpu.memory_space<hbm>>, %arg11: memref<262144xf32, #tpu.memory_space<hbm>>, %arg12: memref<262144xf32, #tpu.memory_space<hbm>>, %arg13: memref<512xi32, #tpu.memory_space<hbm>>, %arg14: memref<208xf32, #tpu.memory_space<vmem>>, %arg15: memref<208xf32, #tpu.memory_space<vmem>>, %arg16: memref<5120xf32, #tpu.memory_space<vmem>>, %arg17: memref<5120xf32, #tpu.memory_space<vmem>>, %arg18: memref<8192xi32, #tpu.memory_space<vmem>>, %arg19: memref<8192xi32, #tpu.memory_space<vmem>>, %arg20: memref<8192xf32, #tpu.memory_space<vmem>>, %arg21: memref<8192xf32, #tpu.memory_space<vmem>>, %arg22: memref<16xi32, #tpu.memory_space<vmem>>) attributes {dimension_semantics = [#tpu.dimension_semantics<core_parallel>, #tpu.dimension_semantics<subcore_parallel>], iteration_bounds = array<i64: 2, 16>, scalar_prefetch = 0 : i64, scratch_operands = 9 : i64, tpu.core_type = #tpu.core_type<sc_vector_subcore>, window_params = [{transform_indices = #map}, {transform_indices = #map}, {transform_indices = #map}, {transform_indices = #map}, {transform_indices = #map}, {transform_indices = #map}, {transform_indices = #map}, {transform_indices = #map}, {transform_indices = #map}, {transform_indices = #map}, {transform_indices = #map}, {transform_indices = #map}]} {
    %mul3A = arith.constant 2 : i32
    %mul3A_0 = arith.muli %arg1, %mul3A : i32
    %add3A = arith.addi %mul3A_0, %arg0 : i32
    %mul3A_1 = arith.constant 192 : i32
    %mul3A_2 = arith.muli %add3A, %mul3A_1 : i32
    "tpu.region"() ({
      %run_scoped3A = tpu.sem_alloc : memref<!tpu.dma_semaphore, #tpu.memory_space<semaphore_mem>>
      %dma_start3A = arith.constant 0 : i32
      %dma_start3A_20 = tpu.memref_slice %arg14[%dma_start3A] : memref<208xf32, #tpu.memory_space<vmem>> -> memref<192xf32, #tpu.memory_space<vmem>>
      %dma_start3A_21 = tpu.memref_slice %arg2[%mul3A_2] : memref<6144xf32, #tpu.memory_space<hbm>> -> memref<192xf32, #tpu.memory_space<hbm>>
      %dma_start3A_22 = arith.constant 0 : i32
      %dma_start3A_23 = tpu.memref_slice %arg14[%dma_start3A_22] : memref<208xf32, #tpu.memory_space<vmem>> -> memref<192xf32, #tpu.memory_space<vmem>>
      %dma_start3A_24 = tpu.memref_slice %arg2[%mul3A_2] : memref<6144xf32, #tpu.memory_space<hbm>> -> memref<192xf32, #tpu.memory_space<hbm>>
      tpu.enqueue_dma source(%dma_start3A_24 : memref<192xf32, #tpu.memory_space<hbm>>) target(%dma_start3A_23 : memref<192xf32, #tpu.memory_space<vmem>>) target_semaphore(%run_scoped3A : memref<!tpu.dma_semaphore, #tpu.memory_space<semaphore_mem>>)
      %dma_wait3A = arith.constant 0 : i32
      %dma_wait3A_25 = tpu.memref_slice %arg14[%dma_wait3A] : memref<208xf32, #tpu.memory_space<vmem>> -> memref<192xf32, #tpu.memory_space<vmem>>
      %dma_wait3A_26 = tpu.memref_slice %arg2[%mul3A_2] : memref<6144xf32, #tpu.memory_space<hbm>> -> memref<192xf32, #tpu.memory_space<hbm>>
      %dma_wait3A_27 = arith.constant 0 : i32
      %dma_wait3A_28 = tpu.memref_slice %arg14[%dma_wait3A_27] : memref<208xf32, #tpu.memory_space<vmem>> -> memref<192xf32, #tpu.memory_space<vmem>>
      %dma_wait3A_29 = tpu.memref_slice %arg2[%mul3A_2] : memref<6144xf32, #tpu.memory_space<hbm>> -> memref<192xf32, #tpu.memory_space<hbm>>
      tpu.wait_dma2 semaphore(%run_scoped3A : memref<!tpu.dma_semaphore, #tpu.memory_space<semaphore_mem>>) src(%dma_wait3A_29 : memref<192xf32, #tpu.memory_space<hbm>>) dst(%dma_wait3A_28 : memref<192xf32, #tpu.memory_space<vmem>>)
      tpu.yield
    }) : () -> ()
    "tpu.region"() ({
      %run_scoped3A = tpu.sem_alloc : memref<!tpu.dma_semaphore, #tpu.memory_space<semaphore_mem>>
      %dma_start3A = arith.constant 0 : i32
      %dma_start3A_20 = tpu.memref_slice %arg15[%dma_start3A] : memref<208xf32, #tpu.memory_space<vmem>> -> memref<192xf32, #tpu.memory_space<vmem>>
      %dma_start3A_21 = tpu.memref_slice %arg3[%mul3A_2] : memref<6144xf32, #tpu.memory_space<hbm>> -> memref<192xf32, #tpu.memory_space<hbm>>
      %dma_start3A_22 = arith.constant 0 : i32
      %dma_start3A_23 = tpu.memref_slice %arg15[%dma_start3A_22] : memref<208xf32, #tpu.memory_space<vmem>> -> memref<192xf32, #tpu.memory_space<vmem>>
      %dma_start3A_24 = tpu.memref_slice %arg3[%mul3A_2] : memref<6144xf32, #tpu.memory_space<hbm>> -> memref<192xf32, #tpu.memory_space<hbm>>
      tpu.enqueue_dma source(%dma_start3A_24 : memref<192xf32, #tpu.memory_space<hbm>>) target(%dma_start3A_23 : memref<192xf32, #tpu.memory_space<vmem>>) target_semaphore(%run_scoped3A : memref<!tpu.dma_semaphore, #tpu.memory_space<semaphore_mem>>)
      %dma_wait3A = arith.constant 0 : i32
      %dma_wait3A_25 = tpu.memref_slice %arg15[%dma_wait3A] : memref<208xf32, #tpu.memory_space<vmem>> -> memref<192xf32, #tpu.memory_space<vmem>>
      %dma_wait3A_26 = tpu.memref_slice %arg3[%mul3A_2] : memref<6144xf32, #tpu.memory_space<hbm>> -> memref<192xf32, #tpu.memory_space<hbm>>
      %dma_wait3A_27 = arith.constant 0 : i32
      %dma_wait3A_28 = tpu.memref_slice %arg15[%dma_wait3A_27] : memref<208xf32, #tpu.memory_space<vmem>> -> memref<192xf32, #tpu.memory_space<vmem>>
      %dma_wait3A_29 = tpu.memref_slice %arg3[%mul3A_2] : memref<6144xf32, #tpu.memory_space<hbm>> -> memref<192xf32, #tpu.memory_space<hbm>>
      tpu.wait_dma2 semaphore(%run_scoped3A : memref<!tpu.dma_semaphore, #tpu.memory_space<semaphore_mem>>) src(%dma_wait3A_29 : memref<192xf32, #tpu.memory_space<hbm>>) dst(%dma_wait3A_28 : memref<192xf32, #tpu.memory_space<vmem>>)
      tpu.yield
    }) : () -> ()
    "tpu.region"() ({
      %run_scoped3A = tpu.sem_alloc : memref<!tpu.dma_semaphore, #tpu.memory_space<semaphore_mem>>
      tpu.enqueue_dma source(%arg4 : memref<5120xf32, #tpu.memory_space<hbm>>) target(%arg16 : memref<5120xf32, #tpu.memory_space<vmem>>) target_semaphore(%run_scoped3A : memref<!tpu.dma_semaphore, #tpu.memory_space<semaphore_mem>>)
      tpu.wait_dma2 semaphore(%run_scoped3A : memref<!tpu.dma_semaphore, #tpu.memory_space<semaphore_mem>>) src(%arg4 : memref<5120xf32, #tpu.memory_space<hbm>>) dst(%arg16 : memref<5120xf32, #tpu.memory_space<vmem>>)
      tpu.yield
    }) : () -> ()
    "tpu.region"() ({
      %run_scoped3A = tpu.sem_alloc : memref<!tpu.dma_semaphore, #tpu.memory_space<semaphore_mem>>
      tpu.enqueue_dma source(%arg5 : memref<5120xf32, #tpu.memory_space<hbm>>) target(%arg17 : memref<5120xf32, #tpu.memory_space<vmem>>) target_semaphore(%run_scoped3A : memref<!tpu.dma_semaphore, #tpu.memory_space<semaphore_mem>>)
      tpu.wait_dma2 semaphore(%run_scoped3A : memref<!tpu.dma_semaphore, #tpu.memory_space<semaphore_mem>>) src(%arg5 : memref<5120xf32, #tpu.memory_space<hbm>>) dst(%arg17 : memref<5120xf32, #tpu.memory_space<vmem>>)
      tpu.yield
    }) : () -> ()
    "tpu.region"() ({
      %run_scoped3A = tpu.sem_alloc : memref<!tpu.dma_semaphore, #tpu.memory_space<semaphore_mem>>
      tpu.enqueue_dma source(%arg6 : memref<8192xi32, #tpu.memory_space<hbm>>) target(%arg18 : memref<8192xi32, #tpu.memory_space<vmem>>) target_semaphore(%run_scoped3A : memref<!tpu.dma_semaphore, #tpu.memory_space<semaphore_mem>>)
      tpu.wait_dma2 semaphore(%run_scoped3A : memref<!tpu.dma_semaphore, #tpu.memory_space<semaphore_mem>>) src(%arg6 : memref<8192xi32, #tpu.memory_space<hbm>>) dst(%arg18 : memref<8192xi32, #tpu.memory_space<vmem>>)
      tpu.yield
    }) : () -> ()
    "tpu.region"() ({
      %run_scoped3A = tpu.sem_alloc : memref<!tpu.dma_semaphore, #tpu.memory_space<semaphore_mem>>
      tpu.enqueue_dma source(%arg7 : memref<8192xi32, #tpu.memory_space<hbm>>) target(%arg19 : memref<8192xi32, #tpu.memory_space<vmem>>) target_semaphore(%run_scoped3A : memref<!tpu.dma_semaphore, #tpu.memory_space<semaphore_mem>>)
      tpu.wait_dma2 semaphore(%run_scoped3A : memref<!tpu.dma_semaphore, #tpu.memory_space<semaphore_mem>>) src(%arg7 : memref<8192xi32, #tpu.memory_space<hbm>>) dst(%arg19 : memref<8192xi32, #tpu.memory_space<vmem>>)
      tpu.yield
    }) : () -> ()
    "tpu.region"() ({
      %run_scoped3A = tpu.sem_alloc : memref<!tpu.dma_semaphore, #tpu.memory_space<semaphore_mem>>
      tpu.enqueue_dma source(%arg8 : memref<8192xf32, #tpu.memory_space<hbm>>) target(%arg20 : memref<8192xf32, #tpu.memory_space<vmem>>) target_semaphore(%run_scoped3A : memref<!tpu.dma_semaphore, #tpu.memory_space<semaphore_mem>>)
      tpu.wait_dma2 semaphore(%run_scoped3A : memref<!tpu.dma_semaphore, #tpu.memory_space<semaphore_mem>>) src(%arg8 : memref<8192xf32, #tpu.memory_space<hbm>>) dst(%arg20 : memref<8192xf32, #tpu.memory_space<vmem>>)
      tpu.yield
    }) : () -> ()
    "tpu.region"() ({
      %run_scoped3A = tpu.sem_alloc : memref<!tpu.dma_semaphore, #tpu.memory_space<semaphore_mem>>
      tpu.enqueue_dma source(%arg8 : memref<8192xf32, #tpu.memory_space<hbm>>) target(%arg21 : memref<8192xf32, #tpu.memory_space<vmem>>) target_semaphore(%run_scoped3A : memref<!tpu.dma_semaphore, #tpu.memory_space<semaphore_mem>>)
      tpu.wait_dma2 semaphore(%run_scoped3A : memref<!tpu.dma_semaphore, #tpu.memory_space<semaphore_mem>>) src(%arg8 : memref<8192xf32, #tpu.memory_space<hbm>>) dst(%arg21 : memref<8192xf32, #tpu.memory_space<vmem>>)
      tpu.yield
    }) : () -> ()
    %iota3A = tpu.iota {dimensions = array<i32: 0>} : vector<16xi32>
    %mul3A_3 = arith.constant 512 : i32
    %mul3A_4 = vector.broadcast %mul3A_3 : i32 to vector<16xi32>
    %mul3A_5 = arith.muli %iota3A, %mul3A_4 : vector<16xi32>
    %broadcast_in_dim3A = arith.constant 0 : i32
    %broadcast_in_dim3A_6 = vector.broadcast %broadcast_in_dim3A : i32 to vector<16xi32>
    %scan3A = arith.constant 2.250000e-02 : f32
    %scan3A_7 = arith.constant 0 : i32
    %scan3A_8 = arith.constant 192 : i32
    %scan3A_9 = arith.addi %scan3A_7, %scan3A_8 : i32
    %scan3A_10 = arith.constant 1 : i32
    %scan3A_11 = scf.for %scan3A_20 = %scan3A_7 to %scan3A_9 step %scan3A_10 iter_args(%scan3A_21 = %broadcast_in_dim3A_6) -> (vector<16xi32>)  : i32 {
      %add3A_22 = arith.addi %mul3A_2, %scan3A_20 : i32
      %get3A = arith.index_cast %scan3A_20 : i32 to index
      %get3A_23 = tpu.vector_load %arg14[%get3A] {strides = array<i32>} : memref<208xf32, #tpu.memory_space<vmem>>, vector<16xf32>,
      %slice3A = vector.extract_strided_slice %get3A_23 {offsets = [0], sizes = [1], strides = [1]} : vector<16xf32> to vector<1xf32>
      %squeeze3A = vector.extract %slice3A[0] : f32 from vector<1xf32>
      %get3A_24 = arith.index_cast %scan3A_20 : i32 to index
      %get3A_25 = tpu.vector_load %arg15[%get3A_24] {strides = array<i32>} : memref<208xf32, #tpu.memory_space<vmem>>, vector<16xf32>,
      %slice3A_26 = vector.extract_strided_slice %get3A_25 {offsets = [0], sizes = [1], strides = [1]} : vector<16xf32> to vector<1xf32>
      %squeeze3A_27 = vector.extract %slice3A_26[0] : f32 from vector<1xf32>
      %broadcast_in_dim3A_28 = vector.broadcast %add3A_22 : i32 to vector<16xi32>
      %lt3A = arith.constant 6000 : i32
      %lt3A_29 = arith.cmpi slt, %add3A_22, %lt3A : i32
      %scan3A_30 = arith.constant 0 : i32
      %scan3A_31 = arith.constant 320 : i32
      %scan3A_32 = arith.addi %scan3A_30, %scan3A_31 : i32
      %scan3A_33 = arith.constant 1 : i32
      %scan3A_34 = scf.for %scan3A_36 = %scan3A_30 to %scan3A_32 step %scan3A_33 iter_args(%scan3A_37 = %scan3A_21) -> (vector<16xi32>)  : i32 {
        %mul3A_38 = arith.constant 16 : i32
        %mul3A_39 = arith.muli %scan3A_36, %mul3A_38 : i32
        %get3A_40 = arith.index_cast %mul3A_39 : i32 to index
        %get3A_41 = tpu.vector_load %arg16[%get3A_40] {strides = array<i32>} : memref<5120xf32, #tpu.memory_space<vmem>>, vector<16xf32>,
        %mul3A_42 = arith.constant 16 : i32
        %mul3A_43 = arith.muli %scan3A_36, %mul3A_42 : i32
        %get3A_44 = arith.index_cast %mul3A_43 : i32 to index
        %get3A_45 = tpu.vector_load %arg17[%get3A_44] {strides = array<i32>} : memref<5120xf32, #tpu.memory_space<vmem>>, vector<16xf32>,
        %sub3A = vector.broadcast %squeeze3A : f32 to vector<16xf32>
        %sub3A_46 = arith.subf %sub3A, %get3A_41 : vector<16xf32>
        %sub3A_47 = vector.broadcast %squeeze3A_27 : f32 to vector<16xf32>
        %sub3A_48 = arith.subf %sub3A_47, %get3A_45 : vector<16xf32>
        %mul3A_49 = arith.mulf %sub3A_46, %sub3A_46 : vector<16xf32>
        %mul3A_50 = arith.mulf %sub3A_48, %sub3A_48 : vector<16xf32>
        %add3A_51 = arith.addf %mul3A_49, %mul3A_50 : vector<16xf32>
        %le3A = vector.broadcast %scan3A : f32 to vector<16xf32>
        %le3A_52 = arith.cmpf ole, %add3A_51, %le3A : vector<16xf32>
        %and3A = vector.broadcast %lt3A_29 : i1 to vector<16xi1>
        %and3A_53 = arith.andi %le3A_52, %and3A : vector<16xi1>
        %min3A_54 = arith.constant 511 : i32
        %min3A_55 = vector.broadcast %min3A_54 : i32 to vector<16xi32>
        %min3A_56 = arith.minsi %scan3A_37, %min3A_55 : vector<16xi32>
        %add3A_57 = arith.addi %mul3A_5, %min3A_56 : vector<16xi32>
        %mul3A_58 = arith.constant 16 : i32
        %mul3A_59 = arith.muli %scan3A_36, %mul3A_58 : i32
        %add3A_60 = vector.broadcast %mul3A_59 : i32 to vector<16xi32>
        %add3A_61 = arith.addi %iota3A, %add3A_60 : vector<16xi32>
        tpu.vector_store_idx %arg18[%add3A_57], %broadcast_in_dim3A_28 masked %and3A_53 : memref<8192xi32, #tpu.memory_space<vmem>>[vector<16xi32>], vector<16xi32>, vector<16xi1>
        tpu.vector_store_idx %arg19[%add3A_57], %add3A_61 masked %and3A_53 : memref<8192xi32, #tpu.memory_space<vmem>>[vector<16xi32>], vector<16xi32>, vector<16xi1>
        tpu.vector_store_idx %arg20[%add3A_57], %sub3A_46 masked %and3A_53 : memref<8192xf32, #tpu.memory_space<vmem>>[vector<16xi32>], vector<16xf32>, vector<16xi1>
        tpu.vector_store_idx %arg21[%add3A_57], %sub3A_48 masked %and3A_53 : memref<8192xf32, #tpu.memory_space<vmem>>[vector<16xi32>], vector<16xf32>, vector<16xi1>
        %jit3A = arith.constant 1 : i32
        %jit3A_62 = arith.constant 0 : i32
        %broadcast_in_dim3A_63 = vector.broadcast %jit3A : i32 to vector<16xi32>
        %broadcast_in_dim3A_64 = vector.broadcast %jit3A_62 : i32 to vector<16xi32>
        %select_n3A = arith.select %and3A_53, %broadcast_in_dim3A_63, %broadcast_in_dim3A_64 : vector<16xi1>, vector<16xi32>
        %add3A_65 = arith.addi %scan3A_37, %select_n3A : vector<16xi32>
        scf.yield %add3A_65 : vector<16xi32>
      }
      %scan3A_35 = arith.constant 320 : i32
      scf.yield %scan3A_34 : vector<16xi32>
    }
    %scan3A_12 = arith.constant 192 : i32
    %min3A = arith.constant 512 : i32
    %min3A_13 = vector.broadcast %min3A : i32 to vector<16xi32>
    %min3A_14 = arith.minsi %scan3A_11, %min3A_13 : vector<16xi32>
    %swap3A = arith.constant 0 : index
    %swap3A_15 = tpu.vector_load %arg22[%swap3A] {strides = array<i32>} : memref<16xi32, #tpu.memory_space<vmem>>, vector<16xi32>,
    tpu.vector_store %arg22[%swap3A], %min3A_14 {strides = array<i32>} : memref<16xi32, #tpu.memory_space<vmem>>, vector<16xi32>,
    %mul3A_16 = arith.constant 8192 : i32
    %mul3A_17 = arith.muli %add3A, %mul3A_16 : i32
    "tpu.region"() ({
      %run_scoped3A = tpu.sem_alloc : memref<!tpu.dma_semaphore, #tpu.memory_space<semaphore_mem>>
      %dma_start3A = tpu.memref_slice %arg9[%mul3A_17] : memref<262144xi32, #tpu.memory_space<hbm>> -> memref<8192xi32, #tpu.memory_space<hbm>>
      %dma_start3A_20 = tpu.memref_slice %arg9[%mul3A_17] : memref<262144xi32, #tpu.memory_space<hbm>> -> memref<8192xi32, #tpu.memory_space<hbm>>
      tpu.enqueue_dma source(%arg18 : memref<8192xi32, #tpu.memory_space<vmem>>) target(%dma_start3A_20 : memref<8192xi32, #tpu.memory_space<hbm>>) target_semaphore(%run_scoped3A : memref<!tpu.dma_semaphore, #tpu.memory_space<semaphore_mem>>)
      %dma_wait3A = tpu.memref_slice %arg9[%mul3A_17] : memref<262144xi32, #tpu.memory_space<hbm>> -> memref<8192xi32, #tpu.memory_space<hbm>>
      %dma_wait3A_21 = tpu.memref_slice %arg9[%mul3A_17] : memref<262144xi32, #tpu.memory_space<hbm>> -> memref<8192xi32, #tpu.memory_space<hbm>>
      tpu.wait_dma2 semaphore(%run_scoped3A : memref<!tpu.dma_semaphore, #tpu.memory_space<semaphore_mem>>) src(%arg18 : memref<8192xi32, #tpu.memory_space<vmem>>) dst(%dma_wait3A_21 : memref<8192xi32, #tpu.memory_space<hbm>>)
      tpu.yield
    }) : () -> ()
    "tpu.region"() ({
      %run_scoped3A = tpu.sem_alloc : memref<!tpu.dma_semaphore, #tpu.memory_space<semaphore_mem>>
      %dma_start3A = tpu.memref_slice %arg10[%mul3A_17] : memref<262144xi32, #tpu.memory_space<hbm>> -> memref<8192xi32, #tpu.memory_space<hbm>>
      %dma_start3A_20 = tpu.memref_slice %arg10[%mul3A_17] : memref<262144xi32, #tpu.memory_space<hbm>> -> memref<8192xi32, #tpu.memory_space<hbm>>
      tpu.enqueue_dma source(%arg19 : memref<8192xi32, #tpu.memory_space<vmem>>) target(%dma_start3A_20 : memref<8192xi32, #tpu.memory_space<hbm>>) target_semaphore(%run_scoped3A : memref<!tpu.dma_semaphore, #tpu.memory_space<semaphore_mem>>)
      %dma_wait3A = tpu.memref_slice %arg10[%mul3A_17] : memref<262144xi32, #tpu.memory_space<hbm>> -> memref<8192xi32, #tpu.memory_space<hbm>>
      %dma_wait3A_21 = tpu.memref_slice %arg10[%mul3A_17] : memref<262144xi32, #tpu.memory_space<hbm>> -> memref<8192xi32, #tpu.memory_space<hbm>>
      tpu.wait_dma2 semaphore(%run_scoped3A : memref<!tpu.dma_semaphore, #tpu.memory_space<semaphore_mem>>) src(%arg19 : memref<8192xi32, #tpu.memory_space<vmem>>) dst(%dma_wait3A_21 : memref<8192xi32, #tpu.memory_space<hbm>>)
      tpu.yield
    }) : () -> ()
    "tpu.region"() ({
      %run_scoped3A = tpu.sem_alloc : memref<!tpu.dma_semaphore, #tpu.memory_space<semaphore_mem>>
      %dma_start3A = tpu.memref_slice %arg11[%mul3A_17] : memref<262144xf32, #tpu.memory_space<hbm>> -> memref<8192xf32, #tpu.memory_space<hbm>>
      %dma_start3A_20 = tpu.memref_slice %arg11[%mul3A_17] : memref<262144xf32, #tpu.memory_space<hbm>> -> memref<8192xf32, #tpu.memory_space<hbm>>
      tpu.enqueue_dma source(%arg20 : memref<8192xf32, #tpu.memory_space<vmem>>) target(%dma_start3A_20 : memref<8192xf32, #tpu.memory_space<hbm>>) target_semaphore(%run_scoped3A : memref<!tpu.dma_semaphore, #tpu.memory_space<semaphore_mem>>)
      %dma_wait3A = tpu.memref_slice %arg11[%mul3A_17] : memref<262144xf32, #tpu.memory_space<hbm>> -> memref<8192xf32, #tpu.memory_space<hbm>>
      %dma_wait3A_21 = tpu.memref_slice %arg11[%mul3A_17] : memref<262144xf32, #tpu.memory_space<hbm>> -> memref<8192xf32, #tpu.memory_space<hbm>>
      tpu.wait_dma2 semaphore(%run_scoped3A : memref<!tpu.dma_semaphore, #tpu.memory_space<semaphore_mem>>) src(%arg20 : memref<8192xf32, #tpu.memory_space<vmem>>) dst(%dma_wait3A_21 : memref<8192xf32, #tpu.memory_space<hbm>>)
      tpu.yield
    }) : () -> ()
    "tpu.region"() ({
      %run_scoped3A = tpu.sem_alloc : memref<!tpu.dma_semaphore, #tpu.memory_space<semaphore_mem>>
      %dma_start3A = tpu.memref_slice %arg12[%mul3A_17] : memref<262144xf32, #tpu.memory_space<hbm>> -> memref<8192xf32, #tpu.memory_space<hbm>>
      %dma_start3A_20 = tpu.memref_slice %arg12[%mul3A_17] : memref<262144xf32, #tpu.memory_space<hbm>> -> memref<8192xf32, #tpu.memory_space<hbm>>
      tpu.enqueue_dma source(%arg21 : memref<8192xf32, #tpu.memory_space<vmem>>) target(%dma_start3A_20 : memref<8192xf32, #tpu.memory_space<hbm>>) target_semaphore(%run_scoped3A : memref<!tpu.dma_semaphore, #tpu.memory_space<semaphore_mem>>)
      %dma_wait3A = tpu.memref_slice %arg12[%mul3A_17] : memref<262144xf32, #tpu.memory_space<hbm>> -> memref<8192xf32, #tpu.memory_space<hbm>>
      %dma_wait3A_21 = tpu.memref_slice %arg12[%mul3A_17] : memref<262144xf32, #tpu.memory_space<hbm>> -> memref<8192xf32, #tpu.memory_space<hbm>>
      tpu.wait_dma2 semaphore(%run_scoped3A : memref<!tpu.dma_semaphore, #tpu.memory_space<semaphore_mem>>) src(%arg21 : memref<8192xf32, #tpu.memory_space<vmem>>) dst(%dma_wait3A_21 : memref<8192xf32, #tpu.memory_space<hbm>>)
      tpu.yield
    }) : () -> ()
    %mul3A_18 = arith.constant 16 : i32
    %mul3A_19 = arith.muli %add3A, %mul3A_18 : i32
    "tpu.region"() ({
      %run_scoped3A = tpu.sem_alloc : memref<!tpu.dma_semaphore, #tpu.memory_space<semaphore_mem>>
      %dma_start3A = tpu.memref_slice %arg13[%mul3A_19] : memref<512xi32, #tpu.memory_space<hbm>> -> memref<16xi32, #tpu.memory_space<hbm>>
      %dma_start3A_20 = tpu.memref_slice %arg13[%mul3A_19] : memref<512xi32, #tpu.memory_space<hbm>> -> memref<16xi32, #tpu.memory_space<hbm>>
      tpu.enqueue_dma source(%arg22 : memref<16xi32, #tpu.memory_space<vmem>>) target(%dma_start3A_20 : memref<16xi32, #tpu.memory_space<hbm>>) target_semaphore(%run_scoped3A : memref<!tpu.dma_semaphore, #tpu.memory_space<semaphore_mem>>)
      %dma_wait3A = tpu.memref_slice %arg13[%mul3A_19] : memref<512xi32, #tpu.memory_space<hbm>> -> memref<16xi32, #tpu.memory_space<hbm>>
      %dma_wait3A_21 = tpu.memref_slice %arg13[%mul3A_19] : memref<512xi32, #tpu.memory_space<hbm>> -> memref<16xi32, #tpu.memory_space<hbm>>
      tpu.wait_dma2 semaphore(%run_scoped3A : memref<!tpu.dma_semaphore, #tpu.memory_space<semaphore_mem>>) src(%arg22 : memref<16xi32, #tpu.memory_space<vmem>>) dst(%dma_wait3A_21 : memref<16xi32, #tpu.memory_space<hbm>>)
      tpu.yield
    }) : () -> ()
    return
  }
}

module attributes {stable_mosaic.version = 14 : i64} {
  func.func @_mm_body(%arg0: i32, %arg1: memref<5000x128xf32, #tpu.memory_space<vmem>>, %arg2: memref<128x128xf32, #tpu.memory_space<vmem>>, %arg3: memref<5000x128xf32, #tpu.memory_space<vmem>>) attributes {dimension_semantics = [#tpu.dimension_semantics<arbitrary>], iteration_bounds = array<i64: 1>, scalar_prefetch = 0 : i64, scratch_operands = 0 : i64, tpu.core_type = #tpu.core_type<tc>, window_params = [{pipeline_mode = #tpu.pipeline_mode<synchronous>, transform_indices = @transform_0, window_bounds = array<i64: 5000, 128>}, {pipeline_mode = #tpu.pipeline_mode<synchronous>, transform_indices = @transform_1, window_bounds = array<i64: 128, 128>}, {pipeline_mode = #tpu.pipeline_mode<synchronous>, transform_indices = @transform_2, window_bounds = array<i64: 5000, 128>}]} {
    %get3A = arith.constant 0 : index
    %get3A_0 = arith.constant 0 : index
    %get3A_1 = vector.load %arg1[%get3A, %get3A_0] : memref<5000x128xf32, #tpu.memory_space<vmem>>, vector<5000x128xf32>
    %get3A_2 = arith.constant 0 : index
    %get3A_3 = arith.constant 0 : index
    %get3A_4 = vector.load %arg2[%get3A_2, %get3A_3] : memref<128x128xf32, #tpu.memory_space<vmem>>, vector<128x128xf32>
    %dot_general3A = arith.constant dense<0.000000e+00> : vector<5000x128xf32>
    %dot_general3A_5 = tpu.matmul %get3A_1, %get3A_4, %dot_general3A {dimension_numbers = #tpu.dot_dimension_numbers<[1], [1], [0], [0], [0, 0, 1, 0], [], []>, transpose_lhs_hint = false} : vector<5000x128xf32>, vector<128x128xf32>, vector<5000x128xf32> -> vector<5000x128xf32>
    %swap3A = arith.constant 0 : index
    %swap3A_6 = arith.constant 0 : index
    %swap3A_7 = vector.load %arg3[%swap3A, %swap3A_6] : memref<5000x128xf32, #tpu.memory_space<vmem>>, vector<5000x128xf32>
    tpu.vector_store %arg3[%swap3A, %swap3A_6], %dot_general3A_5 {strides = array<i32>} : memref<5000x128xf32, #tpu.memory_space<vmem>>, vector<5000x128xf32>,
    return
  }
  func.func @transform_0(%arg0: i32) -> (i32, i32) {
    %c0_i32 = arith.constant 0 : i32
    %c0_i32_0 = arith.constant 0 : i32
    %c0_i32_1 = arith.constant 0 : i32
    return %c0_i32, %c0_i32_0 : i32, i32
  }
  func.func @transform_1(%arg0: i32) -> (i32, i32) {
    %c0_i32 = arith.constant 0 : i32
    %c0_i32_0 = arith.constant 0 : i32
    %c0_i32_1 = arith.constant 0 : i32
    return %c0_i32, %c0_i32_0 : i32, i32
  }
  func.func @transform_2(%arg0: i32) -> (i32, i32) {
    %c0_i32 = arith.constant 0 : i32
    %c0_i32_0 = arith.constant 0 : i32
    %c0_i32_1 = arith.constant 0 : i32
    return %c0_i32, %c0_i32_0 : i32, i32
  }
}

module attributes {stable_mosaic.version = 14 : i64} {
  func.func @_aq_body(%arg0: i32, %arg1: memref<1000x128xf32, #tpu.memory_space<vmem>>, %arg2: memref<128x128xf32, #tpu.memory_space<vmem>>, %arg3: memref<1x128xf32, #tpu.memory_space<vmem>>, %arg4: memref<1x128xf32, #tpu.memory_space<vmem>>, %arg5: memref<128x128xf32, #tpu.memory_space<vmem>>, %arg6: memref<1000x128xf32, #tpu.memory_space<vmem>>) attributes {dimension_semantics = [#tpu.dimension_semantics<arbitrary>], iteration_bounds = array<i64: 1>, scalar_prefetch = 0 : i64, scratch_operands = 0 : i64, tpu.core_type = #tpu.core_type<tc>, window_params = [{pipeline_mode = #tpu.pipeline_mode<synchronous>, transform_indices = @transform_0, window_bounds = array<i64: 1000, 128>}, {pipeline_mode = #tpu.pipeline_mode<synchronous>, transform_indices = @transform_1, window_bounds = array<i64: 128, 128>}, {pipeline_mode = #tpu.pipeline_mode<synchronous>, transform_indices = @transform_2, window_bounds = array<i64: 1, 128>}, {pipeline_mode = #tpu.pipeline_mode<synchronous>, transform_indices = @transform_3, window_bounds = array<i64: 1, 128>}, {pipeline_mode = #tpu.pipeline_mode<synchronous>, transform_indices = @transform_4, window_bounds = array<i64: 128, 128>}, {pipeline_mode = #tpu.pipeline_mode<synchronous>, transform_indices = @transform_5, window_bounds = array<i64: 1000, 128>}]} {
    %get3A = arith.constant 0 : index
    %get3A_0 = arith.constant 0 : index
    %get3A_1 = vector.load %arg1[%get3A, %get3A_0] : memref<1000x128xf32, #tpu.memory_space<vmem>>, vector<1000x128xf32>
    %get3A_2 = arith.constant 0 : index
    %get3A_3 = arith.constant 0 : index
    %get3A_4 = vector.load %arg2[%get3A_2, %get3A_3] : memref<128x128xf32, #tpu.memory_space<vmem>>, vector<128x128xf32>
    %dot_general3A = arith.constant dense<0.000000e+00> : vector<1000x128xf32>
    %dot_general3A_5 = tpu.matmul %get3A_1, %get3A_4, %dot_general3A {dimension_numbers = #tpu.dot_dimension_numbers<[1], [1], [0], [0], [0, 0, 1, 0], [], []>, transpose_lhs_hint = false} : vector<1000x128xf32>, vector<128x128xf32>, vector<1000x128xf32> -> vector<1000x128xf32>
    %get3A_6 = arith.constant 0 : index
    %get3A_7 = arith.constant 0 : index
    %get3A_8 = vector.load %arg3[%get3A_6, %get3A_7] : memref<1x128xf32, #tpu.memory_space<vmem>>, vector<1x128xf32>
    %get3A_9 = arith.constant 0 : index
    %get3A_10 = arith.constant 0 : index
    %get3A_11 = vector.load %arg4[%get3A_9, %get3A_10] : memref<1x128xf32, #tpu.memory_space<vmem>>, vector<1x128xf32>
    %reduce_sum3A = arith.constant dense<0.000000e+00> : vector<1000xf32>
    %reduce_sum3A_12 = vector.multi_reduction <add>, %dot_general3A_5, %reduce_sum3A [1] : vector<1000x128xf32> to vector<1000xf32>
    %broadcast_in_dim3A = vector.shape_cast %reduce_sum3A_12 : vector<1000xf32> to vector<1000x1xf32>
    %div3A = arith.constant 1.280000e+02 : f32
    %div3A_13 = vector.broadcast %div3A : f32 to vector<1000x1xf32>
    %div3A_14 = arith.divf %broadcast_in_dim3A, %div3A_13 : vector<1000x1xf32>
    %sub3A = vector.broadcast %div3A_14 : vector<1000x1xf32> to vector<1000x128xf32>
    %sub3A_15 = arith.subf %dot_general3A_5, %sub3A : vector<1000x128xf32>
    %integer_pow3A = arith.mulf %sub3A_15, %sub3A_15 : vector<1000x128xf32>
    %reduce_sum3A_16 = arith.constant dense<0.000000e+00> : vector<1000xf32>
    %reduce_sum3A_17 = vector.multi_reduction <add>, %integer_pow3A, %reduce_sum3A_16 [1] : vector<1000x128xf32> to vector<1000xf32>
    %broadcast_in_dim3A_18 = vector.shape_cast %reduce_sum3A_17 : vector<1000xf32> to vector<1000x1xf32>
    %div3A_19 = arith.constant 1.280000e+02 : f32
    %div3A_20 = vector.broadcast %div3A_19 : f32 to vector<1000x1xf32>
    %div3A_21 = arith.divf %broadcast_in_dim3A_18, %div3A_20 : vector<1000x1xf32>
    %sub3A_22 = vector.broadcast %div3A_14 : vector<1000x1xf32> to vector<1000x128xf32>
    %sub3A_23 = arith.subf %dot_general3A_5, %sub3A_22 : vector<1000x128xf32>
    %add3A = arith.constant 9.99999974E-6 : f32
    %add3A_24 = vector.broadcast %add3A : f32 to vector<1000x1xf32>
    %add3A_25 = arith.addf %div3A_21, %add3A_24 : vector<1000x1xf32>
    %sqrt3A = math.sqrt %add3A_25 : vector<1000x1xf32>
    %div3A_26 = vector.broadcast %sqrt3A : vector<1000x1xf32> to vector<1000x128xf32>
    %div3A_27 = arith.divf %sub3A_23, %div3A_26 : vector<1000x128xf32>
    %mul3A = vector.broadcast %get3A_8 : vector<1x128xf32> to vector<1000x128xf32>
    %mul3A_28 = arith.mulf %div3A_27, %mul3A : vector<1000x128xf32>
    %add3A_29 = vector.broadcast %get3A_11 : vector<1x128xf32> to vector<1000x128xf32>
    %add3A_30 = arith.addf %mul3A_28, %add3A_29 : vector<1000x128xf32>
    %max3A = arith.constant 0.000000e+00 : f32
    %max3A_31 = vector.broadcast %max3A : f32 to vector<1000x128xf32>
    %max3A_32 = arith.maximumf %add3A_30, %max3A_31 : vector<1000x128xf32>
    %get3A_33 = arith.constant 0 : index
    %get3A_34 = arith.constant 0 : index
    %get3A_35 = vector.load %arg5[%get3A_33, %get3A_34] : memref<128x128xf32, #tpu.memory_space<vmem>>, vector<128x128xf32>
    %dot_general3A_36 = arith.constant dense<0.000000e+00> : vector<1000x128xf32>
    %dot_general3A_37 = tpu.matmul %max3A_32, %get3A_35, %dot_general3A_36 {dimension_numbers = #tpu.dot_dimension_numbers<[1], [1], [0], [0], [0, 0, 1, 0], [], []>, transpose_lhs_hint = false} : vector<1000x128xf32>, vector<128x128xf32>, vector<1000x128xf32> -> vector<1000x128xf32>
    %swap3A = arith.constant 0 : index
    %swap3A_38 = arith.constant 0 : index
    %swap3A_39 = vector.load %arg6[%swap3A, %swap3A_38] : memref<1000x128xf32, #tpu.memory_space<vmem>>, vector<1000x128xf32>
    tpu.vector_store %arg6[%swap3A, %swap3A_38], %dot_general3A_37 {strides = array<i32>} : memref<1000x128xf32, #tpu.memory_space<vmem>>, vector<1000x128xf32>,
    return
  }
  func.func @transform_0(%arg0: i32) -> (i32, i32) {
    %c0_i32 = arith.constant 0 : i32
    %c0_i32_0 = arith.constant 0 : i32
    %c0_i32_1 = arith.constant 0 : i32
    return %c0_i32, %c0_i32_0 : i32, i32
  }
  func.func @transform_1(%arg0: i32) -> (i32, i32) {
    %c0_i32 = arith.constant 0 : i32
    %c0_i32_0 = arith.constant 0 : i32
    %c0_i32_1 = arith.constant 0 : i32
    return %c0_i32, %c0_i32_0 : i32, i32
  }
  func.func @transform_2(%arg0: i32) -> (i32, i32) {
    %c0_i32 = arith.constant 0 : i32
    %c0_i32_0 = arith.constant 0 : i32
    %c0_i32_1 = arith.constant 0 : i32
    return %c0_i32, %c0_i32_0 : i32, i32
  }
  func.func @transform_3(%arg0: i32) -> (i32, i32) {
    %c0_i32 = arith.constant 0 : i32
    %c0_i32_0 = arith.constant 0 : i32
    %c0_i32_1 = arith.constant 0 : i32
    return %c0_i32, %c0_i32_0 : i32, i32
  }
  func.func @transform_4(%arg0: i32) -> (i32, i32) {
    %c0_i32 = arith.constant 0 : i32
    %c0_i32_0 = arith.constant 0 : i32
    %c0_i32_1 = arith.constant 0 : i32
    return %c0_i32, %c0_i32_0 : i32, i32
  }
  func.func @transform_5(%arg0: i32) -> (i32, i32) {
    %c0_i32 = arith.constant 0 : i32
    %c0_i32_0 = arith.constant 0 : i32
    %c0_i32_1 = arith.constant 0 : i32
    return %c0_i32, %c0_i32_0 : i32, i32
  }
}

module attributes {stable_mosaic.version = 14 : i64} {
  func.func @_edge_mlp_body(%arg0: i32, %arg1: i32, %arg2: memref<512xi32, #tpu.memory_space<smem>>, %arg3: memref<512x1xi32, #tpu.memory_space<vmem>>, %arg4: memref<512x1xf32, #tpu.memory_space<vmem>>, %arg5: memref<512x1xf32, #tpu.memory_space<vmem>>, %arg6: memref<192x128xf32, #tpu.memory_space<vmem>>, %arg7: memref<512x128xf32, #tpu.memory_space<vmem>>, %arg8: memref<128x2xf32, #tpu.memory_space<vmem>>, %arg9: memref<1x128xf32, #tpu.memory_space<vmem>>, %arg10: memref<128x128xf32, #tpu.memory_space<vmem>>, %arg11: memref<1x128xf32, #tpu.memory_space<vmem>>, %arg12: memref<1x128xf32, #tpu.memory_space<vmem>>, %arg13: memref<128x128xf32, #tpu.memory_space<vmem>>, %arg14: memref<1x128xf32, #tpu.memory_space<vmem>>, %arg15: memref<1x128xf32, #tpu.memory_space<vmem>>, %arg16: memref<128x128xf32, #tpu.memory_space<vmem>>, %arg17: memref<192x128xf32, #tpu.memory_space<vmem>>) attributes {dimension_semantics = [#tpu.dimension_semantics<arbitrary>, #tpu.dimension_semantics<arbitrary>], iteration_bounds = array<i64: 32, 16>, scalar_prefetch = 1 : i64, scratch_operands = 0 : i64, tpu.core_type = #tpu.core_type<tc>, window_params = [{transform_indices = @transform_0, window_bounds = array<i64: 512, 1>}, {transform_indices = @transform_1, window_bounds = array<i64: 512, 1>}, {transform_indices = @transform_2, window_bounds = array<i64: 512, 1>}, {transform_indices = @transform_3, window_bounds = array<i64: 192, 128>}, {transform_indices = @transform_4, window_bounds = array<i64: 512, 128>}, {pipeline_mode = #tpu.pipeline_mode<synchronous>, transform_indices = @transform_5, window_bounds = array<i64: 128, 2>}, {pipeline_mode = #tpu.pipeline_mode<synchronous>, transform_indices = @transform_6, window_bounds = array<i64: 1, 128>}, {pipeline_mode = #tpu.pipeline_mode<synchronous>, transform_indices = @transform_7, window_bounds = array<i64: 128, 128>}, {pipeline_mode = #tpu.pipeline_mode<synchronous>, transform_indices = @transform_8, window_bounds = array<i64: 1, 128>}, {pipeline_mode = #tpu.pipeline_mode<synchronous>, transform_indices = @transform_9, window_bounds = array<i64: 1, 128>}, {pipeline_mode = #tpu.pipeline_mode<synchronous>, transform_indices = @transform_10, window_bounds = array<i64: 128, 128>}, {pipeline_mode = #tpu.pipeline_mode<synchronous>, transform_indices = @transform_11, window_bounds = array<i64: 1, 128>}, {pipeline_mode = #tpu.pipeline_mode<synchronous>, transform_indices = @transform_12, window_bounds = array<i64: 1, 128>}, {pipeline_mode = #tpu.pipeline_mode<synchronous>, transform_indices = @transform_13, window_bounds = array<i64: 128, 128>}, {transform_indices = @transform_14, window_bounds = array<i64: 192, 128>}]} {
    %eq3A = arith.constant 0 : i32
    %eq3A_0 = arith.cmpi eq, %arg1, %eq3A : i32
    %convert_element_type3A = arith.extui %eq3A_0 : i1 to i32
    %cond3A = arith.constant 0 : i32
    %cond3A_1 = arith.cmpi ne, %convert_element_type3A, %cond3A : i32
    scf.if %cond3A_1 {
      %broadcast_in_dim3A = arith.constant 0.000000e+00 : f32
      %broadcast_in_dim3A_8 = vector.broadcast %broadcast_in_dim3A : f32 to vector<192x128xf32>
      %swap3A = arith.constant 0 : index
      %swap3A_9 = arith.constant 0 : index
      %swap3A_10 = vector.load %arg17[%swap3A, %swap3A_9] : memref<192x128xf32, #tpu.memory_space<vmem>>, vector<192x128xf32>
      tpu.vector_store %arg17[%swap3A, %swap3A_9], %broadcast_in_dim3A_8 {strides = array<i32>} : memref<192x128xf32, #tpu.memory_space<vmem>>, vector<192x128xf32>,
    } else {
    }
    %mul3A = arith.constant 16 : i32
    %mul3A_2 = arith.muli %arg0, %mul3A : i32
    %add3A = arith.addi %mul3A_2, %arg1 : i32
    %get3A = arith.index_cast %add3A : i32 to index
    %get3A_3 = memref.load %arg2[%get3A] : memref<512xi32, #tpu.memory_space<smem>>
    %gt3A = arith.constant 0 : i32
    %gt3A_4 = arith.cmpi sgt, %get3A_3, %gt3A : i32
    %convert_element_type3A_5 = arith.extui %gt3A_4 : i1 to i32
    %cond3A_6 = arith.constant 0 : i32
    %cond3A_7 = arith.cmpi ne, %convert_element_type3A_5, %cond3A_6 : i32
    scf.if %cond3A_7 {
      %get3A_8 = arith.constant 0 : index
      %get3A_9 = arith.constant 0 : index
      %get3A_10 = vector.load %arg3[%get3A_8, %get3A_9] : memref<512x1xi32, #tpu.memory_space<vmem>>, vector<512x1xi32>
      %mul3A_11 = arith.constant 192 : i32
      %mul3A_12 = arith.muli %arg0, %mul3A_11 : i32
      %sub3A = vector.broadcast %mul3A_12 : i32 to vector<512x1xi32>
      %sub3A_13 = arith.subi %get3A_10, %sub3A : vector<512x1xi32>
      %iota3A = tpu.iota {dimensions = array<i32: 1>} : vector<512x192xi32>
      %eq3A_14 = vector.broadcast %sub3A_13 : vector<512x1xi32> to vector<512x192xi32>
      %eq3A_15 = arith.cmpi eq, %iota3A, %eq3A_14 : vector<512x192xi32>
      %convert_element_type3A_16 = arith.extui %eq3A_15 : vector<512x192xi1> to vector<512x192xi32>
      %convert_element_type3A_17 = arith.sitofp %convert_element_type3A_16 : vector<512x192xi32> to vector<512x192xf32>
      %get3A_18 = arith.constant 0 : index
      %get3A_19 = arith.constant 0 : index
      %get3A_20 = vector.load %arg6[%get3A_18, %get3A_19] : memref<192x128xf32, #tpu.memory_space<vmem>>, vector<192x128xf32>
      %dot_general3A = arith.constant dense<0.000000e+00> : vector<512x128xf32>
      %dot_general3A_21 = tpu.matmul %convert_element_type3A_17, %get3A_20, %dot_general3A {dimension_numbers = #tpu.dot_dimension_numbers<[1], [0], [0], [1], [0, 0, 1, 1], [], []>, precision = #tpu.contract_precision<fp32>, transpose_lhs_hint = false} : vector<512x192xf32>, vector<192x128xf32>, vector<512x128xf32> -> vector<512x128xf32>
      %get3A_22 = arith.constant 0 : index
      %get3A_23 = arith.constant 0 : index
      %get3A_24 = vector.load %arg4[%get3A_22, %get3A_23] : memref<512x1xf32, #tpu.memory_space<vmem>>, vector<512x1xf32>
      %get3A_25 = arith.constant 0 : index
      %get3A_26 = arith.constant 0 : index
      %get3A_27 = vector.load %arg5[%get3A_25, %get3A_26] : memref<512x1xf32, #tpu.memory_space<vmem>>, vector<512x1xf32>
      %concatenate3A = tpu.concatenate %get3A_24, %get3A_27 in 1 : vector<512x1xf32>, vector<512x1xf32> -> vector<512x2xf32>
      %get3A_28 = arith.constant 0 : index
      %get3A_29 = arith.constant 0 : index
      %get3A_30 = vector.load %arg8[%get3A_28, %get3A_29] : memref<128x2xf32, #tpu.memory_space<vmem>>, vector<128x2xf32>
      %get3A_31 = arith.constant 0 : index
      %get3A_32 = arith.constant 0 : index
      %get3A_33 = vector.load %arg9[%get3A_31, %get3A_32] : memref<1x128xf32, #tpu.memory_space<vmem>>, vector<1x128xf32>
      %dot_general3A_34 = arith.constant dense<0.000000e+00> : vector<512x128xf32>
      %dot_general3A_35 = tpu.matmul %concatenate3A, %get3A_30, %dot_general3A_34 {dimension_numbers = #tpu.dot_dimension_numbers<[1], [1], [0], [0], [0, 0, 1, 0], [], []>, transpose_lhs_hint = false} : vector<512x2xf32>, vector<128x2xf32>, vector<512x128xf32> -> vector<512x128xf32>
      %add3A_36 = vector.broadcast %get3A_33 : vector<1x128xf32> to vector<512x128xf32>
      %add3A_37 = arith.addf %dot_general3A_35, %add3A_36 : vector<512x128xf32>
      %max3A = arith.constant 0.000000e+00 : f32
      %max3A_38 = vector.broadcast %max3A : f32 to vector<512x128xf32>
      %max3A_39 = arith.maximumf %add3A_37, %max3A_38 : vector<512x128xf32>
      %get3A_40 = arith.constant 0 : index
      %get3A_41 = arith.constant 0 : index
      %get3A_42 = vector.load %arg10[%get3A_40, %get3A_41] : memref<128x128xf32, #tpu.memory_space<vmem>>, vector<128x128xf32>
      %dot_general3A_43 = arith.constant dense<0.000000e+00> : vector<512x128xf32>
      %dot_general3A_44 = tpu.matmul %max3A_39, %get3A_42, %dot_general3A_43 {dimension_numbers = #tpu.dot_dimension_numbers<[1], [1], [0], [0], [0, 0, 1, 0], [], []>, transpose_lhs_hint = false} : vector<512x128xf32>, vector<128x128xf32>, vector<512x128xf32> -> vector<512x128xf32>
      %get3A_45 = arith.constant 0 : index
      %get3A_46 = arith.constant 0 : index
      %get3A_47 = vector.load %arg11[%get3A_45, %get3A_46] : memref<1x128xf32, #tpu.memory_space<vmem>>, vector<1x128xf32>
      %get3A_48 = arith.constant 0 : index
      %get3A_49 = arith.constant 0 : index
      %get3A_50 = vector.load %arg12[%get3A_48, %get3A_49] : memref<1x128xf32, #tpu.memory_space<vmem>>, vector<1x128xf32>
      %reduce_sum3A = arith.constant dense<0.000000e+00> : vector<512xf32>
      %reduce_sum3A_51 = vector.multi_reduction <add>, %dot_general3A_44, %reduce_sum3A [1] : vector<512x128xf32> to vector<512xf32>
      %broadcast_in_dim3A = vector.shape_cast %reduce_sum3A_51 : vector<512xf32> to vector<512x1xf32>
      %div3A = arith.constant 1.280000e+02 : f32
      %div3A_52 = vector.broadcast %div3A : f32 to vector<512x1xf32>
      %div3A_53 = arith.divf %broadcast_in_dim3A, %div3A_52 : vector<512x1xf32>
      %sub3A_54 = vector.broadcast %div3A_53 : vector<512x1xf32> to vector<512x128xf32>
      %sub3A_55 = arith.subf %dot_general3A_44, %sub3A_54 : vector<512x128xf32>
      %integer_pow3A = arith.mulf %sub3A_55, %sub3A_55 : vector<512x128xf32>
      %reduce_sum3A_56 = arith.constant dense<0.000000e+00> : vector<512xf32>
      %reduce_sum3A_57 = vector.multi_reduction <add>, %integer_pow3A, %reduce_sum3A_56 [1] : vector<512x128xf32> to vector<512xf32>
      %broadcast_in_dim3A_58 = vector.shape_cast %reduce_sum3A_57 : vector<512xf32> to vector<512x1xf32>
      %div3A_59 = arith.constant 1.280000e+02 : f32
      %div3A_60 = vector.broadcast %div3A_59 : f32 to vector<512x1xf32>
      %div3A_61 = arith.divf %broadcast_in_dim3A_58, %div3A_60 : vector<512x1xf32>
      %sub3A_62 = vector.broadcast %div3A_53 : vector<512x1xf32> to vector<512x128xf32>
      %sub3A_63 = arith.subf %dot_general3A_44, %sub3A_62 : vector<512x128xf32>
      %add3A_64 = arith.constant 9.99999974E-6 : f32
      %add3A_65 = vector.broadcast %add3A_64 : f32 to vector<512x1xf32>
      %add3A_66 = arith.addf %div3A_61, %add3A_65 : vector<512x1xf32>
      %sqrt3A = math.sqrt %add3A_66 : vector<512x1xf32>
      %div3A_67 = vector.broadcast %sqrt3A : vector<512x1xf32> to vector<512x128xf32>
      %div3A_68 = arith.divf %sub3A_63, %div3A_67 : vector<512x128xf32>
      %mul3A_69 = vector.broadcast %get3A_47 : vector<1x128xf32> to vector<512x128xf32>
      %mul3A_70 = arith.mulf %div3A_68, %mul3A_69 : vector<512x128xf32>
      %add3A_71 = vector.broadcast %get3A_50 : vector<1x128xf32> to vector<512x128xf32>
      %add3A_72 = arith.addf %mul3A_70, %add3A_71 : vector<512x128xf32>
      %max3A_73 = arith.constant 0.000000e+00 : f32
      %max3A_74 = vector.broadcast %max3A_73 : f32 to vector<512x128xf32>
      %max3A_75 = arith.maximumf %add3A_72, %max3A_74 : vector<512x128xf32>
      %get3A_76 = arith.constant 0 : index
      %get3A_77 = arith.constant 0 : index
      %get3A_78 = vector.load %arg13[%get3A_76, %get3A_77] : memref<128x128xf32, #tpu.memory_space<vmem>>, vector<128x128xf32>
      %dot_general3A_79 = arith.constant dense<0.000000e+00> : vector<512x128xf32>
      %dot_general3A_80 = tpu.matmul %max3A_75, %get3A_78, %dot_general3A_79 {dimension_numbers = #tpu.dot_dimension_numbers<[1], [1], [0], [0], [0, 0, 1, 0], [], []>, transpose_lhs_hint = false} : vector<512x128xf32>, vector<128x128xf32>, vector<512x128xf32> -> vector<512x128xf32>
      %add3A_81 = arith.addf %dot_general3A_80, %dot_general3A_21 : vector<512x128xf32>
      %get3A_82 = arith.constant 0 : index
      %get3A_83 = arith.constant 0 : index
      %get3A_84 = vector.load %arg7[%get3A_82, %get3A_83] : memref<512x128xf32, #tpu.memory_space<vmem>>, vector<512x128xf32>
      %add3A_85 = arith.addf %add3A_81, %get3A_84 : vector<512x128xf32>
      %get3A_86 = arith.constant 0 : index
      %get3A_87 = arith.constant 0 : index
      %get3A_88 = vector.load %arg14[%get3A_86, %get3A_87] : memref<1x128xf32, #tpu.memory_space<vmem>>, vector<1x128xf32>
      %get3A_89 = arith.constant 0 : index
      %get3A_90 = arith.constant 0 : index
      %get3A_91 = vector.load %arg15[%get3A_89, %get3A_90] : memref<1x128xf32, #tpu.memory_space<vmem>>, vector<1x128xf32>
      %reduce_sum3A_92 = arith.constant dense<0.000000e+00> : vector<512xf32>
      %reduce_sum3A_93 = vector.multi_reduction <add>, %add3A_85, %reduce_sum3A_92 [1] : vector<512x128xf32> to vector<512xf32>
      %broadcast_in_dim3A_94 = vector.shape_cast %reduce_sum3A_93 : vector<512xf32> to vector<512x1xf32>
      %div3A_95 = arith.constant 1.280000e+02 : f32
      %div3A_96 = vector.broadcast %div3A_95 : f32 to vector<512x1xf32>
      %div3A_97 = arith.divf %broadcast_in_dim3A_94, %div3A_96 : vector<512x1xf32>
      %sub3A_98 = vector.broadcast %div3A_97 : vector<512x1xf32> to vector<512x128xf32>
      %sub3A_99 = arith.subf %add3A_85, %sub3A_98 : vector<512x128xf32>
      %integer_pow3A_100 = arith.mulf %sub3A_99, %sub3A_99 : vector<512x128xf32>
      %reduce_sum3A_101 = arith.constant dense<0.000000e+00> : vector<512xf32>
      %reduce_sum3A_102 = vector.multi_reduction <add>, %integer_pow3A_100, %reduce_sum3A_101 [1] : vector<512x128xf32> to vector<512xf32>
      %broadcast_in_dim3A_103 = vector.shape_cast %reduce_sum3A_102 : vector<512xf32> to vector<512x1xf32>
      %div3A_104 = arith.constant 1.280000e+02 : f32
      %div3A_105 = vector.broadcast %div3A_104 : f32 to vector<512x1xf32>
      %div3A_106 = arith.divf %broadcast_in_dim3A_103, %div3A_105 : vector<512x1xf32>
      %sub3A_107 = vector.broadcast %div3A_97 : vector<512x1xf32> to vector<512x128xf32>
      %sub3A_108 = arith.subf %add3A_85, %sub3A_107 : vector<512x128xf32>
      %add3A_109 = arith.constant 9.99999974E-6 : f32
      %add3A_110 = vector.broadcast %add3A_109 : f32 to vector<512x1xf32>
      %add3A_111 = arith.addf %div3A_106, %add3A_110 : vector<512x1xf32>
      %sqrt3A_112 = math.sqrt %add3A_111 : vector<512x1xf32>
      %div3A_113 = vector.broadcast %sqrt3A_112 : vector<512x1xf32> to vector<512x128xf32>
      %div3A_114 = arith.divf %sub3A_108, %div3A_113 : vector<512x128xf32>
      %mul3A_115 = vector.broadcast %get3A_88 : vector<1x128xf32> to vector<512x128xf32>
      %mul3A_116 = arith.mulf %div3A_114, %mul3A_115 : vector<512x128xf32>
      %add3A_117 = vector.broadcast %get3A_91 : vector<1x128xf32> to vector<512x128xf32>
      %add3A_118 = arith.addf %mul3A_116, %add3A_117 : vector<512x128xf32>
      %max3A_119 = arith.constant 0.000000e+00 : f32
      %max3A_120 = vector.broadcast %max3A_119 : f32 to vector<512x128xf32>
      %max3A_121 = arith.maximumf %add3A_118, %max3A_120 : vector<512x128xf32>
      %get3A_122 = arith.constant 0 : index
      %get3A_123 = arith.constant 0 : index
      %get3A_124 = vector.load %arg16[%get3A_122, %get3A_123] : memref<128x128xf32, #tpu.memory_space<vmem>>, vector<128x128xf32>
      %dot_general3A_125 = arith.constant dense<0.000000e+00> : vector<512x128xf32>
      %dot_general3A_126 = tpu.matmul %max3A_121, %get3A_124, %dot_general3A_125 {dimension_numbers = #tpu.dot_dimension_numbers<[1], [1], [0], [0], [0, 0, 1, 0], [], []>, transpose_lhs_hint = false} : vector<512x128xf32>, vector<128x128xf32>, vector<512x128xf32> -> vector<512x128xf32>
      %ne3A = arith.constant 6144 : i32
      %ne3A_127 = vector.broadcast %ne3A : i32 to vector<512x1xi32>
      %ne3A_128 = arith.cmpi ne, %get3A_10, %ne3A_127 : vector<512x1xi32>
      %jit3A = arith.constant 0.000000e+00 : f32
      %broadcast_in_dim3A_129 = vector.shape_cast %ne3A_128 : vector<512x1xi1> to vector<512x1xi1>
      %broadcast_in_dim3A_130 = vector.broadcast %broadcast_in_dim3A_129 : vector<512x1xi1> to vector<512x128xi1>
      %broadcast_in_dim3A_131 = vector.broadcast %jit3A : f32 to vector<512x128xf32>
      %select_n3A = arith.select %broadcast_in_dim3A_130, %dot_general3A_126, %broadcast_in_dim3A_131 : vector<512x128xi1>, vector<512x128xf32>
      %get3A_132 = arith.constant 0 : index
      %get3A_133 = arith.constant 0 : index
      %get3A_134 = vector.load %arg17[%get3A_132, %get3A_133] : memref<192x128xf32, #tpu.memory_space<vmem>>, vector<192x128xf32>
      %dot_general3A_135 = arith.constant dense<0.000000e+00> : vector<192x128xf32>
      %dot_general3A_136 = tpu.matmul %convert_element_type3A_17, %select_n3A, %dot_general3A_135 {dimension_numbers = #tpu.dot_dimension_numbers<[0], [0], [1], [1], [0, 1, 1, 1], [], []>, precision = #tpu.contract_precision<fp32>, transpose_lhs_hint = false} : vector<512x192xf32>, vector<512x128xf32>, vector<192x128xf32> -> vector<192x128xf32>
      %add3A_137 = arith.addf %get3A_134, %dot_general3A_136 : vector<192x128xf32>
      %swap3A = arith.constant 0 : index
      %swap3A_138 = arith.constant 0 : index
      %swap3A_139 = vector.load %arg17[%swap3A, %swap3A_138] : memref<192x128xf32, #tpu.memory_space<vmem>>, vector<192x128xf32>
      tpu.vector_store %arg17[%swap3A, %swap3A_138], %add3A_137 {strides = array<i32>} : memref<192x128xf32, #tpu.memory_space<vmem>>, vector<192x128xf32>,
    } else {
    }
    return
  }
  func.func @transform_0(%arg0: i32, %arg1: i32, %arg2: memref<512xi32, #tpu.memory_space<smem>>) -> (i32, i32) {
    %mul3A = arith.constant 16 : i32
    %mul3A_0 = arith.muli %arg0, %mul3A : i32
    %add3A = arith.addi %mul3A_0, %arg1 : i32
    %c0_i32 = arith.constant 0 : i32
    %c0_i32_1 = arith.constant 0 : i32
    return %add3A, %c0_i32 : i32, i32
  }
  func.func @transform_1(%arg0: i32, %arg1: i32, %arg2: memref<512xi32, #tpu.memory_space<smem>>) -> (i32, i32) {
    %mul3A = arith.constant 16 : i32
    %mul3A_0 = arith.muli %arg0, %mul3A : i32
    %add3A = arith.addi %mul3A_0, %arg1 : i32
    %c0_i32 = arith.constant 0 : i32
    %c0_i32_1 = arith.constant 0 : i32
    return %add3A, %c0_i32 : i32, i32
  }
  func.func @transform_2(%arg0: i32, %arg1: i32, %arg2: memref<512xi32, #tpu.memory_space<smem>>) -> (i32, i32) {
    %mul3A = arith.constant 16 : i32
    %mul3A_0 = arith.muli %arg0, %mul3A : i32
    %add3A = arith.addi %mul3A_0, %arg1 : i32
    %c0_i32 = arith.constant 0 : i32
    %c0_i32_1 = arith.constant 0 : i32
    return %add3A, %c0_i32 : i32, i32
  }
  func.func @transform_3(%arg0: i32, %arg1: i32, %arg2: memref<512xi32, #tpu.memory_space<smem>>) -> (i32, i32) {
    %c0_i32 = arith.constant 0 : i32
    %c0_i32_0 = arith.constant 0 : i32
    return %arg0, %c0_i32 : i32, i32
  }
  func.func @transform_4(%arg0: i32, %arg1: i32, %arg2: memref<512xi32, #tpu.memory_space<smem>>) -> (i32, i32) {
    %mul3A = arith.constant 16 : i32
    %mul3A_0 = arith.muli %arg0, %mul3A : i32
    %add3A = arith.addi %mul3A_0, %arg1 : i32
    %c0_i32 = arith.constant 0 : i32
    %c0_i32_1 = arith.constant 0 : i32
    return %add3A, %c0_i32 : i32, i32
  }
  func.func @transform_5(%arg0: i32, %arg1: i32, %arg2: memref<512xi32, #tpu.memory_space<smem>>) -> (i32, i32) {
    %c0_i32 = arith.constant 0 : i32
    %c0_i32_0 = arith.constant 0 : i32
    %c0_i32_1 = arith.constant 0 : i32
    return %c0_i32, %c0_i32_0 : i32, i32
  }
  func.func @transform_6(%arg0: i32, %arg1: i32, %arg2: memref<512xi32, #tpu.memory_space<smem>>) -> (i32, i32) {
    %c0_i32 = arith.constant 0 : i32
    %c0_i32_0 = arith.constant 0 : i32
    %c0_i32_1 = arith.constant 0 : i32
    return %c0_i32, %c0_i32_0 : i32, i32
  }
  func.func @transform_7(%arg0: i32, %arg1: i32, %arg2: memref<512xi32, #tpu.memory_space<smem>>) -> (i32, i32) {
    %c0_i32 = arith.constant 0 : i32
    %c0_i32_0 = arith.constant 0 : i32
    %c0_i32_1 = arith.constant 0 : i32
    return %c0_i32, %c0_i32_0 : i32, i32
  }
  func.func @transform_8(%arg0: i32, %arg1: i32, %arg2: memref<512xi32, #tpu.memory_space<smem>>) -> (i32, i32) {
    %c0_i32 = arith.constant 0 : i32
    %c0_i32_0 = arith.constant 0 : i32
    %c0_i32_1 = arith.constant 0 : i32
    return %c0_i32, %c0_i32_0 : i32, i32
  }
  func.func @transform_9(%arg0: i32, %arg1: i32, %arg2: memref<512xi32, #tpu.memory_space<smem>>) -> (i32, i32) {
    %c0_i32 = arith.constant 0 : i32
    %c0_i32_0 = arith.constant 0 : i32
    %c0_i32_1 = arith.constant 0 : i32
    return %c0_i32, %c0_i32_0 : i32, i32
  }
  func.func @transform_10(%arg0: i32, %arg1: i32, %arg2: memref<512xi32, #tpu.memory_space<smem>>) -> (i32, i32) {
    %c0_i32 = arith.constant 0 : i32
    %c0_i32_0 = arith.constant 0 : i32
    %c0_i32_1 = arith.constant 0 : i32
    return %c0_i32, %c0_i32_0 : i32, i32
  }
  func.func @transform_11(%arg0: i32, %arg1: i32, %arg2: memref<512xi32, #tpu.memory_space<smem>>) -> (i32, i32) {
    %c0_i32 = arith.constant 0 : i32
    %c0_i32_0 = arith.constant 0 : i32
    %c0_i32_1 = arith.constant 0 : i32
    return %c0_i32, %c0_i32_0 : i32, i32
  }
  func.func @transform_12(%arg0: i32, %arg1: i32, %arg2: memref<512xi32, #tpu.memory_space<smem>>) -> (i32, i32) {
    %c0_i32 = arith.constant 0 : i32
    %c0_i32_0 = arith.constant 0 : i32
    %c0_i32_1 = arith.constant 0 : i32
    return %c0_i32, %c0_i32_0 : i32, i32
  }
  func.func @transform_13(%arg0: i32, %arg1: i32, %arg2: memref<512xi32, #tpu.memory_space<smem>>) -> (i32, i32) {
    %c0_i32 = arith.constant 0 : i32
    %c0_i32_0 = arith.constant 0 : i32
    %c0_i32_1 = arith.constant 0 : i32
    return %c0_i32, %c0_i32_0 : i32, i32
  }
  func.func @transform_14(%arg0: i32, %arg1: i32, %arg2: memref<512xi32, #tpu.memory_space<smem>>) -> (i32, i32) {
    %c0_i32 = arith.constant 0 : i32
    %c0_i32_0 = arith.constant 0 : i32
    return %arg0, %c0_i32 : i32, i32
  }
}

module attributes {stable_mosaic.version = 14 : i64} {
  func.func @_epi_body(%arg0: i32, %arg1: memref<6000x128xf32, #tpu.memory_space<vmem>>, %arg2: memref<6000x128xf32, #tpu.memory_space<vmem>>, %arg3: memref<128x128xf32, #tpu.memory_space<vmem>>, %arg4: memref<1x128xf32, #tpu.memory_space<vmem>>, %arg5: memref<1x128xf32, #tpu.memory_space<vmem>>, %arg6: memref<128x128xf32, #tpu.memory_space<vmem>>, %arg7: memref<1x128xf32, #tpu.memory_space<vmem>>, %arg8: memref<1x128xf32, #tpu.memory_space<vmem>>, %arg9: memref<6000x128xf32, #tpu.memory_space<vmem>>) attributes {dimension_semantics = [#tpu.dimension_semantics<arbitrary>], iteration_bounds = array<i64: 1>, scalar_prefetch = 0 : i64, scratch_operands = 0 : i64, tpu.core_type = #tpu.core_type<tc>, window_params = [{pipeline_mode = #tpu.pipeline_mode<synchronous>, transform_indices = @transform_0, window_bounds = array<i64: 6000, 128>}, {pipeline_mode = #tpu.pipeline_mode<synchronous>, transform_indices = @transform_1, window_bounds = array<i64: 6000, 128>}, {pipeline_mode = #tpu.pipeline_mode<synchronous>, transform_indices = @transform_2, window_bounds = array<i64: 128, 128>}, {pipeline_mode = #tpu.pipeline_mode<synchronous>, transform_indices = @transform_3, window_bounds = array<i64: 1, 128>}, {pipeline_mode = #tpu.pipeline_mode<synchronous>, transform_indices = @transform_4, window_bounds = array<i64: 1, 128>}, {pipeline_mode = #tpu.pipeline_mode<synchronous>, transform_indices = @transform_5, window_bounds = array<i64: 128, 128>}, {pipeline_mode = #tpu.pipeline_mode<synchronous>, transform_indices = @transform_6, window_bounds = array<i64: 1, 128>}, {pipeline_mode = #tpu.pipeline_mode<synchronous>, transform_indices = @transform_7, window_bounds = array<i64: 1, 128>}, {pipeline_mode = #tpu.pipeline_mode<synchronous>, transform_indices = @transform_8, window_bounds = array<i64: 6000, 128>}]} {
    %get3A = arith.constant 0 : index
    %get3A_0 = arith.constant 0 : index
    %get3A_1 = vector.load %arg1[%get3A, %get3A_0] : memref<6000x128xf32, #tpu.memory_space<vmem>>, vector<6000x128xf32>
    %get3A_2 = arith.constant 0 : index
    %get3A_3 = arith.constant 0 : index
    %get3A_4 = vector.load %arg3[%get3A_2, %get3A_3] : memref<128x128xf32, #tpu.memory_space<vmem>>, vector<128x128xf32>
    %dot_general3A = arith.constant dense<0.000000e+00> : vector<6000x128xf32>
    %dot_general3A_5 = tpu.matmul %get3A_1, %get3A_4, %dot_general3A {dimension_numbers = #tpu.dot_dimension_numbers<[1], [1], [0], [0], [0, 0, 1, 0], [], []>, transpose_lhs_hint = false} : vector<6000x128xf32>, vector<128x128xf32>, vector<6000x128xf32> -> vector<6000x128xf32>
    %get3A_6 = arith.constant 0 : index
    %get3A_7 = arith.constant 0 : index
    %get3A_8 = vector.load %arg2[%get3A_6, %get3A_7] : memref<6000x128xf32, #tpu.memory_space<vmem>>, vector<6000x128xf32>
    %add3A = arith.addf %dot_general3A_5, %get3A_8 : vector<6000x128xf32>
    %get3A_9 = arith.constant 0 : index
    %get3A_10 = arith.constant 0 : index
    %get3A_11 = vector.load %arg4[%get3A_9, %get3A_10] : memref<1x128xf32, #tpu.memory_space<vmem>>, vector<1x128xf32>
    %get3A_12 = arith.constant 0 : index
    %get3A_13 = arith.constant 0 : index
    %get3A_14 = vector.load %arg5[%get3A_12, %get3A_13] : memref<1x128xf32, #tpu.memory_space<vmem>>, vector<1x128xf32>
    %reduce_sum3A = arith.constant dense<0.000000e+00> : vector<6000xf32>
    %reduce_sum3A_15 = vector.multi_reduction <add>, %add3A, %reduce_sum3A [1] : vector<6000x128xf32> to vector<6000xf32>
    %broadcast_in_dim3A = vector.shape_cast %reduce_sum3A_15 : vector<6000xf32> to vector<6000x1xf32>
    %div3A = arith.constant 1.280000e+02 : f32
    %div3A_16 = vector.broadcast %div3A : f32 to vector<6000x1xf32>
    %div3A_17 = arith.divf %broadcast_in_dim3A, %div3A_16 : vector<6000x1xf32>
    %sub3A = vector.broadcast %div3A_17 : vector<6000x1xf32> to vector<6000x128xf32>
    %sub3A_18 = arith.subf %add3A, %sub3A : vector<6000x128xf32>
    %integer_pow3A = arith.mulf %sub3A_18, %sub3A_18 : vector<6000x128xf32>
    %reduce_sum3A_19 = arith.constant dense<0.000000e+00> : vector<6000xf32>
    %reduce_sum3A_20 = vector.multi_reduction <add>, %integer_pow3A, %reduce_sum3A_19 [1] : vector<6000x128xf32> to vector<6000xf32>
    %broadcast_in_dim3A_21 = vector.shape_cast %reduce_sum3A_20 : vector<6000xf32> to vector<6000x1xf32>
    %div3A_22 = arith.constant 1.280000e+02 : f32
    %div3A_23 = vector.broadcast %div3A_22 : f32 to vector<6000x1xf32>
    %div3A_24 = arith.divf %broadcast_in_dim3A_21, %div3A_23 : vector<6000x1xf32>
    %sub3A_25 = vector.broadcast %div3A_17 : vector<6000x1xf32> to vector<6000x128xf32>
    %sub3A_26 = arith.subf %add3A, %sub3A_25 : vector<6000x128xf32>
    %add3A_27 = arith.constant 9.99999974E-6 : f32
    %add3A_28 = vector.broadcast %add3A_27 : f32 to vector<6000x1xf32>
    %add3A_29 = arith.addf %div3A_24, %add3A_28 : vector<6000x1xf32>
    %sqrt3A = math.sqrt %add3A_29 : vector<6000x1xf32>
    %div3A_30 = vector.broadcast %sqrt3A : vector<6000x1xf32> to vector<6000x128xf32>
    %div3A_31 = arith.divf %sub3A_26, %div3A_30 : vector<6000x128xf32>
    %mul3A = vector.broadcast %get3A_11 : vector<1x128xf32> to vector<6000x128xf32>
    %mul3A_32 = arith.mulf %div3A_31, %mul3A : vector<6000x128xf32>
    %add3A_33 = vector.broadcast %get3A_14 : vector<1x128xf32> to vector<6000x128xf32>
    %add3A_34 = arith.addf %mul3A_32, %add3A_33 : vector<6000x128xf32>
    %max3A = arith.constant 0.000000e+00 : f32
    %max3A_35 = vector.broadcast %max3A : f32 to vector<6000x128xf32>
    %max3A_36 = arith.maximumf %add3A_34, %max3A_35 : vector<6000x128xf32>
    %get3A_37 = arith.constant 0 : index
    %get3A_38 = arith.constant 0 : index
    %get3A_39 = vector.load %arg6[%get3A_37, %get3A_38] : memref<128x128xf32, #tpu.memory_space<vmem>>, vector<128x128xf32>
    %dot_general3A_40 = arith.constant dense<0.000000e+00> : vector<6000x128xf32>
    %dot_general3A_41 = tpu.matmul %max3A_36, %get3A_39, %dot_general3A_40 {dimension_numbers = #tpu.dot_dimension_numbers<[1], [1], [0], [0], [0, 0, 1, 0], [], []>, transpose_lhs_hint = false} : vector<6000x128xf32>, vector<128x128xf32>, vector<6000x128xf32> -> vector<6000x128xf32>
    %get3A_42 = arith.constant 0 : index
    %get3A_43 = arith.constant 0 : index
    %get3A_44 = vector.load %arg7[%get3A_42, %get3A_43] : memref<1x128xf32, #tpu.memory_space<vmem>>, vector<1x128xf32>
    %get3A_45 = arith.constant 0 : index
    %get3A_46 = arith.constant 0 : index
    %get3A_47 = vector.load %arg8[%get3A_45, %get3A_46] : memref<1x128xf32, #tpu.memory_space<vmem>>, vector<1x128xf32>
    %reduce_sum3A_48 = arith.constant dense<0.000000e+00> : vector<6000xf32>
    %reduce_sum3A_49 = vector.multi_reduction <add>, %dot_general3A_41, %reduce_sum3A_48 [1] : vector<6000x128xf32> to vector<6000xf32>
    %broadcast_in_dim3A_50 = vector.shape_cast %reduce_sum3A_49 : vector<6000xf32> to vector<6000x1xf32>
    %div3A_51 = arith.constant 1.280000e+02 : f32
    %div3A_52 = vector.broadcast %div3A_51 : f32 to vector<6000x1xf32>
    %div3A_53 = arith.divf %broadcast_in_dim3A_50, %div3A_52 : vector<6000x1xf32>
    %sub3A_54 = vector.broadcast %div3A_53 : vector<6000x1xf32> to vector<6000x128xf32>
    %sub3A_55 = arith.subf %dot_general3A_41, %sub3A_54 : vector<6000x128xf32>
    %integer_pow3A_56 = arith.mulf %sub3A_55, %sub3A_55 : vector<6000x128xf32>
    %reduce_sum3A_57 = arith.constant dense<0.000000e+00> : vector<6000xf32>
    %reduce_sum3A_58 = vector.multi_reduction <add>, %integer_pow3A_56, %reduce_sum3A_57 [1] : vector<6000x128xf32> to vector<6000xf32>
    %broadcast_in_dim3A_59 = vector.shape_cast %reduce_sum3A_58 : vector<6000xf32> to vector<6000x1xf32>
    %div3A_60 = arith.constant 1.280000e+02 : f32
    %div3A_61 = vector.broadcast %div3A_60 : f32 to vector<6000x1xf32>
    %div3A_62 = arith.divf %broadcast_in_dim3A_59, %div3A_61 : vector<6000x1xf32>
    %sub3A_63 = vector.broadcast %div3A_53 : vector<6000x1xf32> to vector<6000x128xf32>
    %sub3A_64 = arith.subf %dot_general3A_41, %sub3A_63 : vector<6000x128xf32>
    %add3A_65 = arith.constant 9.99999974E-6 : f32
    %add3A_66 = vector.broadcast %add3A_65 : f32 to vector<6000x1xf32>
    %add3A_67 = arith.addf %div3A_62, %add3A_66 : vector<6000x1xf32>
    %sqrt3A_68 = math.sqrt %add3A_67 : vector<6000x1xf32>
    %div3A_69 = vector.broadcast %sqrt3A_68 : vector<6000x1xf32> to vector<6000x128xf32>
    %div3A_70 = arith.divf %sub3A_64, %div3A_69 : vector<6000x128xf32>
    %mul3A_71 = vector.broadcast %get3A_44 : vector<1x128xf32> to vector<6000x128xf32>
    %mul3A_72 = arith.mulf %div3A_70, %mul3A_71 : vector<6000x128xf32>
    %add3A_73 = vector.broadcast %get3A_47 : vector<1x128xf32> to vector<6000x128xf32>
    %add3A_74 = arith.addf %mul3A_72, %add3A_73 : vector<6000x128xf32>
    %add3A_75 = arith.addf %add3A_74, %get3A_1 : vector<6000x128xf32>
    %max3A_76 = arith.constant 0.000000e+00 : f32
    %max3A_77 = vector.broadcast %max3A_76 : f32 to vector<6000x128xf32>
    %max3A_78 = arith.maximumf %add3A_75, %max3A_77 : vector<6000x128xf32>
    %swap3A = arith.constant 0 : index
    %swap3A_79 = arith.constant 0 : index
    %swap3A_80 = vector.load %arg9[%swap3A, %swap3A_79] : memref<6000x128xf32, #tpu.memory_space<vmem>>, vector<6000x128xf32>
    tpu.vector_store %arg9[%swap3A, %swap3A_79], %max3A_78 {strides = array<i32>} : memref<6000x128xf32, #tpu.memory_space<vmem>>, vector<6000x128xf32>,
    return
  }
  func.func @transform_0(%arg0: i32) -> (i32, i32) {
    %c0_i32 = arith.constant 0 : i32
    %c0_i32_0 = arith.constant 0 : i32
    %c0_i32_1 = arith.constant 0 : i32
    return %c0_i32, %c0_i32_0 : i32, i32
  }
  func.func @transform_1(%arg0: i32) -> (i32, i32) {
    %c0_i32 = arith.constant 0 : i32
    %c0_i32_0 = arith.constant 0 : i32
    %c0_i32_1 = arith.constant 0 : i32
    return %c0_i32, %c0_i32_0 : i32, i32
  }
  func.func @transform_2(%arg0: i32) -> (i32, i32) {
    %c0_i32 = arith.constant 0 : i32
    %c0_i32_0 = arith.constant 0 : i32
    %c0_i32_1 = arith.constant 0 : i32
    return %c0_i32, %c0_i32_0 : i32, i32
  }
  func.func @transform_3(%arg0: i32) -> (i32, i32) {
    %c0_i32 = arith.constant 0 : i32
    %c0_i32_0 = arith.constant 0 : i32
    %c0_i32_1 = arith.constant 0 : i32
    return %c0_i32, %c0_i32_0 : i32, i32
  }
  func.func @transform_4(%arg0: i32) -> (i32, i32) {
    %c0_i32 = arith.constant 0 : i32
    %c0_i32_0 = arith.constant 0 : i32
    %c0_i32_1 = arith.constant 0 : i32
    return %c0_i32, %c0_i32_0 : i32, i32
  }
  func.func @transform_5(%arg0: i32) -> (i32, i32) {
    %c0_i32 = arith.constant 0 : i32
    %c0_i32_0 = arith.constant 0 : i32
    %c0_i32_1 = arith.constant 0 : i32
    return %c0_i32, %c0_i32_0 : i32, i32
  }
  func.func @transform_6(%arg0: i32) -> (i32, i32) {
    %c0_i32 = arith.constant 0 : i32
    %c0_i32_0 = arith.constant 0 : i32
    %c0_i32_1 = arith.constant 0 : i32
    return %c0_i32, %c0_i32_0 : i32, i32
  }
  func.func @transform_7(%arg0: i32) -> (i32, i32) {
    %c0_i32 = arith.constant 0 : i32
    %c0_i32_0 = arith.constant 0 : i32
    %c0_i32_1 = arith.constant 0 : i32
    return %c0_i32, %c0_i32_0 : i32, i32
  }
  func.func @transform_8(%arg0: i32) -> (i32, i32) {
    %c0_i32 = arith.constant 0 : i32
    %c0_i32_0 = arith.constant 0 : i32
    %c0_i32_1 = arith.constant 0 : i32
    return %c0_i32, %c0_i32_0 : i32, i32
  }
}

module attributes {stable_mosaic.version = 14 : i64} {
  func.func @_aq_body(%arg0: i32, %arg1: memref<6000x128xf32, #tpu.memory_space<vmem>>, %arg2: memref<128x128xf32, #tpu.memory_space<vmem>>, %arg3: memref<1x128xf32, #tpu.memory_space<vmem>>, %arg4: memref<1x128xf32, #tpu.memory_space<vmem>>, %arg5: memref<128x128xf32, #tpu.memory_space<vmem>>, %arg6: memref<6000x128xf32, #tpu.memory_space<vmem>>) attributes {dimension_semantics = [#tpu.dimension_semantics<arbitrary>], iteration_bounds = array<i64: 1>, scalar_prefetch = 0 : i64, scratch_operands = 0 : i64, tpu.core_type = #tpu.core_type<tc>, window_params = [{pipeline_mode = #tpu.pipeline_mode<synchronous>, transform_indices = @transform_0, window_bounds = array<i64: 6000, 128>}, {pipeline_mode = #tpu.pipeline_mode<synchronous>, transform_indices = @transform_1, window_bounds = array<i64: 128, 128>}, {pipeline_mode = #tpu.pipeline_mode<synchronous>, transform_indices = @transform_2, window_bounds = array<i64: 1, 128>}, {pipeline_mode = #tpu.pipeline_mode<synchronous>, transform_indices = @transform_3, window_bounds = array<i64: 1, 128>}, {pipeline_mode = #tpu.pipeline_mode<synchronous>, transform_indices = @transform_4, window_bounds = array<i64: 128, 128>}, {pipeline_mode = #tpu.pipeline_mode<synchronous>, transform_indices = @transform_5, window_bounds = array<i64: 6000, 128>}]} {
    %get3A = arith.constant 0 : index
    %get3A_0 = arith.constant 0 : index
    %get3A_1 = vector.load %arg1[%get3A, %get3A_0] : memref<6000x128xf32, #tpu.memory_space<vmem>>, vector<6000x128xf32>
    %get3A_2 = arith.constant 0 : index
    %get3A_3 = arith.constant 0 : index
    %get3A_4 = vector.load %arg2[%get3A_2, %get3A_3] : memref<128x128xf32, #tpu.memory_space<vmem>>, vector<128x128xf32>
    %dot_general3A = arith.constant dense<0.000000e+00> : vector<6000x128xf32>
    %dot_general3A_5 = tpu.matmul %get3A_1, %get3A_4, %dot_general3A {dimension_numbers = #tpu.dot_dimension_numbers<[1], [1], [0], [0], [0, 0, 1, 0], [], []>, transpose_lhs_hint = false} : vector<6000x128xf32>, vector<128x128xf32>, vector<6000x128xf32> -> vector<6000x128xf32>
    %get3A_6 = arith.constant 0 : index
    %get3A_7 = arith.constant 0 : index
    %get3A_8 = vector.load %arg3[%get3A_6, %get3A_7] : memref<1x128xf32, #tpu.memory_space<vmem>>, vector<1x128xf32>
    %get3A_9 = arith.constant 0 : index
    %get3A_10 = arith.constant 0 : index
    %get3A_11 = vector.load %arg4[%get3A_9, %get3A_10] : memref<1x128xf32, #tpu.memory_space<vmem>>, vector<1x128xf32>
    %reduce_sum3A = arith.constant dense<0.000000e+00> : vector<6000xf32>
    %reduce_sum3A_12 = vector.multi_reduction <add>, %dot_general3A_5, %reduce_sum3A [1] : vector<6000x128xf32> to vector<6000xf32>
    %broadcast_in_dim3A = vector.shape_cast %reduce_sum3A_12 : vector<6000xf32> to vector<6000x1xf32>
    %div3A = arith.constant 1.280000e+02 : f32
    %div3A_13 = vector.broadcast %div3A : f32 to vector<6000x1xf32>
    %div3A_14 = arith.divf %broadcast_in_dim3A, %div3A_13 : vector<6000x1xf32>
    %sub3A = vector.broadcast %div3A_14 : vector<6000x1xf32> to vector<6000x128xf32>
    %sub3A_15 = arith.subf %dot_general3A_5, %sub3A : vector<6000x128xf32>
    %integer_pow3A = arith.mulf %sub3A_15, %sub3A_15 : vector<6000x128xf32>
    %reduce_sum3A_16 = arith.constant dense<0.000000e+00> : vector<6000xf32>
    %reduce_sum3A_17 = vector.multi_reduction <add>, %integer_pow3A, %reduce_sum3A_16 [1] : vector<6000x128xf32> to vector<6000xf32>
    %broadcast_in_dim3A_18 = vector.shape_cast %reduce_sum3A_17 : vector<6000xf32> to vector<6000x1xf32>
    %div3A_19 = arith.constant 1.280000e+02 : f32
    %div3A_20 = vector.broadcast %div3A_19 : f32 to vector<6000x1xf32>
    %div3A_21 = arith.divf %broadcast_in_dim3A_18, %div3A_20 : vector<6000x1xf32>
    %sub3A_22 = vector.broadcast %div3A_14 : vector<6000x1xf32> to vector<6000x128xf32>
    %sub3A_23 = arith.subf %dot_general3A_5, %sub3A_22 : vector<6000x128xf32>
    %add3A = arith.constant 9.99999974E-6 : f32
    %add3A_24 = vector.broadcast %add3A : f32 to vector<6000x1xf32>
    %add3A_25 = arith.addf %div3A_21, %add3A_24 : vector<6000x1xf32>
    %sqrt3A = math.sqrt %add3A_25 : vector<6000x1xf32>
    %div3A_26 = vector.broadcast %sqrt3A : vector<6000x1xf32> to vector<6000x128xf32>
    %div3A_27 = arith.divf %sub3A_23, %div3A_26 : vector<6000x128xf32>
    %mul3A = vector.broadcast %get3A_8 : vector<1x128xf32> to vector<6000x128xf32>
    %mul3A_28 = arith.mulf %div3A_27, %mul3A : vector<6000x128xf32>
    %add3A_29 = vector.broadcast %get3A_11 : vector<1x128xf32> to vector<6000x128xf32>
    %add3A_30 = arith.addf %mul3A_28, %add3A_29 : vector<6000x128xf32>
    %max3A = arith.constant 0.000000e+00 : f32
    %max3A_31 = vector.broadcast %max3A : f32 to vector<6000x128xf32>
    %max3A_32 = arith.maximumf %add3A_30, %max3A_31 : vector<6000x128xf32>
    %get3A_33 = arith.constant 0 : index
    %get3A_34 = arith.constant 0 : index
    %get3A_35 = vector.load %arg5[%get3A_33, %get3A_34] : memref<128x128xf32, #tpu.memory_space<vmem>>, vector<128x128xf32>
    %dot_general3A_36 = arith.constant dense<0.000000e+00> : vector<6000x128xf32>
    %dot_general3A_37 = tpu.matmul %max3A_32, %get3A_35, %dot_general3A_36 {dimension_numbers = #tpu.dot_dimension_numbers<[1], [1], [0], [0], [0, 0, 1, 0], [], []>, transpose_lhs_hint = false} : vector<6000x128xf32>, vector<128x128xf32>, vector<6000x128xf32> -> vector<6000x128xf32>
    %swap3A = arith.constant 0 : index
    %swap3A_38 = arith.constant 0 : index
    %swap3A_39 = vector.load %arg6[%swap3A, %swap3A_38] : memref<6000x128xf32, #tpu.memory_space<vmem>>, vector<6000x128xf32>
    tpu.vector_store %arg6[%swap3A, %swap3A_38], %dot_general3A_37 {strides = array<i32>} : memref<6000x128xf32, #tpu.memory_space<vmem>>, vector<6000x128xf32>,
    return
  }
  func.func @transform_0(%arg0: i32) -> (i32, i32) {
    %c0_i32 = arith.constant 0 : i32
    %c0_i32_0 = arith.constant 0 : i32
    %c0_i32_1 = arith.constant 0 : i32
    return %c0_i32, %c0_i32_0 : i32, i32
  }
  func.func @transform_1(%arg0: i32) -> (i32, i32) {
    %c0_i32 = arith.constant 0 : i32
    %c0_i32_0 = arith.constant 0 : i32
    %c0_i32_1 = arith.constant 0 : i32
    return %c0_i32, %c0_i32_0 : i32, i32
  }
  func.func @transform_2(%arg0: i32) -> (i32, i32) {
    %c0_i32 = arith.constant 0 : i32
    %c0_i32_0 = arith.constant 0 : i32
    %c0_i32_1 = arith.constant 0 : i32
    return %c0_i32, %c0_i32_0 : i32, i32
  }
  func.func @transform_3(%arg0: i32) -> (i32, i32) {
    %c0_i32 = arith.constant 0 : i32
    %c0_i32_0 = arith.constant 0 : i32
    %c0_i32_1 = arith.constant 0 : i32
    return %c0_i32, %c0_i32_0 : i32, i32
  }
  func.func @transform_4(%arg0: i32) -> (i32, i32) {
    %c0_i32 = arith.constant 0 : i32
    %c0_i32_0 = arith.constant 0 : i32
    %c0_i32_1 = arith.constant 0 : i32
    return %c0_i32, %c0_i32_0 : i32, i32
  }
  func.func @transform_5(%arg0: i32) -> (i32, i32) {
    %c0_i32 = arith.constant 0 : i32
    %c0_i32_0 = arith.constant 0 : i32
    %c0_i32_1 = arith.constant 0 : i32
    return %c0_i32, %c0_i32_0 : i32, i32
  }
}

module attributes {stable_mosaic.version = 14 : i64} {
  func.func @_feats_body(%arg0: i32, %arg1: memref<6000x2xf32, #tpu.memory_space<vmem>>, %arg2: memref<6000x2xf32, #tpu.memory_space<vmem>>, %arg3: memref<6000x128xf32, #tpu.memory_space<vmem>>, %arg4: memref<128x2xf32, #tpu.memory_space<vmem>>, %arg5: memref<1x128xf32, #tpu.memory_space<vmem>>, %arg6: memref<128x128xf32, #tpu.memory_space<vmem>>, %arg7: memref<1x128xf32, #tpu.memory_space<vmem>>, %arg8: memref<1x128xf32, #tpu.memory_space<vmem>>, %arg9: memref<128x128xf32, #tpu.memory_space<vmem>>, %arg10: memref<128x128xf32, #tpu.memory_space<vmem>>, %arg11: memref<1x128xf32, #tpu.memory_space<vmem>>, %arg12: memref<1x128xf32, #tpu.memory_space<vmem>>, %arg13: memref<6000x128xf32, #tpu.memory_space<vmem>>) attributes {dimension_semantics = [#tpu.dimension_semantics<arbitrary>], iteration_bounds = array<i64: 1>, scalar_prefetch = 0 : i64, scratch_operands = 0 : i64, tpu.core_type = #tpu.core_type<tc>, window_params = [{pipeline_mode = #tpu.pipeline_mode<synchronous>, transform_indices = @transform_0, window_bounds = array<i64: 6000, 2>}, {pipeline_mode = #tpu.pipeline_mode<synchronous>, transform_indices = @transform_1, window_bounds = array<i64: 6000, 2>}, {pipeline_mode = #tpu.pipeline_mode<synchronous>, transform_indices = @transform_2, window_bounds = array<i64: 6000, 128>}, {pipeline_mode = #tpu.pipeline_mode<synchronous>, transform_indices = @transform_3, window_bounds = array<i64: 128, 2>}, {pipeline_mode = #tpu.pipeline_mode<synchronous>, transform_indices = @transform_4, window_bounds = array<i64: 1, 128>}, {pipeline_mode = #tpu.pipeline_mode<synchronous>, transform_indices = @transform_5, window_bounds = array<i64: 128, 128>}, {pipeline_mode = #tpu.pipeline_mode<synchronous>, transform_indices = @transform_6, window_bounds = array<i64: 1, 128>}, {pipeline_mode = #tpu.pipeline_mode<synchronous>, transform_indices = @transform_7, window_bounds = array<i64: 1, 128>}, {pipeline_mode = #tpu.pipeline_mode<synchronous>, transform_indices = @transform_8, window_bounds = array<i64: 128, 128>}, {pipeline_mode = #tpu.pipeline_mode<synchronous>, transform_indices = @transform_9, window_bounds = array<i64: 128, 128>}, {pipeline_mode = #tpu.pipeline_mode<synchronous>, transform_indices = @transform_10, window_bounds = array<i64: 1, 128>}, {pipeline_mode = #tpu.pipeline_mode<synchronous>, transform_indices = @transform_11, window_bounds = array<i64: 1, 128>}, {pipeline_mode = #tpu.pipeline_mode<synchronous>, transform_indices = @transform_12, window_bounds = array<i64: 6000, 128>}]} {
    %get3A = arith.constant 0 : index
    %get3A_0 = arith.constant 0 : index
    %get3A_1 = vector.load %arg1[%get3A, %get3A_0] : memref<6000x2xf32, #tpu.memory_space<vmem>>, vector<6000x2xf32>
    %get3A_2 = arith.constant 0 : index
    %get3A_3 = arith.constant 0 : index
    %get3A_4 = vector.load %arg2[%get3A_2, %get3A_3] : memref<6000x2xf32, #tpu.memory_space<vmem>>, vector<6000x2xf32>
    %sub3A = arith.subf %get3A_1, %get3A_4 : vector<6000x2xf32>
    %get3A_5 = arith.constant 0 : index
    %get3A_6 = arith.constant 0 : index
    %get3A_7 = vector.load %arg4[%get3A_5, %get3A_6] : memref<128x2xf32, #tpu.memory_space<vmem>>, vector<128x2xf32>
    %get3A_8 = arith.constant 0 : index
    %get3A_9 = arith.constant 0 : index
    %get3A_10 = vector.load %arg5[%get3A_8, %get3A_9] : memref<1x128xf32, #tpu.memory_space<vmem>>, vector<1x128xf32>
    %dot_general3A = arith.constant dense<0.000000e+00> : vector<6000x128xf32>
    %dot_general3A_11 = tpu.matmul %sub3A, %get3A_7, %dot_general3A {dimension_numbers = #tpu.dot_dimension_numbers<[1], [1], [0], [0], [0, 0, 1, 0], [], []>, transpose_lhs_hint = false} : vector<6000x2xf32>, vector<128x2xf32>, vector<6000x128xf32> -> vector<6000x128xf32>
    %add3A = vector.broadcast %get3A_10 : vector<1x128xf32> to vector<6000x128xf32>
    %add3A_12 = arith.addf %dot_general3A_11, %add3A : vector<6000x128xf32>
    %max3A = arith.constant 0.000000e+00 : f32
    %max3A_13 = vector.broadcast %max3A : f32 to vector<6000x128xf32>
    %max3A_14 = arith.maximumf %add3A_12, %max3A_13 : vector<6000x128xf32>
    %get3A_15 = arith.constant 0 : index
    %get3A_16 = arith.constant 0 : index
    %get3A_17 = vector.load %arg6[%get3A_15, %get3A_16] : memref<128x128xf32, #tpu.memory_space<vmem>>, vector<128x128xf32>
    %dot_general3A_18 = arith.constant dense<0.000000e+00> : vector<6000x128xf32>
    %dot_general3A_19 = tpu.matmul %max3A_14, %get3A_17, %dot_general3A_18 {dimension_numbers = #tpu.dot_dimension_numbers<[1], [1], [0], [0], [0, 0, 1, 0], [], []>, transpose_lhs_hint = false} : vector<6000x128xf32>, vector<128x128xf32>, vector<6000x128xf32> -> vector<6000x128xf32>
    %get3A_20 = arith.constant 0 : index
    %get3A_21 = arith.constant 0 : index
    %get3A_22 = vector.load %arg7[%get3A_20, %get3A_21] : memref<1x128xf32, #tpu.memory_space<vmem>>, vector<1x128xf32>
    %get3A_23 = arith.constant 0 : index
    %get3A_24 = arith.constant 0 : index
    %get3A_25 = vector.load %arg8[%get3A_23, %get3A_24] : memref<1x128xf32, #tpu.memory_space<vmem>>, vector<1x128xf32>
    %reduce_sum3A = arith.constant dense<0.000000e+00> : vector<6000xf32>
    %reduce_sum3A_26 = vector.multi_reduction <add>, %dot_general3A_19, %reduce_sum3A [1] : vector<6000x128xf32> to vector<6000xf32>
    %broadcast_in_dim3A = vector.shape_cast %reduce_sum3A_26 : vector<6000xf32> to vector<6000x1xf32>
    %div3A = arith.constant 1.280000e+02 : f32
    %div3A_27 = vector.broadcast %div3A : f32 to vector<6000x1xf32>
    %div3A_28 = arith.divf %broadcast_in_dim3A, %div3A_27 : vector<6000x1xf32>
    %sub3A_29 = vector.broadcast %div3A_28 : vector<6000x1xf32> to vector<6000x128xf32>
    %sub3A_30 = arith.subf %dot_general3A_19, %sub3A_29 : vector<6000x128xf32>
    %integer_pow3A = arith.mulf %sub3A_30, %sub3A_30 : vector<6000x128xf32>
    %reduce_sum3A_31 = arith.constant dense<0.000000e+00> : vector<6000xf32>
    %reduce_sum3A_32 = vector.multi_reduction <add>, %integer_pow3A, %reduce_sum3A_31 [1] : vector<6000x128xf32> to vector<6000xf32>
    %broadcast_in_dim3A_33 = vector.shape_cast %reduce_sum3A_32 : vector<6000xf32> to vector<6000x1xf32>
    %div3A_34 = arith.constant 1.280000e+02 : f32
    %div3A_35 = vector.broadcast %div3A_34 : f32 to vector<6000x1xf32>
    %div3A_36 = arith.divf %broadcast_in_dim3A_33, %div3A_35 : vector<6000x1xf32>
    %sub3A_37 = vector.broadcast %div3A_28 : vector<6000x1xf32> to vector<6000x128xf32>
    %sub3A_38 = arith.subf %dot_general3A_19, %sub3A_37 : vector<6000x128xf32>
    %add3A_39 = arith.constant 9.99999974E-6 : f32
    %add3A_40 = vector.broadcast %add3A_39 : f32 to vector<6000x1xf32>
    %add3A_41 = arith.addf %div3A_36, %add3A_40 : vector<6000x1xf32>
    %sqrt3A = math.sqrt %add3A_41 : vector<6000x1xf32>
    %div3A_42 = vector.broadcast %sqrt3A : vector<6000x1xf32> to vector<6000x128xf32>
    %div3A_43 = arith.divf %sub3A_38, %div3A_42 : vector<6000x128xf32>
    %mul3A = vector.broadcast %get3A_22 : vector<1x128xf32> to vector<6000x128xf32>
    %mul3A_44 = arith.mulf %div3A_43, %mul3A : vector<6000x128xf32>
    %add3A_45 = vector.broadcast %get3A_25 : vector<1x128xf32> to vector<6000x128xf32>
    %add3A_46 = arith.addf %mul3A_44, %add3A_45 : vector<6000x128xf32>
    %max3A_47 = arith.constant 0.000000e+00 : f32
    %max3A_48 = vector.broadcast %max3A_47 : f32 to vector<6000x128xf32>
    %max3A_49 = arith.maximumf %add3A_46, %max3A_48 : vector<6000x128xf32>
    %get3A_50 = arith.constant 0 : index
    %get3A_51 = arith.constant 0 : index
    %get3A_52 = vector.load %arg9[%get3A_50, %get3A_51] : memref<128x128xf32, #tpu.memory_space<vmem>>, vector<128x128xf32>
    %dot_general3A_53 = arith.constant dense<0.000000e+00> : vector<6000x128xf32>
    %dot_general3A_54 = tpu.matmul %max3A_49, %get3A_52, %dot_general3A_53 {dimension_numbers = #tpu.dot_dimension_numbers<[1], [1], [0], [0], [0, 0, 1, 0], [], []>, transpose_lhs_hint = false} : vector<6000x128xf32>, vector<128x128xf32>, vector<6000x128xf32> -> vector<6000x128xf32>
    %get3A_55 = arith.constant 0 : index
    %get3A_56 = arith.constant 0 : index
    %get3A_57 = vector.load %arg3[%get3A_55, %get3A_56] : memref<6000x128xf32, #tpu.memory_space<vmem>>, vector<6000x128xf32>
    %get3A_58 = arith.constant 0 : index
    %get3A_59 = arith.constant 0 : index
    %get3A_60 = vector.load %arg10[%get3A_58, %get3A_59] : memref<128x128xf32, #tpu.memory_space<vmem>>, vector<128x128xf32>
    %dot_general3A_61 = arith.constant dense<0.000000e+00> : vector<6000x128xf32>
    %dot_general3A_62 = tpu.matmul %get3A_57, %get3A_60, %dot_general3A_61 {dimension_numbers = #tpu.dot_dimension_numbers<[1], [1], [0], [0], [0, 0, 1, 0], [], []>, transpose_lhs_hint = false} : vector<6000x128xf32>, vector<128x128xf32>, vector<6000x128xf32> -> vector<6000x128xf32>
    %add3A_63 = arith.addf %dot_general3A_54, %dot_general3A_62 : vector<6000x128xf32>
    %get3A_64 = arith.constant 0 : index
    %get3A_65 = arith.constant 0 : index
    %get3A_66 = vector.load %arg11[%get3A_64, %get3A_65] : memref<1x128xf32, #tpu.memory_space<vmem>>, vector<1x128xf32>
    %get3A_67 = arith.constant 0 : index
    %get3A_68 = arith.constant 0 : index
    %get3A_69 = vector.load %arg12[%get3A_67, %get3A_68] : memref<1x128xf32, #tpu.memory_space<vmem>>, vector<1x128xf32>
    %reduce_sum3A_70 = arith.constant dense<0.000000e+00> : vector<6000xf32>
    %reduce_sum3A_71 = vector.multi_reduction <add>, %add3A_63, %reduce_sum3A_70 [1] : vector<6000x128xf32> to vector<6000xf32>
    %broadcast_in_dim3A_72 = vector.shape_cast %reduce_sum3A_71 : vector<6000xf32> to vector<6000x1xf32>
    %div3A_73 = arith.constant 1.280000e+02 : f32
    %div3A_74 = vector.broadcast %div3A_73 : f32 to vector<6000x1xf32>
    %div3A_75 = arith.divf %broadcast_in_dim3A_72, %div3A_74 : vector<6000x1xf32>
    %sub3A_76 = vector.broadcast %div3A_75 : vector<6000x1xf32> to vector<6000x128xf32>
    %sub3A_77 = arith.subf %add3A_63, %sub3A_76 : vector<6000x128xf32>
    %integer_pow3A_78 = arith.mulf %sub3A_77, %sub3A_77 : vector<6000x128xf32>
    %reduce_sum3A_79 = arith.constant dense<0.000000e+00> : vector<6000xf32>
    %reduce_sum3A_80 = vector.multi_reduction <add>, %integer_pow3A_78, %reduce_sum3A_79 [1] : vector<6000x128xf32> to vector<6000xf32>
    %broadcast_in_dim3A_81 = vector.shape_cast %reduce_sum3A_80 : vector<6000xf32> to vector<6000x1xf32>
    %div3A_82 = arith.constant 1.280000e+02 : f32
    %div3A_83 = vector.broadcast %div3A_82 : f32 to vector<6000x1xf32>
    %div3A_84 = arith.divf %broadcast_in_dim3A_81, %div3A_83 : vector<6000x1xf32>
    %sub3A_85 = vector.broadcast %div3A_75 : vector<6000x1xf32> to vector<6000x128xf32>
    %sub3A_86 = arith.subf %add3A_63, %sub3A_85 : vector<6000x128xf32>
    %add3A_87 = arith.constant 9.99999974E-6 : f32
    %add3A_88 = vector.broadcast %add3A_87 : f32 to vector<6000x1xf32>
    %add3A_89 = arith.addf %div3A_84, %add3A_88 : vector<6000x1xf32>
    %sqrt3A_90 = math.sqrt %add3A_89 : vector<6000x1xf32>
    %div3A_91 = vector.broadcast %sqrt3A_90 : vector<6000x1xf32> to vector<6000x128xf32>
    %div3A_92 = arith.divf %sub3A_86, %div3A_91 : vector<6000x128xf32>
    %mul3A_93 = vector.broadcast %get3A_66 : vector<1x128xf32> to vector<6000x128xf32>
    %mul3A_94 = arith.mulf %div3A_92, %mul3A_93 : vector<6000x128xf32>
    %add3A_95 = vector.broadcast %get3A_69 : vector<1x128xf32> to vector<6000x128xf32>
    %add3A_96 = arith.addf %mul3A_94, %add3A_95 : vector<6000x128xf32>
    %max3A_97 = arith.constant 0.000000e+00 : f32
    %max3A_98 = vector.broadcast %max3A_97 : f32 to vector<6000x128xf32>
    %max3A_99 = arith.maximumf %add3A_96, %max3A_98 : vector<6000x128xf32>
    %swap3A = arith.constant 0 : index
    %swap3A_100 = arith.constant 0 : index
    %swap3A_101 = vector.load %arg13[%swap3A, %swap3A_100] : memref<6000x128xf32, #tpu.memory_space<vmem>>, vector<6000x128xf32>
    tpu.vector_store %arg13[%swap3A, %swap3A_100], %max3A_99 {strides = array<i32>} : memref<6000x128xf32, #tpu.memory_space<vmem>>, vector<6000x128xf32>,
    return
  }
  func.func @transform_0(%arg0: i32) -> (i32, i32) {
    %c0_i32 = arith.constant 0 : i32
    %c0_i32_0 = arith.constant 0 : i32
    %c0_i32_1 = arith.constant 0 : i32
    return %c0_i32, %c0_i32_0 : i32, i32
  }
  func.func @transform_1(%arg0: i32) -> (i32, i32) {
    %c0_i32 = arith.constant 0 : i32
    %c0_i32_0 = arith.constant 0 : i32
    %c0_i32_1 = arith.constant 0 : i32
    return %c0_i32, %c0_i32_0 : i32, i32
  }
  func.func @transform_2(%arg0: i32) -> (i32, i32) {
    %c0_i32 = arith.constant 0 : i32
    %c0_i32_0 = arith.constant 0 : i32
    %c0_i32_1 = arith.constant 0 : i32
    return %c0_i32, %c0_i32_0 : i32, i32
  }
  func.func @transform_3(%arg0: i32) -> (i32, i32) {
    %c0_i32 = arith.constant 0 : i32
    %c0_i32_0 = arith.constant 0 : i32
    %c0_i32_1 = arith.constant 0 : i32
    return %c0_i32, %c0_i32_0 : i32, i32
  }
  func.func @transform_4(%arg0: i32) -> (i32, i32) {
    %c0_i32 = arith.constant 0 : i32
    %c0_i32_0 = arith.constant 0 : i32
    %c0_i32_1 = arith.constant 0 : i32
    return %c0_i32, %c0_i32_0 : i32, i32
  }
  func.func @transform_5(%arg0: i32) -> (i32, i32) {
    %c0_i32 = arith.constant 0 : i32
    %c0_i32_0 = arith.constant 0 : i32
    %c0_i32_1 = arith.constant 0 : i32
    return %c0_i32, %c0_i32_0 : i32, i32
  }
  func.func @transform_6(%arg0: i32) -> (i32, i32) {
    %c0_i32 = arith.constant 0 : i32
    %c0_i32_0 = arith.constant 0 : i32
    %c0_i32_1 = arith.constant 0 : i32
    return %c0_i32, %c0_i32_0 : i32, i32
  }
  func.func @transform_7(%arg0: i32) -> (i32, i32) {
    %c0_i32 = arith.constant 0 : i32
    %c0_i32_0 = arith.constant 0 : i32
    %c0_i32_1 = arith.constant 0 : i32
    return %c0_i32, %c0_i32_0 : i32, i32
  }
  func.func @transform_8(%arg0: i32) -> (i32, i32) {
    %c0_i32 = arith.constant 0 : i32
    %c0_i32_0 = arith.constant 0 : i32
    %c0_i32_1 = arith.constant 0 : i32
    return %c0_i32, %c0_i32_0 : i32, i32
  }
  func.func @transform_9(%arg0: i32) -> (i32, i32) {
    %c0_i32 = arith.constant 0 : i32
    %c0_i32_0 = arith.constant 0 : i32
    %c0_i32_1 = arith.constant 0 : i32
    return %c0_i32, %c0_i32_0 : i32, i32
  }
  func.func @transform_10(%arg0: i32) -> (i32, i32) {
    %c0_i32 = arith.constant 0 : i32
    %c0_i32_0 = arith.constant 0 : i32
    %c0_i32_1 = arith.constant 0 : i32
    return %c0_i32, %c0_i32_0 : i32, i32
  }
  func.func @transform_11(%arg0: i32) -> (i32, i32) {
    %c0_i32 = arith.constant 0 : i32
    %c0_i32_0 = arith.constant 0 : i32
    %c0_i32_1 = arith.constant 0 : i32
    return %c0_i32, %c0_i32_0 : i32, i32
  }
  func.func @transform_12(%arg0: i32) -> (i32, i32) {
    %c0_i32 = arith.constant 0 : i32
    %c0_i32_0 = arith.constant 0 : i32
    %c0_i32_1 = arith.constant 0 : i32
    return %c0_i32, %c0_i32_0 : i32, i32
  }
}

module attributes {stable_mosaic.version = 14 : i64} {
  func.func @_cls_body(%arg0: i32, %arg1: memref<6000x128xf32, #tpu.memory_space<vmem>>, %arg2: memref<128x128xf32, #tpu.memory_space<vmem>>, %arg3: memref<1x128xf32, #tpu.memory_space<vmem>>, %arg4: memref<1x128xf32, #tpu.memory_space<vmem>>, %arg5: memref<128x128xf32, #tpu.memory_space<vmem>>, %arg6: memref<1x128xf32, #tpu.memory_space<vmem>>, %arg7: memref<1x128xf32, #tpu.memory_space<vmem>>, %arg8: memref<6000x128xf32, #tpu.memory_space<vmem>>) attributes {dimension_semantics = [#tpu.dimension_semantics<arbitrary>], iteration_bounds = array<i64: 1>, scalar_prefetch = 0 : i64, scratch_operands = 0 : i64, tpu.core_type = #tpu.core_type<tc>, window_params = [{pipeline_mode = #tpu.pipeline_mode<synchronous>, transform_indices = @transform_0, window_bounds = array<i64: 6000, 128>}, {pipeline_mode = #tpu.pipeline_mode<synchronous>, transform_indices = @transform_1, window_bounds = array<i64: 128, 128>}, {pipeline_mode = #tpu.pipeline_mode<synchronous>, transform_indices = @transform_2, window_bounds = array<i64: 1, 128>}, {pipeline_mode = #tpu.pipeline_mode<synchronous>, transform_indices = @transform_3, window_bounds = array<i64: 1, 128>}, {pipeline_mode = #tpu.pipeline_mode<synchronous>, transform_indices = @transform_4, window_bounds = array<i64: 128, 128>}, {pipeline_mode = #tpu.pipeline_mode<synchronous>, transform_indices = @transform_5, window_bounds = array<i64: 1, 128>}, {pipeline_mode = #tpu.pipeline_mode<synchronous>, transform_indices = @transform_6, window_bounds = array<i64: 1, 128>}, {pipeline_mode = #tpu.pipeline_mode<synchronous>, transform_indices = @transform_7, window_bounds = array<i64: 6000, 128>}]} {
    %get3A = arith.constant 0 : index
    %get3A_0 = arith.constant 0 : index
    %get3A_1 = vector.load %arg1[%get3A, %get3A_0] : memref<6000x128xf32, #tpu.memory_space<vmem>>, vector<6000x128xf32>
    %get3A_2 = arith.constant 0 : index
    %get3A_3 = arith.constant 0 : index
    %get3A_4 = vector.load %arg2[%get3A_2, %get3A_3] : memref<128x128xf32, #tpu.memory_space<vmem>>, vector<128x128xf32>
    %dot_general3A = arith.constant dense<0.000000e+00> : vector<6000x128xf32>
    %dot_general3A_5 = tpu.matmul %get3A_1, %get3A_4, %dot_general3A {dimension_numbers = #tpu.dot_dimension_numbers<[1], [1], [0], [0], [0, 0, 1, 0], [], []>, transpose_lhs_hint = false} : vector<6000x128xf32>, vector<128x128xf32>, vector<6000x128xf32> -> vector<6000x128xf32>
    %get3A_6 = arith.constant 0 : index
    %get3A_7 = arith.constant 0 : index
    %get3A_8 = vector.load %arg3[%get3A_6, %get3A_7] : memref<1x128xf32, #tpu.memory_space<vmem>>, vector<1x128xf32>
    %get3A_9 = arith.constant 0 : index
    %get3A_10 = arith.constant 0 : index
    %get3A_11 = vector.load %arg4[%get3A_9, %get3A_10] : memref<1x128xf32, #tpu.memory_space<vmem>>, vector<1x128xf32>
    %reduce_sum3A = arith.constant dense<0.000000e+00> : vector<6000xf32>
    %reduce_sum3A_12 = vector.multi_reduction <add>, %dot_general3A_5, %reduce_sum3A [1] : vector<6000x128xf32> to vector<6000xf32>
    %broadcast_in_dim3A = vector.shape_cast %reduce_sum3A_12 : vector<6000xf32> to vector<6000x1xf32>
    %div3A = arith.constant 1.280000e+02 : f32
    %div3A_13 = vector.broadcast %div3A : f32 to vector<6000x1xf32>
    %div3A_14 = arith.divf %broadcast_in_dim3A, %div3A_13 : vector<6000x1xf32>
    %sub3A = vector.broadcast %div3A_14 : vector<6000x1xf32> to vector<6000x128xf32>
    %sub3A_15 = arith.subf %dot_general3A_5, %sub3A : vector<6000x128xf32>
    %integer_pow3A = arith.mulf %sub3A_15, %sub3A_15 : vector<6000x128xf32>
    %reduce_sum3A_16 = arith.constant dense<0.000000e+00> : vector<6000xf32>
    %reduce_sum3A_17 = vector.multi_reduction <add>, %integer_pow3A, %reduce_sum3A_16 [1] : vector<6000x128xf32> to vector<6000xf32>
    %broadcast_in_dim3A_18 = vector.shape_cast %reduce_sum3A_17 : vector<6000xf32> to vector<6000x1xf32>
    %div3A_19 = arith.constant 1.280000e+02 : f32
    %div3A_20 = vector.broadcast %div3A_19 : f32 to vector<6000x1xf32>
    %div3A_21 = arith.divf %broadcast_in_dim3A_18, %div3A_20 : vector<6000x1xf32>
    %sub3A_22 = vector.broadcast %div3A_14 : vector<6000x1xf32> to vector<6000x128xf32>
    %sub3A_23 = arith.subf %dot_general3A_5, %sub3A_22 : vector<6000x128xf32>
    %add3A = arith.constant 9.99999974E-6 : f32
    %add3A_24 = vector.broadcast %add3A : f32 to vector<6000x1xf32>
    %add3A_25 = arith.addf %div3A_21, %add3A_24 : vector<6000x1xf32>
    %sqrt3A = math.sqrt %add3A_25 : vector<6000x1xf32>
    %div3A_26 = vector.broadcast %sqrt3A : vector<6000x1xf32> to vector<6000x128xf32>
    %div3A_27 = arith.divf %sub3A_23, %div3A_26 : vector<6000x128xf32>
    %mul3A = vector.broadcast %get3A_8 : vector<1x128xf32> to vector<6000x128xf32>
    %mul3A_28 = arith.mulf %div3A_27, %mul3A : vector<6000x128xf32>
    %add3A_29 = vector.broadcast %get3A_11 : vector<1x128xf32> to vector<6000x128xf32>
    %add3A_30 = arith.addf %mul3A_28, %add3A_29 : vector<6000x128xf32>
    %max3A = arith.constant 0.000000e+00 : f32
    %max3A_31 = vector.broadcast %max3A : f32 to vector<6000x128xf32>
    %max3A_32 = arith.maximumf %add3A_30, %max3A_31 : vector<6000x128xf32>
    %get3A_33 = arith.constant 0 : index
    %get3A_34 = arith.constant 0 : index
    %get3A_35 = vector.load %arg5[%get3A_33, %get3A_34] : memref<128x128xf32, #tpu.memory_space<vmem>>, vector<128x128xf32>
    %dot_general3A_36 = arith.constant dense<0.000000e+00> : vector<6000x128xf32>
    %dot_general3A_37 = tpu.matmul %max3A_32, %get3A_35, %dot_general3A_36 {dimension_numbers = #tpu.dot_dimension_numbers<[1], [1], [0], [0], [0, 0, 1, 0], [], []>, transpose_lhs_hint = false} : vector<6000x128xf32>, vector<128x128xf32>, vector<6000x128xf32> -> vector<6000x128xf32>
    %get3A_38 = arith.constant 0 : index
    %get3A_39 = arith.constant 0 : index
    %get3A_40 = vector.load %arg6[%get3A_38, %get3A_39] : memref<1x128xf32, #tpu.memory_space<vmem>>, vector<1x128xf32>
    %get3A_41 = arith.constant 0 : index
    %get3A_42 = arith.constant 0 : index
    %get3A_43 = vector.load %arg7[%get3A_41, %get3A_42] : memref<1x128xf32, #tpu.memory_space<vmem>>, vector<1x128xf32>
    %reduce_sum3A_44 = arith.constant dense<0.000000e+00> : vector<6000xf32>
    %reduce_sum3A_45 = vector.multi_reduction <add>, %dot_general3A_37, %reduce_sum3A_44 [1] : vector<6000x128xf32> to vector<6000xf32>
    %broadcast_in_dim3A_46 = vector.shape_cast %reduce_sum3A_45 : vector<6000xf32> to vector<6000x1xf32>
    %div3A_47 = arith.constant 1.280000e+02 : f32
    %div3A_48 = vector.broadcast %div3A_47 : f32 to vector<6000x1xf32>
    %div3A_49 = arith.divf %broadcast_in_dim3A_46, %div3A_48 : vector<6000x1xf32>
    %sub3A_50 = vector.broadcast %div3A_49 : vector<6000x1xf32> to vector<6000x128xf32>
    %sub3A_51 = arith.subf %dot_general3A_37, %sub3A_50 : vector<6000x128xf32>
    %integer_pow3A_52 = arith.mulf %sub3A_51, %sub3A_51 : vector<6000x128xf32>
    %reduce_sum3A_53 = arith.constant dense<0.000000e+00> : vector<6000xf32>
    %reduce_sum3A_54 = vector.multi_reduction <add>, %integer_pow3A_52, %reduce_sum3A_53 [1] : vector<6000x128xf32> to vector<6000xf32>
    %broadcast_in_dim3A_55 = vector.shape_cast %reduce_sum3A_54 : vector<6000xf32> to vector<6000x1xf32>
    %div3A_56 = arith.constant 1.280000e+02 : f32
    %div3A_57 = vector.broadcast %div3A_56 : f32 to vector<6000x1xf32>
    %div3A_58 = arith.divf %broadcast_in_dim3A_55, %div3A_57 : vector<6000x1xf32>
    %sub3A_59 = vector.broadcast %div3A_49 : vector<6000x1xf32> to vector<6000x128xf32>
    %sub3A_60 = arith.subf %dot_general3A_37, %sub3A_59 : vector<6000x128xf32>
    %add3A_61 = arith.constant 9.99999974E-6 : f32
    %add3A_62 = vector.broadcast %add3A_61 : f32 to vector<6000x1xf32>
    %add3A_63 = arith.addf %div3A_58, %add3A_62 : vector<6000x1xf32>
    %sqrt3A_64 = math.sqrt %add3A_63 : vector<6000x1xf32>
    %div3A_65 = vector.broadcast %sqrt3A_64 : vector<6000x1xf32> to vector<6000x128xf32>
    %div3A_66 = arith.divf %sub3A_60, %div3A_65 : vector<6000x128xf32>
    %mul3A_67 = vector.broadcast %get3A_40 : vector<1x128xf32> to vector<6000x128xf32>
    %mul3A_68 = arith.mulf %div3A_66, %mul3A_67 : vector<6000x128xf32>
    %add3A_69 = vector.broadcast %get3A_43 : vector<1x128xf32> to vector<6000x128xf32>
    %add3A_70 = arith.addf %mul3A_68, %add3A_69 : vector<6000x128xf32>
    %add3A_71 = arith.addf %add3A_70, %get3A_1 : vector<6000x128xf32>
    %max3A_72 = arith.constant 0.000000e+00 : f32
    %max3A_73 = vector.broadcast %max3A_72 : f32 to vector<6000x128xf32>
    %max3A_74 = arith.maximumf %add3A_71, %max3A_73 : vector<6000x128xf32>
    %swap3A = arith.constant 0 : index
    %swap3A_75 = arith.constant 0 : index
    %swap3A_76 = vector.load %arg8[%swap3A, %swap3A_75] : memref<6000x128xf32, #tpu.memory_space<vmem>>, vector<6000x128xf32>
    tpu.vector_store %arg8[%swap3A, %swap3A_75], %max3A_74 {strides = array<i32>} : memref<6000x128xf32, #tpu.memory_space<vmem>>, vector<6000x128xf32>,
    return
  }
  func.func @transform_0(%arg0: i32) -> (i32, i32) {
    %c0_i32 = arith.constant 0 : i32
    %c0_i32_0 = arith.constant 0 : i32
    %c0_i32_1 = arith.constant 0 : i32
    return %c0_i32, %c0_i32_0 : i32, i32
  }
  func.func @transform_1(%arg0: i32) -> (i32, i32) {
    %c0_i32 = arith.constant 0 : i32
    %c0_i32_0 = arith.constant 0 : i32
    %c0_i32_1 = arith.constant 0 : i32
    return %c0_i32, %c0_i32_0 : i32, i32
  }
  func.func @transform_2(%arg0: i32) -> (i32, i32) {
    %c0_i32 = arith.constant 0 : i32
    %c0_i32_0 = arith.constant 0 : i32
    %c0_i32_1 = arith.constant 0 : i32
    return %c0_i32, %c0_i32_0 : i32, i32
  }
  func.func @transform_3(%arg0: i32) -> (i32, i32) {
    %c0_i32 = arith.constant 0 : i32
    %c0_i32_0 = arith.constant 0 : i32
    %c0_i32_1 = arith.constant 0 : i32
    return %c0_i32, %c0_i32_0 : i32, i32
  }
  func.func @transform_4(%arg0: i32) -> (i32, i32) {
    %c0_i32 = arith.constant 0 : i32
    %c0_i32_0 = arith.constant 0 : i32
    %c0_i32_1 = arith.constant 0 : i32
    return %c0_i32, %c0_i32_0 : i32, i32
  }
  func.func @transform_5(%arg0: i32) -> (i32, i32) {
    %c0_i32 = arith.constant 0 : i32
    %c0_i32_0 = arith.constant 0 : i32
    %c0_i32_1 = arith.constant 0 : i32
    return %c0_i32, %c0_i32_0 : i32, i32
  }
  func.func @transform_6(%arg0: i32) -> (i32, i32) {
    %c0_i32 = arith.constant 0 : i32
    %c0_i32_0 = arith.constant 0 : i32
    %c0_i32_1 = arith.constant 0 : i32
    return %c0_i32, %c0_i32_0 : i32, i32
  }
  func.func @transform_7(%arg0: i32) -> (i32, i32) {
    %c0_i32 = arith.constant 0 : i32
    %c0_i32_0 = arith.constant 0 : i32
    %c0_i32_1 = arith.constant 0 : i32
    return %c0_i32, %c0_i32_0 : i32, i32
  }
}

module attributes {stable_mosaic.version = 14 : i64} {
  func.func @_sort_body(%arg0: i32, %arg1: memref<1000x6xf32, #tpu.memory_space<vmem>>, %arg2: memref<1000x12xf32, #tpu.memory_space<vmem>>, %arg3: memref<1000x6xf32, #tpu.memory_space<vmem>>, %arg4: memref<1000x12xf32, #tpu.memory_space<vmem>>) attributes {dimension_semantics = [#tpu.dimension_semantics<arbitrary>], iteration_bounds = array<i64: 1>, scalar_prefetch = 0 : i64, scratch_operands = 0 : i64, tpu.core_type = #tpu.core_type<tc>, window_params = [{pipeline_mode = #tpu.pipeline_mode<synchronous>, transform_indices = @transform_0, window_bounds = array<i64: 1000, 6>}, {pipeline_mode = #tpu.pipeline_mode<synchronous>, transform_indices = @transform_1, window_bounds = array<i64: 1000, 12>}, {pipeline_mode = #tpu.pipeline_mode<synchronous>, transform_indices = @transform_2, window_bounds = array<i64: 1000, 6>}, {pipeline_mode = #tpu.pipeline_mode<synchronous>, transform_indices = @transform_3, window_bounds = array<i64: 1000, 12>}]} {
    %get3A = arith.constant 0 : index
    %get3A_0 = arith.constant 0 : index
    %get3A_1 = vector.load %arg1[%get3A, %get3A_0] : memref<1000x6xf32, #tpu.memory_space<vmem>>, vector<1000x6xf32>
    %reduce_max3A = arith.constant dense<0xFF800000> : vector<1000xf32>
    %reduce_max3A_2 = vector.multi_reduction <maximumf>, %get3A_1, %reduce_max3A [1] : vector<1000x6xf32> to vector<1000xf32>
    %broadcast_in_dim3A = vector.shape_cast %reduce_max3A_2 : vector<1000xf32> to vector<1000x1xf32>
    %sub3A = vector.broadcast %broadcast_in_dim3A : vector<1000x1xf32> to vector<1000x6xf32>
    %sub3A_3 = arith.subf %get3A_1, %sub3A : vector<1000x6xf32>
    %exp3A = math.exp %sub3A_3 : vector<1000x6xf32>
    %reduce_sum3A = arith.constant dense<0.000000e+00> : vector<1000xf32>
    %reduce_sum3A_4 = vector.multi_reduction <add>, %exp3A, %reduce_sum3A [1] : vector<1000x6xf32> to vector<1000xf32>
    %broadcast_in_dim3A_5 = vector.shape_cast %reduce_sum3A_4 : vector<1000xf32> to vector<1000x1xf32>
    %div3A = vector.broadcast %broadcast_in_dim3A_5 : vector<1000x1xf32> to vector<1000x6xf32>
    %div3A_6 = arith.divf %exp3A, %div3A : vector<1000x6xf32>
    %iota3A = tpu.iota {dimensions = array<i32: 1>} : vector<1000x6xi32>
    %reduce_max3A_7 = arith.constant dense<0xFF800000> : vector<1000xf32>
    %reduce_max3A_8 = vector.multi_reduction <maximumf>, %div3A_6, %reduce_max3A_7 [1] : vector<1000x6xf32> to vector<1000xf32>
    %broadcast_in_dim3A_9 = vector.shape_cast %reduce_max3A_8 : vector<1000xf32> to vector<1000x1xf32>
    %eq3A = vector.broadcast %broadcast_in_dim3A_9 : vector<1000x1xf32> to vector<1000x6xf32>
    %eq3A_10 = arith.cmpf oeq, %div3A_6, %eq3A : vector<1000x6xf32>
    %jit3A = arith.constant 6 : i32
    %broadcast_in_dim3A_11 = vector.broadcast %jit3A : i32 to vector<1000x6xi32>
    %select_n3A = arith.select %eq3A_10, %iota3A, %broadcast_in_dim3A_11 : vector<1000x6xi1>, vector<1000x6xi32>
    %reduce_min3A = arith.constant dense<2147483647> : vector<1000xi32>
    %reduce_min3A_12 = vector.multi_reduction <minsi>, %select_n3A, %reduce_min3A [1] : vector<1000x6xi32> to vector<1000xi32>
    %broadcast_in_dim3A_13 = vector.shape_cast %reduce_min3A_12 : vector<1000xi32> to vector<1000x1xi32>
    %broadcast_in_dim3A_14 = arith.constant 0.000000e+00 : f32
    %broadcast_in_dim3A_15 = vector.broadcast %broadcast_in_dim3A_14 : f32 to vector<1000x2xf32>
    %eq3A_16 = arith.constant 0 : i32
    %eq3A_17 = vector.broadcast %eq3A_16 : i32 to vector<1000x1xi32>
    %eq3A_18 = arith.cmpi eq, %broadcast_in_dim3A_13, %eq3A_17 : vector<1000x1xi32>
    %get3A_19 = arith.constant 0 : index
    %get3A_20 = arith.constant 0 : index
    %get3A_21 = vector.load %arg2[%get3A_19, %get3A_20] : memref<1000x12xf32, #tpu.memory_space<vmem>>, vector<1000x2xf32>
    %jit3A_22 = arith.constant 0.000000e+00 : f32
    %broadcast_in_dim3A_23 = vector.shape_cast %eq3A_18 : vector<1000x1xi1> to vector<1000x1xi1>
    %broadcast_in_dim3A_24 = vector.broadcast %broadcast_in_dim3A_23 : vector<1000x1xi1> to vector<1000x2xi1>
    %broadcast_in_dim3A_25 = vector.broadcast %jit3A_22 : f32 to vector<1000x2xf32>
    %select_n3A_26 = arith.select %broadcast_in_dim3A_24, %get3A_21, %broadcast_in_dim3A_25 : vector<1000x2xi1>, vector<1000x2xf32>
    %add3A = arith.addf %broadcast_in_dim3A_15, %select_n3A_26 : vector<1000x2xf32>
    %eq3A_27 = arith.constant 1 : i32
    %eq3A_28 = vector.broadcast %eq3A_27 : i32 to vector<1000x1xi32>
    %eq3A_29 = arith.cmpi eq, %broadcast_in_dim3A_13, %eq3A_28 : vector<1000x1xi32>
    %get3A_30 = arith.constant 0 : index
    %get3A_31 = arith.constant 2 : index
    %get3A_32 = vector.load %arg2[%get3A_30, %get3A_31] : memref<1000x12xf32, #tpu.memory_space<vmem>>, vector<1000x2xf32>
    %jit3A_33 = arith.constant 0.000000e+00 : f32
    %broadcast_in_dim3A_34 = vector.shape_cast %eq3A_29 : vector<1000x1xi1> to vector<1000x1xi1>
    %broadcast_in_dim3A_35 = vector.broadcast %broadcast_in_dim3A_34 : vector<1000x1xi1> to vector<1000x2xi1>
    %broadcast_in_dim3A_36 = vector.broadcast %jit3A_33 : f32 to vector<1000x2xf32>
    %select_n3A_37 = arith.select %broadcast_in_dim3A_35, %get3A_32, %broadcast_in_dim3A_36 : vector<1000x2xi1>, vector<1000x2xf32>
    %add3A_38 = arith.addf %add3A, %select_n3A_37 : vector<1000x2xf32>
    %eq3A_39 = arith.constant 2 : i32
    %eq3A_40 = vector.broadcast %eq3A_39 : i32 to vector<1000x1xi32>
    %eq3A_41 = arith.cmpi eq, %broadcast_in_dim3A_13, %eq3A_40 : vector<1000x1xi32>
    %get3A_42 = arith.constant 0 : index
    %get3A_43 = arith.constant 4 : index
    %get3A_44 = vector.load %arg2[%get3A_42, %get3A_43] : memref<1000x12xf32, #tpu.memory_space<vmem>>, vector<1000x2xf32>
    %jit3A_45 = arith.constant 0.000000e+00 : f32
    %broadcast_in_dim3A_46 = vector.shape_cast %eq3A_41 : vector<1000x1xi1> to vector<1000x1xi1>
    %broadcast_in_dim3A_47 = vector.broadcast %broadcast_in_dim3A_46 : vector<1000x1xi1> to vector<1000x2xi1>
    %broadcast_in_dim3A_48 = vector.broadcast %jit3A_45 : f32 to vector<1000x2xf32>
    %select_n3A_49 = arith.select %broadcast_in_dim3A_47, %get3A_44, %broadcast_in_dim3A_48 : vector<1000x2xi1>, vector<1000x2xf32>
    %add3A_50 = arith.addf %add3A_38, %select_n3A_49 : vector<1000x2xf32>
    %eq3A_51 = arith.constant 3 : i32
    %eq3A_52 = vector.broadcast %eq3A_51 : i32 to vector<1000x1xi32>
    %eq3A_53 = arith.cmpi eq, %broadcast_in_dim3A_13, %eq3A_52 : vector<1000x1xi32>
    %get3A_54 = arith.constant 0 : index
    %get3A_55 = arith.constant 6 : index
    %get3A_56 = vector.load %arg2[%get3A_54, %get3A_55] : memref<1000x12xf32, #tpu.memory_space<vmem>>, vector<1000x2xf32>
    %jit3A_57 = arith.constant 0.000000e+00 : f32
    %broadcast_in_dim3A_58 = vector.shape_cast %eq3A_53 : vector<1000x1xi1> to vector<1000x1xi1>
    %broadcast_in_dim3A_59 = vector.broadcast %broadcast_in_dim3A_58 : vector<1000x1xi1> to vector<1000x2xi1>
    %broadcast_in_dim3A_60 = vector.broadcast %jit3A_57 : f32 to vector<1000x2xf32>
    %select_n3A_61 = arith.select %broadcast_in_dim3A_59, %get3A_56, %broadcast_in_dim3A_60 : vector<1000x2xi1>, vector<1000x2xf32>
    %add3A_62 = arith.addf %add3A_50, %select_n3A_61 : vector<1000x2xf32>
    %eq3A_63 = arith.constant 4 : i32
    %eq3A_64 = vector.broadcast %eq3A_63 : i32 to vector<1000x1xi32>
    %eq3A_65 = arith.cmpi eq, %broadcast_in_dim3A_13, %eq3A_64 : vector<1000x1xi32>
    %get3A_66 = arith.constant 0 : index
    %get3A_67 = arith.constant 8 : index
    %get3A_68 = vector.load %arg2[%get3A_66, %get3A_67] : memref<1000x12xf32, #tpu.memory_space<vmem>>, vector<1000x2xf32>
    %jit3A_69 = arith.constant 0.000000e+00 : f32
    %broadcast_in_dim3A_70 = vector.shape_cast %eq3A_65 : vector<1000x1xi1> to vector<1000x1xi1>
    %broadcast_in_dim3A_71 = vector.broadcast %broadcast_in_dim3A_70 : vector<1000x1xi1> to vector<1000x2xi1>
    %broadcast_in_dim3A_72 = vector.broadcast %jit3A_69 : f32 to vector<1000x2xf32>
    %select_n3A_73 = arith.select %broadcast_in_dim3A_71, %get3A_68, %broadcast_in_dim3A_72 : vector<1000x2xi1>, vector<1000x2xf32>
    %add3A_74 = arith.addf %add3A_62, %select_n3A_73 : vector<1000x2xf32>
    %eq3A_75 = arith.constant 5 : i32
    %eq3A_76 = vector.broadcast %eq3A_75 : i32 to vector<1000x1xi32>
    %eq3A_77 = arith.cmpi eq, %broadcast_in_dim3A_13, %eq3A_76 : vector<1000x1xi32>
    %get3A_78 = arith.constant 0 : index
    %get3A_79 = arith.constant 10 : index
    %get3A_80 = vector.load %arg2[%get3A_78, %get3A_79] : memref<1000x12xf32, #tpu.memory_space<vmem>>, vector<1000x2xf32>
    %jit3A_81 = arith.constant 0.000000e+00 : f32
    %broadcast_in_dim3A_82 = vector.shape_cast %eq3A_77 : vector<1000x1xi1> to vector<1000x1xi1>
    %broadcast_in_dim3A_83 = vector.broadcast %broadcast_in_dim3A_82 : vector<1000x1xi1> to vector<1000x2xi1>
    %broadcast_in_dim3A_84 = vector.broadcast %jit3A_81 : f32 to vector<1000x2xf32>
    %select_n3A_85 = arith.select %broadcast_in_dim3A_83, %get3A_80, %broadcast_in_dim3A_84 : vector<1000x2xi1>, vector<1000x2xf32>
    %add3A_86 = arith.addf %add3A_74, %select_n3A_85 : vector<1000x2xf32>
    %eq3A_87 = vector.broadcast %broadcast_in_dim3A_13 : vector<1000x1xi32> to vector<1000x6xi32>
    %eq3A_88 = arith.cmpi eq, %iota3A, %eq3A_87 : vector<1000x6xi32>
    %jit3A_89 = arith.constant -1.000000e+30 : f32
    %broadcast_in_dim3A_90 = vector.broadcast %jit3A_89 : f32 to vector<1000x6xf32>
    %select_n3A_91 = arith.select %eq3A_88, %broadcast_in_dim3A_90, %div3A_6 : vector<1000x6xi1>, vector<1000x6xf32>
    %reduce_max3A_92 = arith.constant dense<0xFF800000> : vector<1000xf32>
    %reduce_max3A_93 = vector.multi_reduction <maximumf>, %select_n3A_91, %reduce_max3A_92 [1] : vector<1000x6xf32> to vector<1000xf32>
    %broadcast_in_dim3A_94 = vector.shape_cast %reduce_max3A_93 : vector<1000xf32> to vector<1000x1xf32>
    %eq3A_95 = vector.broadcast %broadcast_in_dim3A_94 : vector<1000x1xf32> to vector<1000x6xf32>
    %eq3A_96 = arith.cmpf oeq, %select_n3A_91, %eq3A_95 : vector<1000x6xf32>
    %jit3A_97 = arith.constant 6 : i32
    %broadcast_in_dim3A_98 = vector.broadcast %jit3A_97 : i32 to vector<1000x6xi32>
    %select_n3A_99 = arith.select %eq3A_96, %iota3A, %broadcast_in_dim3A_98 : vector<1000x6xi1>, vector<1000x6xi32>
    %reduce_min3A_100 = arith.constant dense<2147483647> : vector<1000xi32>
    %reduce_min3A_101 = vector.multi_reduction <minsi>, %select_n3A_99, %reduce_min3A_100 [1] : vector<1000x6xi32> to vector<1000xi32>
    %broadcast_in_dim3A_102 = vector.shape_cast %reduce_min3A_101 : vector<1000xi32> to vector<1000x1xi32>
    %broadcast_in_dim3A_103 = arith.constant 0.000000e+00 : f32
    %broadcast_in_dim3A_104 = vector.broadcast %broadcast_in_dim3A_103 : f32 to vector<1000x2xf32>
    %eq3A_105 = arith.constant 0 : i32
    %eq3A_106 = vector.broadcast %eq3A_105 : i32 to vector<1000x1xi32>
    %eq3A_107 = arith.cmpi eq, %broadcast_in_dim3A_102, %eq3A_106 : vector<1000x1xi32>
    %get3A_108 = arith.constant 0 : index
    %get3A_109 = arith.constant 0 : index
    %get3A_110 = vector.load %arg2[%get3A_108, %get3A_109] : memref<1000x12xf32, #tpu.memory_space<vmem>>, vector<1000x2xf32>
    %jit3A_111 = arith.constant 0.000000e+00 : f32
    %broadcast_in_dim3A_112 = vector.shape_cast %eq3A_107 : vector<1000x1xi1> to vector<1000x1xi1>
    %broadcast_in_dim3A_113 = vector.broadcast %broadcast_in_dim3A_112 : vector<1000x1xi1> to vector<1000x2xi1>
    %broadcast_in_dim3A_114 = vector.broadcast %jit3A_111 : f32 to vector<1000x2xf32>
    %select_n3A_115 = arith.select %broadcast_in_dim3A_113, %get3A_110, %broadcast_in_dim3A_114 : vector<1000x2xi1>, vector<1000x2xf32>
    %add3A_116 = arith.addf %broadcast_in_dim3A_104, %select_n3A_115 : vector<1000x2xf32>
    %eq3A_117 = arith.constant 1 : i32
    %eq3A_118 = vector.broadcast %eq3A_117 : i32 to vector<1000x1xi32>
    %eq3A_119 = arith.cmpi eq, %broadcast_in_dim3A_102, %eq3A_118 : vector<1000x1xi32>
    %get3A_120 = arith.constant 0 : index
    %get3A_121 = arith.constant 2 : index
    %get3A_122 = vector.load %arg2[%get3A_120, %get3A_121] : memref<1000x12xf32, #tpu.memory_space<vmem>>, vector<1000x2xf32>
    %jit3A_123 = arith.constant 0.000000e+00 : f32
    %broadcast_in_dim3A_124 = vector.shape_cast %eq3A_119 : vector<1000x1xi1> to vector<1000x1xi1>
    %broadcast_in_dim3A_125 = vector.broadcast %broadcast_in_dim3A_124 : vector<1000x1xi1> to vector<1000x2xi1>
    %broadcast_in_dim3A_126 = vector.broadcast %jit3A_123 : f32 to vector<1000x2xf32>
    %select_n3A_127 = arith.select %broadcast_in_dim3A_125, %get3A_122, %broadcast_in_dim3A_126 : vector<1000x2xi1>, vector<1000x2xf32>
    %add3A_128 = arith.addf %add3A_116, %select_n3A_127 : vector<1000x2xf32>
    %eq3A_129 = arith.constant 2 : i32
    %eq3A_130 = vector.broadcast %eq3A_129 : i32 to vector<1000x1xi32>
    %eq3A_131 = arith.cmpi eq, %broadcast_in_dim3A_102, %eq3A_130 : vector<1000x1xi32>
    %get3A_132 = arith.constant 0 : index
    %get3A_133 = arith.constant 4 : index
    %get3A_134 = vector.load %arg2[%get3A_132, %get3A_133] : memref<1000x12xf32, #tpu.memory_space<vmem>>, vector<1000x2xf32>
    %jit3A_135 = arith.constant 0.000000e+00 : f32
    %broadcast_in_dim3A_136 = vector.shape_cast %eq3A_131 : vector<1000x1xi1> to vector<1000x1xi1>
    %broadcast_in_dim3A_137 = vector.broadcast %broadcast_in_dim3A_136 : vector<1000x1xi1> to vector<1000x2xi1>
    %broadcast_in_dim3A_138 = vector.broadcast %jit3A_135 : f32 to vector<1000x2xf32>
    %select_n3A_139 = arith.select %broadcast_in_dim3A_137, %get3A_134, %broadcast_in_dim3A_138 : vector<1000x2xi1>, vector<1000x2xf32>
    %add3A_140 = arith.addf %add3A_128, %select_n3A_139 : vector<1000x2xf32>
    %eq3A_141 = arith.constant 3 : i32
    %eq3A_142 = vector.broadcast %eq3A_141 : i32 to vector<1000x1xi32>
    %eq3A_143 = arith.cmpi eq, %broadcast_in_dim3A_102, %eq3A_142 : vector<1000x1xi32>
    %get3A_144 = arith.constant 0 : index
    %get3A_145 = arith.constant 6 : index
    %get3A_146 = vector.load %arg2[%get3A_144, %get3A_145] : memref<1000x12xf32, #tpu.memory_space<vmem>>, vector<1000x2xf32>
    %jit3A_147 = arith.constant 0.000000e+00 : f32
    %broadcast_in_dim3A_148 = vector.shape_cast %eq3A_143 : vector<1000x1xi1> to vector<1000x1xi1>
    %broadcast_in_dim3A_149 = vector.broadcast %broadcast_in_dim3A_148 : vector<1000x1xi1> to vector<1000x2xi1>
    %broadcast_in_dim3A_150 = vector.broadcast %jit3A_147 : f32 to vector<1000x2xf32>
    %select_n3A_151 = arith.select %broadcast_in_dim3A_149, %get3A_146, %broadcast_in_dim3A_150 : vector<1000x2xi1>, vector<1000x2xf32>
    %add3A_152 = arith.addf %add3A_140, %select_n3A_151 : vector<1000x2xf32>
    %eq3A_153 = arith.constant 4 : i32
    %eq3A_154 = vector.broadcast %eq3A_153 : i32 to vector<1000x1xi32>
    %eq3A_155 = arith.cmpi eq, %broadcast_in_dim3A_102, %eq3A_154 : vector<1000x1xi32>
    %get3A_156 = arith.constant 0 : index
    %get3A_157 = arith.constant 8 : index
    %get3A_158 = vector.load %arg2[%get3A_156, %get3A_157] : memref<1000x12xf32, #tpu.memory_space<vmem>>, vector<1000x2xf32>
    %jit3A_159 = arith.constant 0.000000e+00 : f32
    %broadcast_in_dim3A_160 = vector.shape_cast %eq3A_155 : vector<1000x1xi1> to vector<1000x1xi1>
    %broadcast_in_dim3A_161 = vector.broadcast %broadcast_in_dim3A_160 : vector<1000x1xi1> to vector<1000x2xi1>
    %broadcast_in_dim3A_162 = vector.broadcast %jit3A_159 : f32 to vector<1000x2xf32>
    %select_n3A_163 = arith.select %broadcast_in_dim3A_161, %get3A_158, %broadcast_in_dim3A_162 : vector<1000x2xi1>, vector<1000x2xf32>
    %add3A_164 = arith.addf %add3A_152, %select_n3A_163 : vector<1000x2xf32>
    %eq3A_165 = arith.constant 5 : i32
    %eq3A_166 = vector.broadcast %eq3A_165 : i32 to vector<1000x1xi32>
    %eq3A_167 = arith.cmpi eq, %broadcast_in_dim3A_102, %eq3A_166 : vector<1000x1xi32>
    %get3A_168 = arith.constant 0 : index
    %get3A_169 = arith.constant 10 : index
    %get3A_170 = vector.load %arg2[%get3A_168, %get3A_169] : memref<1000x12xf32, #tpu.memory_space<vmem>>, vector<1000x2xf32>
    %jit3A_171 = arith.constant 0.000000e+00 : f32
    %broadcast_in_dim3A_172 = vector.shape_cast %eq3A_167 : vector<1000x1xi1> to vector<1000x1xi1>
    %broadcast_in_dim3A_173 = vector.broadcast %broadcast_in_dim3A_172 : vector<1000x1xi1> to vector<1000x2xi1>
    %broadcast_in_dim3A_174 = vector.broadcast %jit3A_171 : f32 to vector<1000x2xf32>
    %select_n3A_175 = arith.select %broadcast_in_dim3A_173, %get3A_170, %broadcast_in_dim3A_174 : vector<1000x2xi1>, vector<1000x2xf32>
    %add3A_176 = arith.addf %add3A_164, %select_n3A_175 : vector<1000x2xf32>
    %eq3A_177 = vector.broadcast %broadcast_in_dim3A_102 : vector<1000x1xi32> to vector<1000x6xi32>
    %eq3A_178 = arith.cmpi eq, %iota3A, %eq3A_177 : vector<1000x6xi32>
    %jit3A_179 = arith.constant -1.000000e+30 : f32
    %broadcast_in_dim3A_180 = vector.broadcast %jit3A_179 : f32 to vector<1000x6xf32>
    %select_n3A_181 = arith.select %eq3A_178, %broadcast_in_dim3A_180, %select_n3A_91 : vector<1000x6xi1>, vector<1000x6xf32>
    %reduce_max3A_182 = arith.constant dense<0xFF800000> : vector<1000xf32>
    %reduce_max3A_183 = vector.multi_reduction <maximumf>, %select_n3A_181, %reduce_max3A_182 [1] : vector<1000x6xf32> to vector<1000xf32>
    %broadcast_in_dim3A_184 = vector.shape_cast %reduce_max3A_183 : vector<1000xf32> to vector<1000x1xf32>
    %eq3A_185 = vector.broadcast %broadcast_in_dim3A_184 : vector<1000x1xf32> to vector<1000x6xf32>
    %eq3A_186 = arith.cmpf oeq, %select_n3A_181, %eq3A_185 : vector<1000x6xf32>
    %jit3A_187 = arith.constant 6 : i32
    %broadcast_in_dim3A_188 = vector.broadcast %jit3A_187 : i32 to vector<1000x6xi32>
    %select_n3A_189 = arith.select %eq3A_186, %iota3A, %broadcast_in_dim3A_188 : vector<1000x6xi1>, vector<1000x6xi32>
    %reduce_min3A_190 = arith.constant dense<2147483647> : vector<1000xi32>
    %reduce_min3A_191 = vector.multi_reduction <minsi>, %select_n3A_189, %reduce_min3A_190 [1] : vector<1000x6xi32> to vector<1000xi32>
    %broadcast_in_dim3A_192 = vector.shape_cast %reduce_min3A_191 : vector<1000xi32> to vector<1000x1xi32>
    %broadcast_in_dim3A_193 = arith.constant 0.000000e+00 : f32
    %broadcast_in_dim3A_194 = vector.broadcast %broadcast_in_dim3A_193 : f32 to vector<1000x2xf32>
    %eq3A_195 = arith.constant 0 : i32
    %eq3A_196 = vector.broadcast %eq3A_195 : i32 to vector<1000x1xi32>
    %eq3A_197 = arith.cmpi eq, %broadcast_in_dim3A_192, %eq3A_196 : vector<1000x1xi32>
    %get3A_198 = arith.constant 0 : index
    %get3A_199 = arith.constant 0 : index
    %get3A_200 = vector.load %arg2[%get3A_198, %get3A_199] : memref<1000x12xf32, #tpu.memory_space<vmem>>, vector<1000x2xf32>
    %jit3A_201 = arith.constant 0.000000e+00 : f32
    %broadcast_in_dim3A_202 = vector.shape_cast %eq3A_197 : vector<1000x1xi1> to vector<1000x1xi1>
    %broadcast_in_dim3A_203 = vector.broadcast %broadcast_in_dim3A_202 : vector<1000x1xi1> to vector<1000x2xi1>
    %broadcast_in_dim3A_204 = vector.broadcast %jit3A_201 : f32 to vector<1000x2xf32>
    %select_n3A_205 = arith.select %broadcast_in_dim3A_203, %get3A_200, %broadcast_in_dim3A_204 : vector<1000x2xi1>, vector<1000x2xf32>
    %add3A_206 = arith.addf %broadcast_in_dim3A_194, %select_n3A_205 : vector<1000x2xf32>
    %eq3A_207 = arith.constant 1 : i32
    %eq3A_208 = vector.broadcast %eq3A_207 : i32 to vector<1000x1xi32>
    %eq3A_209 = arith.cmpi eq, %broadcast_in_dim3A_192, %eq3A_208 : vector<1000x1xi32>
    %get3A_210 = arith.constant 0 : index
    %get3A_211 = arith.constant 2 : index
    %get3A_212 = vector.load %arg2[%get3A_210, %get3A_211] : memref<1000x12xf32, #tpu.memory_space<vmem>>, vector<1000x2xf32>
    %jit3A_213 = arith.constant 0.000000e+00 : f32
    %broadcast_in_dim3A_214 = vector.shape_cast %eq3A_209 : vector<1000x1xi1> to vector<1000x1xi1>
    %broadcast_in_dim3A_215 = vector.broadcast %broadcast_in_dim3A_214 : vector<1000x1xi1> to vector<1000x2xi1>
    %broadcast_in_dim3A_216 = vector.broadcast %jit3A_213 : f32 to vector<1000x2xf32>
    %select_n3A_217 = arith.select %broadcast_in_dim3A_215, %get3A_212, %broadcast_in_dim3A_216 : vector<1000x2xi1>, vector<1000x2xf32>
    %add3A_218 = arith.addf %add3A_206, %select_n3A_217 : vector<1000x2xf32>
    %eq3A_219 = arith.constant 2 : i32
    %eq3A_220 = vector.broadcast %eq3A_219 : i32 to vector<1000x1xi32>
    %eq3A_221 = arith.cmpi eq, %broadcast_in_dim3A_192, %eq3A_220 : vector<1000x1xi32>
    %get3A_222 = arith.constant 0 : index
    %get3A_223 = arith.constant 4 : index
    %get3A_224 = vector.load %arg2[%get3A_222, %get3A_223] : memref<1000x12xf32, #tpu.memory_space<vmem>>, vector<1000x2xf32>
    %jit3A_225 = arith.constant 0.000000e+00 : f32
    %broadcast_in_dim3A_226 = vector.shape_cast %eq3A_221 : vector<1000x1xi1> to vector<1000x1xi1>
    %broadcast_in_dim3A_227 = vector.broadcast %broadcast_in_dim3A_226 : vector<1000x1xi1> to vector<1000x2xi1>
    %broadcast_in_dim3A_228 = vector.broadcast %jit3A_225 : f32 to vector<1000x2xf32>
    %select_n3A_229 = arith.select %broadcast_in_dim3A_227, %get3A_224, %broadcast_in_dim3A_228 : vector<1000x2xi1>, vector<1000x2xf32>
    %add3A_230 = arith.addf %add3A_218, %select_n3A_229 : vector<1000x2xf32>
    %eq3A_231 = arith.constant 3 : i32
    %eq3A_232 = vector.broadcast %eq3A_231 : i32 to vector<1000x1xi32>
    %eq3A_233 = arith.cmpi eq, %broadcast_in_dim3A_192, %eq3A_232 : vector<1000x1xi32>
    %get3A_234 = arith.constant 0 : index
    %get3A_235 = arith.constant 6 : index
    %get3A_236 = vector.load %arg2[%get3A_234, %get3A_235] : memref<1000x12xf32, #tpu.memory_space<vmem>>, vector<1000x2xf32>
    %jit3A_237 = arith.constant 0.000000e+00 : f32
    %broadcast_in_dim3A_238 = vector.shape_cast %eq3A_233 : vector<1000x1xi1> to vector<1000x1xi1>
    %broadcast_in_dim3A_239 = vector.broadcast %broadcast_in_dim3A_238 : vector<1000x1xi1> to vector<1000x2xi1>
    %broadcast_in_dim3A_240 = vector.broadcast %jit3A_237 : f32 to vector<1000x2xf32>
    %select_n3A_241 = arith.select %broadcast_in_dim3A_239, %get3A_236, %broadcast_in_dim3A_240 : vector<1000x2xi1>, vector<1000x2xf32>
    %add3A_242 = arith.addf %add3A_230, %select_n3A_241 : vector<1000x2xf32>
    %eq3A_243 = arith.constant 4 : i32
    %eq3A_244 = vector.broadcast %eq3A_243 : i32 to vector<1000x1xi32>
    %eq3A_245 = arith.cmpi eq, %broadcast_in_dim3A_192, %eq3A_244 : vector<1000x1xi32>
    %get3A_246 = arith.constant 0 : index
    %get3A_247 = arith.constant 8 : index
    %get3A_248 = vector.load %arg2[%get3A_246, %get3A_247] : memref<1000x12xf32, #tpu.memory_space<vmem>>, vector<1000x2xf32>
    %jit3A_249 = arith.constant 0.000000e+00 : f32
    %broadcast_in_dim3A_250 = vector.shape_cast %eq3A_245 : vector<1000x1xi1> to vector<1000x1xi1>
    %broadcast_in_dim3A_251 = vector.broadcast %broadcast_in_dim3A_250 : vector<1000x1xi1> to vector<1000x2xi1>
    %broadcast_in_dim3A_252 = vector.broadcast %jit3A_249 : f32 to vector<1000x2xf32>
    %select_n3A_253 = arith.select %broadcast_in_dim3A_251, %get3A_248, %broadcast_in_dim3A_252 : vector<1000x2xi1>, vector<1000x2xf32>
    %add3A_254 = arith.addf %add3A_242, %select_n3A_253 : vector<1000x2xf32>
    %eq3A_255 = arith.constant 5 : i32
    %eq3A_256 = vector.broadcast %eq3A_255 : i32 to vector<1000x1xi32>
    %eq3A_257 = arith.cmpi eq, %broadcast_in_dim3A_192, %eq3A_256 : vector<1000x1xi32>
    %get3A_258 = arith.constant 0 : index
    %get3A_259 = arith.constant 10 : index
    %get3A_260 = vector.load %arg2[%get3A_258, %get3A_259] : memref<1000x12xf32, #tpu.memory_space<vmem>>, vector<1000x2xf32>
    %jit3A_261 = arith.constant 0.000000e+00 : f32
    %broadcast_in_dim3A_262 = vector.shape_cast %eq3A_257 : vector<1000x1xi1> to vector<1000x1xi1>
    %broadcast_in_dim3A_263 = vector.broadcast %broadcast_in_dim3A_262 : vector<1000x1xi1> to vector<1000x2xi1>
    %broadcast_in_dim3A_264 = vector.broadcast %jit3A_261 : f32 to vector<1000x2xf32>
    %select_n3A_265 = arith.select %broadcast_in_dim3A_263, %get3A_260, %broadcast_in_dim3A_264 : vector<1000x2xi1>, vector<1000x2xf32>
    %add3A_266 = arith.addf %add3A_254, %select_n3A_265 : vector<1000x2xf32>
    %eq3A_267 = vector.broadcast %broadcast_in_dim3A_192 : vector<1000x1xi32> to vector<1000x6xi32>
    %eq3A_268 = arith.cmpi eq, %iota3A, %eq3A_267 : vector<1000x6xi32>
    %jit3A_269 = arith.constant -1.000000e+30 : f32
    %broadcast_in_dim3A_270 = vector.broadcast %jit3A_269 : f32 to vector<1000x6xf32>
    %select_n3A_271 = arith.select %eq3A_268, %broadcast_in_dim3A_270, %select_n3A_181 : vector<1000x6xi1>, vector<1000x6xf32>
    %reduce_max3A_272 = arith.constant dense<0xFF800000> : vector<1000xf32>
    %reduce_max3A_273 = vector.multi_reduction <maximumf>, %select_n3A_271, %reduce_max3A_272 [1] : vector<1000x6xf32> to vector<1000xf32>
    %broadcast_in_dim3A_274 = vector.shape_cast %reduce_max3A_273 : vector<1000xf32> to vector<1000x1xf32>
    %eq3A_275 = vector.broadcast %broadcast_in_dim3A_274 : vector<1000x1xf32> to vector<1000x6xf32>
    %eq3A_276 = arith.cmpf oeq, %select_n3A_271, %eq3A_275 : vector<1000x6xf32>
    %jit3A_277 = arith.constant 6 : i32
    %broadcast_in_dim3A_278 = vector.broadcast %jit3A_277 : i32 to vector<1000x6xi32>
    %select_n3A_279 = arith.select %eq3A_276, %iota3A, %broadcast_in_dim3A_278 : vector<1000x6xi1>, vector<1000x6xi32>
    %reduce_min3A_280 = arith.constant dense<2147483647> : vector<1000xi32>
    %reduce_min3A_281 = vector.multi_reduction <minsi>, %select_n3A_279, %reduce_min3A_280 [1] : vector<1000x6xi32> to vector<1000xi32>
    %broadcast_in_dim3A_282 = vector.shape_cast %reduce_min3A_281 : vector<1000xi32> to vector<1000x1xi32>
    %broadcast_in_dim3A_283 = arith.constant 0.000000e+00 : f32
    %broadcast_in_dim3A_284 = vector.broadcast %broadcast_in_dim3A_283 : f32 to vector<1000x2xf32>
    %eq3A_285 = arith.constant 0 : i32
    %eq3A_286 = vector.broadcast %eq3A_285 : i32 to vector<1000x1xi32>
    %eq3A_287 = arith.cmpi eq, %broadcast_in_dim3A_282, %eq3A_286 : vector<1000x1xi32>
    %get3A_288 = arith.constant 0 : index
    %get3A_289 = arith.constant 0 : index
    %get3A_290 = vector.load %arg2[%get3A_288, %get3A_289] : memref<1000x12xf32, #tpu.memory_space<vmem>>, vector<1000x2xf32>
    %jit3A_291 = arith.constant 0.000000e+00 : f32
    %broadcast_in_dim3A_292 = vector.shape_cast %eq3A_287 : vector<1000x1xi1> to vector<1000x1xi1>
    %broadcast_in_dim3A_293 = vector.broadcast %broadcast_in_dim3A_292 : vector<1000x1xi1> to vector<1000x2xi1>
    %broadcast_in_dim3A_294 = vector.broadcast %jit3A_291 : f32 to vector<1000x2xf32>
    %select_n3A_295 = arith.select %broadcast_in_dim3A_293, %get3A_290, %broadcast_in_dim3A_294 : vector<1000x2xi1>, vector<1000x2xf32>
    %add3A_296 = arith.addf %broadcast_in_dim3A_284, %select_n3A_295 : vector<1000x2xf32>
    %eq3A_297 = arith.constant 1 : i32
    %eq3A_298 = vector.broadcast %eq3A_297 : i32 to vector<1000x1xi32>
    %eq3A_299 = arith.cmpi eq, %broadcast_in_dim3A_282, %eq3A_298 : vector<1000x1xi32>
    %get3A_300 = arith.constant 0 : index
    %get3A_301 = arith.constant 2 : index
    %get3A_302 = vector.load %arg2[%get3A_300, %get3A_301] : memref<1000x12xf32, #tpu.memory_space<vmem>>, vector<1000x2xf32>
    %jit3A_303 = arith.constant 0.000000e+00 : f32
    %broadcast_in_dim3A_304 = vector.shape_cast %eq3A_299 : vector<1000x1xi1> to vector<1000x1xi1>
    %broadcast_in_dim3A_305 = vector.broadcast %broadcast_in_dim3A_304 : vector<1000x1xi1> to vector<1000x2xi1>
    %broadcast_in_dim3A_306 = vector.broadcast %jit3A_303 : f32 to vector<1000x2xf32>
    %select_n3A_307 = arith.select %broadcast_in_dim3A_305, %get3A_302, %broadcast_in_dim3A_306 : vector<1000x2xi1>, vector<1000x2xf32>
    %add3A_308 = arith.addf %add3A_296, %select_n3A_307 : vector<1000x2xf32>
    %eq3A_309 = arith.constant 2 : i32
    %eq3A_310 = vector.broadcast %eq3A_309 : i32 to vector<1000x1xi32>
    %eq3A_311 = arith.cmpi eq, %broadcast_in_dim3A_282, %eq3A_310 : vector<1000x1xi32>
    %get3A_312 = arith.constant 0 : index
    %get3A_313 = arith.constant 4 : index
    %get3A_314 = vector.load %arg2[%get3A_312, %get3A_313] : memref<1000x12xf32, #tpu.memory_space<vmem>>, vector<1000x2xf32>
    %jit3A_315 = arith.constant 0.000000e+00 : f32
    %broadcast_in_dim3A_316 = vector.shape_cast %eq3A_311 : vector<1000x1xi1> to vector<1000x1xi1>
    %broadcast_in_dim3A_317 = vector.broadcast %broadcast_in_dim3A_316 : vector<1000x1xi1> to vector<1000x2xi1>
    %broadcast_in_dim3A_318 = vector.broadcast %jit3A_315 : f32 to vector<1000x2xf32>
    %select_n3A_319 = arith.select %broadcast_in_dim3A_317, %get3A_314, %broadcast_in_dim3A_318 : vector<1000x2xi1>, vector<1000x2xf32>
    %add3A_320 = arith.addf %add3A_308, %select_n3A_319 : vector<1000x2xf32>
    %eq3A_321 = arith.constant 3 : i32
    %eq3A_322 = vector.broadcast %eq3A_321 : i32 to vector<1000x1xi32>
    %eq3A_323 = arith.cmpi eq, %broadcast_in_dim3A_282, %eq3A_322 : vector<1000x1xi32>
    %get3A_324 = arith.constant 0 : index
    %get3A_325 = arith.constant 6 : index
    %get3A_326 = vector.load %arg2[%get3A_324, %get3A_325] : memref<1000x12xf32, #tpu.memory_space<vmem>>, vector<1000x2xf32>
    %jit3A_327 = arith.constant 0.000000e+00 : f32
    %broadcast_in_dim3A_328 = vector.shape_cast %eq3A_323 : vector<1000x1xi1> to vector<1000x1xi1>
    %broadcast_in_dim3A_329 = vector.broadcast %broadcast_in_dim3A_328 : vector<1000x1xi1> to vector<1000x2xi1>
    %broadcast_in_dim3A_330 = vector.broadcast %jit3A_327 : f32 to vector<1000x2xf32>
    %select_n3A_331 = arith.select %broadcast_in_dim3A_329, %get3A_326, %broadcast_in_dim3A_330 : vector<1000x2xi1>, vector<1000x2xf32>
    %add3A_332 = arith.addf %add3A_320, %select_n3A_331 : vector<1000x2xf32>
    %eq3A_333 = arith.constant 4 : i32
    %eq3A_334 = vector.broadcast %eq3A_333 : i32 to vector<1000x1xi32>
    %eq3A_335 = arith.cmpi eq, %broadcast_in_dim3A_282, %eq3A_334 : vector<1000x1xi32>
    %get3A_336 = arith.constant 0 : index
    %get3A_337 = arith.constant 8 : index
    %get3A_338 = vector.load %arg2[%get3A_336, %get3A_337] : memref<1000x12xf32, #tpu.memory_space<vmem>>, vector<1000x2xf32>
    %jit3A_339 = arith.constant 0.000000e+00 : f32
    %broadcast_in_dim3A_340 = vector.shape_cast %eq3A_335 : vector<1000x1xi1> to vector<1000x1xi1>
    %broadcast_in_dim3A_341 = vector.broadcast %broadcast_in_dim3A_340 : vector<1000x1xi1> to vector<1000x2xi1>
    %broadcast_in_dim3A_342 = vector.broadcast %jit3A_339 : f32 to vector<1000x2xf32>
    %select_n3A_343 = arith.select %broadcast_in_dim3A_341, %get3A_338, %broadcast_in_dim3A_342 : vector<1000x2xi1>, vector<1000x2xf32>
    %add3A_344 = arith.addf %add3A_332, %select_n3A_343 : vector<1000x2xf32>
    %eq3A_345 = arith.constant 5 : i32
    %eq3A_346 = vector.broadcast %eq3A_345 : i32 to vector<1000x1xi32>
    %eq3A_347 = arith.cmpi eq, %broadcast_in_dim3A_282, %eq3A_346 : vector<1000x1xi32>
    %get3A_348 = arith.constant 0 : index
    %get3A_349 = arith.constant 10 : index
    %get3A_350 = vector.load %arg2[%get3A_348, %get3A_349] : memref<1000x12xf32, #tpu.memory_space<vmem>>, vector<1000x2xf32>
    %jit3A_351 = arith.constant 0.000000e+00 : f32
    %broadcast_in_dim3A_352 = vector.shape_cast %eq3A_347 : vector<1000x1xi1> to vector<1000x1xi1>
    %broadcast_in_dim3A_353 = vector.broadcast %broadcast_in_dim3A_352 : vector<1000x1xi1> to vector<1000x2xi1>
    %broadcast_in_dim3A_354 = vector.broadcast %jit3A_351 : f32 to vector<1000x2xf32>
    %select_n3A_355 = arith.select %broadcast_in_dim3A_353, %get3A_350, %broadcast_in_dim3A_354 : vector<1000x2xi1>, vector<1000x2xf32>
    %add3A_356 = arith.addf %add3A_344, %select_n3A_355 : vector<1000x2xf32>
    %eq3A_357 = vector.broadcast %broadcast_in_dim3A_282 : vector<1000x1xi32> to vector<1000x6xi32>
    %eq3A_358 = arith.cmpi eq, %iota3A, %eq3A_357 : vector<1000x6xi32>
    %jit3A_359 = arith.constant -1.000000e+30 : f32
    %broadcast_in_dim3A_360 = vector.broadcast %jit3A_359 : f32 to vector<1000x6xf32>
    %select_n3A_361 = arith.select %eq3A_358, %broadcast_in_dim3A_360, %select_n3A_271 : vector<1000x6xi1>, vector<1000x6xf32>
    %reduce_max3A_362 = arith.constant dense<0xFF800000> : vector<1000xf32>
    %reduce_max3A_363 = vector.multi_reduction <maximumf>, %select_n3A_361, %reduce_max3A_362 [1] : vector<1000x6xf32> to vector<1000xf32>
    %broadcast_in_dim3A_364 = vector.shape_cast %reduce_max3A_363 : vector<1000xf32> to vector<1000x1xf32>
    %eq3A_365 = vector.broadcast %broadcast_in_dim3A_364 : vector<1000x1xf32> to vector<1000x6xf32>
    %eq3A_366 = arith.cmpf oeq, %select_n3A_361, %eq3A_365 : vector<1000x6xf32>
    %jit3A_367 = arith.constant 6 : i32
    %broadcast_in_dim3A_368 = vector.broadcast %jit3A_367 : i32 to vector<1000x6xi32>
    %select_n3A_369 = arith.select %eq3A_366, %iota3A, %broadcast_in_dim3A_368 : vector<1000x6xi1>, vector<1000x6xi32>
    %reduce_min3A_370 = arith.constant dense<2147483647> : vector<1000xi32>
    %reduce_min3A_371 = vector.multi_reduction <minsi>, %select_n3A_369, %reduce_min3A_370 [1] : vector<1000x6xi32> to vector<1000xi32>
    %broadcast_in_dim3A_372 = vector.shape_cast %reduce_min3A_371 : vector<1000xi32> to vector<1000x1xi32>
    %broadcast_in_dim3A_373 = arith.constant 0.000000e+00 : f32
    %broadcast_in_dim3A_374 = vector.broadcast %broadcast_in_dim3A_373 : f32 to vector<1000x2xf32>
    %eq3A_375 = arith.constant 0 : i32
    %eq3A_376 = vector.broadcast %eq3A_375 : i32 to vector<1000x1xi32>
    %eq3A_377 = arith.cmpi eq, %broadcast_in_dim3A_372, %eq3A_376 : vector<1000x1xi32>
    %get3A_378 = arith.constant 0 : index
    %get3A_379 = arith.constant 0 : index
    %get3A_380 = vector.load %arg2[%get3A_378, %get3A_379] : memref<1000x12xf32, #tpu.memory_space<vmem>>, vector<1000x2xf32>
    %jit3A_381 = arith.constant 0.000000e+00 : f32
    %broadcast_in_dim3A_382 = vector.shape_cast %eq3A_377 : vector<1000x1xi1> to vector<1000x1xi1>
    %broadcast_in_dim3A_383 = vector.broadcast %broadcast_in_dim3A_382 : vector<1000x1xi1> to vector<1000x2xi1>
    %broadcast_in_dim3A_384 = vector.broadcast %jit3A_381 : f32 to vector<1000x2xf32>
    %select_n3A_385 = arith.select %broadcast_in_dim3A_383, %get3A_380, %broadcast_in_dim3A_384 : vector<1000x2xi1>, vector<1000x2xf32>
    %add3A_386 = arith.addf %broadcast_in_dim3A_374, %select_n3A_385 : vector<1000x2xf32>
    %eq3A_387 = arith.constant 1 : i32
    %eq3A_388 = vector.broadcast %eq3A_387 : i32 to vector<1000x1xi32>
    %eq3A_389 = arith.cmpi eq, %broadcast_in_dim3A_372, %eq3A_388 : vector<1000x1xi32>
    %get3A_390 = arith.constant 0 : index
    %get3A_391 = arith.constant 2 : index
    %get3A_392 = vector.load %arg2[%get3A_390, %get3A_391] : memref<1000x12xf32, #tpu.memory_space<vmem>>, vector<1000x2xf32>
    %jit3A_393 = arith.constant 0.000000e+00 : f32
    %broadcast_in_dim3A_394 = vector.shape_cast %eq3A_389 : vector<1000x1xi1> to vector<1000x1xi1>
    %broadcast_in_dim3A_395 = vector.broadcast %broadcast_in_dim3A_394 : vector<1000x1xi1> to vector<1000x2xi1>
    %broadcast_in_dim3A_396 = vector.broadcast %jit3A_393 : f32 to vector<1000x2xf32>
    %select_n3A_397 = arith.select %broadcast_in_dim3A_395, %get3A_392, %broadcast_in_dim3A_396 : vector<1000x2xi1>, vector<1000x2xf32>
    %add3A_398 = arith.addf %add3A_386, %select_n3A_397 : vector<1000x2xf32>
    %eq3A_399 = arith.constant 2 : i32
    %eq3A_400 = vector.broadcast %eq3A_399 : i32 to vector<1000x1xi32>
    %eq3A_401 = arith.cmpi eq, %broadcast_in_dim3A_372, %eq3A_400 : vector<1000x1xi32>
    %get3A_402 = arith.constant 0 : index
    %get3A_403 = arith.constant 4 : index
    %get3A_404 = vector.load %arg2[%get3A_402, %get3A_403] : memref<1000x12xf32, #tpu.memory_space<vmem>>, vector<1000x2xf32>
    %jit3A_405 = arith.constant 0.000000e+00 : f32
    %broadcast_in_dim3A_406 = vector.shape_cast %eq3A_401 : vector<1000x1xi1> to vector<1000x1xi1>
    %broadcast_in_dim3A_407 = vector.broadcast %broadcast_in_dim3A_406 : vector<1000x1xi1> to vector<1000x2xi1>
    %broadcast_in_dim3A_408 = vector.broadcast %jit3A_405 : f32 to vector<1000x2xf32>
    %select_n3A_409 = arith.select %broadcast_in_dim3A_407, %get3A_404, %broadcast_in_dim3A_408 : vector<1000x2xi1>, vector<1000x2xf32>
    %add3A_410 = arith.addf %add3A_398, %select_n3A_409 : vector<1000x2xf32>
    %eq3A_411 = arith.constant 3 : i32
    %eq3A_412 = vector.broadcast %eq3A_411 : i32 to vector<1000x1xi32>
    %eq3A_413 = arith.cmpi eq, %broadcast_in_dim3A_372, %eq3A_412 : vector<1000x1xi32>
    %get3A_414 = arith.constant 0 : index
    %get3A_415 = arith.constant 6 : index
    %get3A_416 = vector.load %arg2[%get3A_414, %get3A_415] : memref<1000x12xf32, #tpu.memory_space<vmem>>, vector<1000x2xf32>
    %jit3A_417 = arith.constant 0.000000e+00 : f32
    %broadcast_in_dim3A_418 = vector.shape_cast %eq3A_413 : vector<1000x1xi1> to vector<1000x1xi1>
    %broadcast_in_dim3A_419 = vector.broadcast %broadcast_in_dim3A_418 : vector<1000x1xi1> to vector<1000x2xi1>
    %broadcast_in_dim3A_420 = vector.broadcast %jit3A_417 : f32 to vector<1000x2xf32>
    %select_n3A_421 = arith.select %broadcast_in_dim3A_419, %get3A_416, %broadcast_in_dim3A_420 : vector<1000x2xi1>, vector<1000x2xf32>
    %add3A_422 = arith.addf %add3A_410, %select_n3A_421 : vector<1000x2xf32>
    %eq3A_423 = arith.constant 4 : i32
    %eq3A_424 = vector.broadcast %eq3A_423 : i32 to vector<1000x1xi32>
    %eq3A_425 = arith.cmpi eq, %broadcast_in_dim3A_372, %eq3A_424 : vector<1000x1xi32>
    %get3A_426 = arith.constant 0 : index
    %get3A_427 = arith.constant 8 : index
    %get3A_428 = vector.load %arg2[%get3A_426, %get3A_427] : memref<1000x12xf32, #tpu.memory_space<vmem>>, vector<1000x2xf32>
    %jit3A_429 = arith.constant 0.000000e+00 : f32
    %broadcast_in_dim3A_430 = vector.shape_cast %eq3A_425 : vector<1000x1xi1> to vector<1000x1xi1>
    %broadcast_in_dim3A_431 = vector.broadcast %broadcast_in_dim3A_430 : vector<1000x1xi1> to vector<1000x2xi1>
    %broadcast_in_dim3A_432 = vector.broadcast %jit3A_429 : f32 to vector<1000x2xf32>
    %select_n3A_433 = arith.select %broadcast_in_dim3A_431, %get3A_428, %broadcast_in_dim3A_432 : vector<1000x2xi1>, vector<1000x2xf32>
    %add3A_434 = arith.addf %add3A_422, %select_n3A_433 : vector<1000x2xf32>
    %eq3A_435 = arith.constant 5 : i32
    %eq3A_436 = vector.broadcast %eq3A_435 : i32 to vector<1000x1xi32>
    %eq3A_437 = arith.cmpi eq, %broadcast_in_dim3A_372, %eq3A_436 : vector<1000x1xi32>
    %get3A_438 = arith.constant 0 : index
    %get3A_439 = arith.constant 10 : index
    %get3A_440 = vector.load %arg2[%get3A_438, %get3A_439] : memref<1000x12xf32, #tpu.memory_space<vmem>>, vector<1000x2xf32>
    %jit3A_441 = arith.constant 0.000000e+00 : f32
    %broadcast_in_dim3A_442 = vector.shape_cast %eq3A_437 : vector<1000x1xi1> to vector<1000x1xi1>
    %broadcast_in_dim3A_443 = vector.broadcast %broadcast_in_dim3A_442 : vector<1000x1xi1> to vector<1000x2xi1>
    %broadcast_in_dim3A_444 = vector.broadcast %jit3A_441 : f32 to vector<1000x2xf32>
    %select_n3A_445 = arith.select %broadcast_in_dim3A_443, %get3A_440, %broadcast_in_dim3A_444 : vector<1000x2xi1>, vector<1000x2xf32>
    %add3A_446 = arith.addf %add3A_434, %select_n3A_445 : vector<1000x2xf32>
    %eq3A_447 = vector.broadcast %broadcast_in_dim3A_372 : vector<1000x1xi32> to vector<1000x6xi32>
    %eq3A_448 = arith.cmpi eq, %iota3A, %eq3A_447 : vector<1000x6xi32>
    %jit3A_449 = arith.constant -1.000000e+30 : f32
    %broadcast_in_dim3A_450 = vector.broadcast %jit3A_449 : f32 to vector<1000x6xf32>
    %select_n3A_451 = arith.select %eq3A_448, %broadcast_in_dim3A_450, %select_n3A_361 : vector<1000x6xi1>, vector<1000x6xf32>
    %reduce_max3A_452 = arith.constant dense<0xFF800000> : vector<1000xf32>
    %reduce_max3A_453 = vector.multi_reduction <maximumf>, %select_n3A_451, %reduce_max3A_452 [1] : vector<1000x6xf32> to vector<1000xf32>
    %broadcast_in_dim3A_454 = vector.shape_cast %reduce_max3A_453 : vector<1000xf32> to vector<1000x1xf32>
    %eq3A_455 = vector.broadcast %broadcast_in_dim3A_454 : vector<1000x1xf32> to vector<1000x6xf32>
    %eq3A_456 = arith.cmpf oeq, %select_n3A_451, %eq3A_455 : vector<1000x6xf32>
    %jit3A_457 = arith.constant 6 : i32
    %broadcast_in_dim3A_458 = vector.broadcast %jit3A_457 : i32 to vector<1000x6xi32>
    %select_n3A_459 = arith.select %eq3A_456, %iota3A, %broadcast_in_dim3A_458 : vector<1000x6xi1>, vector<1000x6xi32>
    %reduce_min3A_460 = arith.constant dense<2147483647> : vector<1000xi32>
    %reduce_min3A_461 = vector.multi_reduction <minsi>, %select_n3A_459, %reduce_min3A_460 [1] : vector<1000x6xi32> to vector<1000xi32>
    %broadcast_in_dim3A_462 = vector.shape_cast %reduce_min3A_461 : vector<1000xi32> to vector<1000x1xi32>
    %broadcast_in_dim3A_463 = arith.constant 0.000000e+00 : f32
    %broadcast_in_dim3A_464 = vector.broadcast %broadcast_in_dim3A_463 : f32 to vector<1000x2xf32>
    %eq3A_465 = arith.constant 0 : i32
    %eq3A_466 = vector.broadcast %eq3A_465 : i32 to vector<1000x1xi32>
    %eq3A_467 = arith.cmpi eq, %broadcast_in_dim3A_462, %eq3A_466 : vector<1000x1xi32>
    %get3A_468 = arith.constant 0 : index
    %get3A_469 = arith.constant 0 : index
    %get3A_470 = vector.load %arg2[%get3A_468, %get3A_469] : memref<1000x12xf32, #tpu.memory_space<vmem>>, vector<1000x2xf32>
    %jit3A_471 = arith.constant 0.000000e+00 : f32
    %broadcast_in_dim3A_472 = vector.shape_cast %eq3A_467 : vector<1000x1xi1> to vector<1000x1xi1>
    %broadcast_in_dim3A_473 = vector.broadcast %broadcast_in_dim3A_472 : vector<1000x1xi1> to vector<1000x2xi1>
    %broadcast_in_dim3A_474 = vector.broadcast %jit3A_471 : f32 to vector<1000x2xf32>
    %select_n3A_475 = arith.select %broadcast_in_dim3A_473, %get3A_470, %broadcast_in_dim3A_474 : vector<1000x2xi1>, vector<1000x2xf32>
    %add3A_476 = arith.addf %broadcast_in_dim3A_464, %select_n3A_475 : vector<1000x2xf32>
    %eq3A_477 = arith.constant 1 : i32
    %eq3A_478 = vector.broadcast %eq3A_477 : i32 to vector<1000x1xi32>
    %eq3A_479 = arith.cmpi eq, %broadcast_in_dim3A_462, %eq3A_478 : vector<1000x1xi32>
    %get3A_480 = arith.constant 0 : index
    %get3A_481 = arith.constant 2 : index
    %get3A_482 = vector.load %arg2[%get3A_480, %get3A_481] : memref<1000x12xf32, #tpu.memory_space<vmem>>, vector<1000x2xf32>
    %jit3A_483 = arith.constant 0.000000e+00 : f32
    %broadcast_in_dim3A_484 = vector.shape_cast %eq3A_479 : vector<1000x1xi1> to vector<1000x1xi1>
    %broadcast_in_dim3A_485 = vector.broadcast %broadcast_in_dim3A_484 : vector<1000x1xi1> to vector<1000x2xi1>
    %broadcast_in_dim3A_486 = vector.broadcast %jit3A_483 : f32 to vector<1000x2xf32>
    %select_n3A_487 = arith.select %broadcast_in_dim3A_485, %get3A_482, %broadcast_in_dim3A_486 : vector<1000x2xi1>, vector<1000x2xf32>
    %add3A_488 = arith.addf %add3A_476, %select_n3A_487 : vector<1000x2xf32>
    %eq3A_489 = arith.constant 2 : i32
    %eq3A_490 = vector.broadcast %eq3A_489 : i32 to vector<1000x1xi32>
    %eq3A_491 = arith.cmpi eq, %broadcast_in_dim3A_462, %eq3A_490 : vector<1000x1xi32>
    %get3A_492 = arith.constant 0 : index
    %get3A_493 = arith.constant 4 : index
    %get3A_494 = vector.load %arg2[%get3A_492, %get3A_493] : memref<1000x12xf32, #tpu.memory_space<vmem>>, vector<1000x2xf32>
    %jit3A_495 = arith.constant 0.000000e+00 : f32
    %broadcast_in_dim3A_496 = vector.shape_cast %eq3A_491 : vector<1000x1xi1> to vector<1000x1xi1>
    %broadcast_in_dim3A_497 = vector.broadcast %broadcast_in_dim3A_496 : vector<1000x1xi1> to vector<1000x2xi1>
    %broadcast_in_dim3A_498 = vector.broadcast %jit3A_495 : f32 to vector<1000x2xf32>
    %select_n3A_499 = arith.select %broadcast_in_dim3A_497, %get3A_494, %broadcast_in_dim3A_498 : vector<1000x2xi1>, vector<1000x2xf32>
    %add3A_500 = arith.addf %add3A_488, %select_n3A_499 : vector<1000x2xf32>
    %eq3A_501 = arith.constant 3 : i32
    %eq3A_502 = vector.broadcast %eq3A_501 : i32 to vector<1000x1xi32>
    %eq3A_503 = arith.cmpi eq, %broadcast_in_dim3A_462, %eq3A_502 : vector<1000x1xi32>
    %get3A_504 = arith.constant 0 : index
    %get3A_505 = arith.constant 6 : index
    %get3A_506 = vector.load %arg2[%get3A_504, %get3A_505] : memref<1000x12xf32, #tpu.memory_space<vmem>>, vector<1000x2xf32>
    %jit3A_507 = arith.constant 0.000000e+00 : f32
    %broadcast_in_dim3A_508 = vector.shape_cast %eq3A_503 : vector<1000x1xi1> to vector<1000x1xi1>
    %broadcast_in_dim3A_509 = vector.broadcast %broadcast_in_dim3A_508 : vector<1000x1xi1> to vector<1000x2xi1>
    %broadcast_in_dim3A_510 = vector.broadcast %jit3A_507 : f32 to vector<1000x2xf32>
    %select_n3A_511 = arith.select %broadcast_in_dim3A_509, %get3A_506, %broadcast_in_dim3A_510 : vector<1000x2xi1>, vector<1000x2xf32>
    %add3A_512 = arith.addf %add3A_500, %select_n3A_511 : vector<1000x2xf32>
    %eq3A_513 = arith.constant 4 : i32
    %eq3A_514 = vector.broadcast %eq3A_513 : i32 to vector<1000x1xi32>
    %eq3A_515 = arith.cmpi eq, %broadcast_in_dim3A_462, %eq3A_514 : vector<1000x1xi32>
    %get3A_516 = arith.constant 0 : index
    %get3A_517 = arith.constant 8 : index
    %get3A_518 = vector.load %arg2[%get3A_516, %get3A_517] : memref<1000x12xf32, #tpu.memory_space<vmem>>, vector<1000x2xf32>
    %jit3A_519 = arith.constant 0.000000e+00 : f32
    %broadcast_in_dim3A_520 = vector.shape_cast %eq3A_515 : vector<1000x1xi1> to vector<1000x1xi1>
    %broadcast_in_dim3A_521 = vector.broadcast %broadcast_in_dim3A_520 : vector<1000x1xi1> to vector<1000x2xi1>
    %broadcast_in_dim3A_522 = vector.broadcast %jit3A_519 : f32 to vector<1000x2xf32>
    %select_n3A_523 = arith.select %broadcast_in_dim3A_521, %get3A_518, %broadcast_in_dim3A_522 : vector<1000x2xi1>, vector<1000x2xf32>
    %add3A_524 = arith.addf %add3A_512, %select_n3A_523 : vector<1000x2xf32>
    %eq3A_525 = arith.constant 5 : i32
    %eq3A_526 = vector.broadcast %eq3A_525 : i32 to vector<1000x1xi32>
    %eq3A_527 = arith.cmpi eq, %broadcast_in_dim3A_462, %eq3A_526 : vector<1000x1xi32>
    %get3A_528 = arith.constant 0 : index
    %get3A_529 = arith.constant 10 : index
    %get3A_530 = vector.load %arg2[%get3A_528, %get3A_529] : memref<1000x12xf32, #tpu.memory_space<vmem>>, vector<1000x2xf32>
    %jit3A_531 = arith.constant 0.000000e+00 : f32
    %broadcast_in_dim3A_532 = vector.shape_cast %eq3A_527 : vector<1000x1xi1> to vector<1000x1xi1>
    %broadcast_in_dim3A_533 = vector.broadcast %broadcast_in_dim3A_532 : vector<1000x1xi1> to vector<1000x2xi1>
    %broadcast_in_dim3A_534 = vector.broadcast %jit3A_531 : f32 to vector<1000x2xf32>
    %select_n3A_535 = arith.select %broadcast_in_dim3A_533, %get3A_530, %broadcast_in_dim3A_534 : vector<1000x2xi1>, vector<1000x2xf32>
    %add3A_536 = arith.addf %add3A_524, %select_n3A_535 : vector<1000x2xf32>
    %concatenate3A = tpu.concatenate %broadcast_in_dim3A_9, %broadcast_in_dim3A_94, %broadcast_in_dim3A_184, %broadcast_in_dim3A_274, %broadcast_in_dim3A_364, %broadcast_in_dim3A_454 in 1 : vector<1000x1xf32>, vector<1000x1xf32>, vector<1000x1xf32>, vector<1000x1xf32>, vector<1000x1xf32>, vector<1000x1xf32> -> vector<1000x6xf32>
    %swap3A = arith.constant 0 : index
    %swap3A_537 = arith.constant 0 : index
    %swap3A_538 = vector.load %arg3[%swap3A, %swap3A_537] : memref<1000x6xf32, #tpu.memory_space<vmem>>, vector<1000x6xf32>
    tpu.vector_store %arg3[%swap3A, %swap3A_537], %concatenate3A {strides = array<i32>} : memref<1000x6xf32, #tpu.memory_space<vmem>>, vector<1000x6xf32>,
    %concatenate3A_539 = tpu.concatenate %add3A_86, %add3A_176, %add3A_266, %add3A_356, %add3A_446, %add3A_536 in 1 : vector<1000x2xf32>, vector<1000x2xf32>, vector<1000x2xf32>, vector<1000x2xf32>, vector<1000x2xf32>, vector<1000x2xf32> -> vector<1000x12xf32>
    %swap3A_540 = arith.constant 0 : index
    %swap3A_541 = arith.constant 0 : index
    %swap3A_542 = vector.load %arg4[%swap3A_540, %swap3A_541] : memref<1000x12xf32, #tpu.memory_space<vmem>>, vector<1000x12xf32>
    tpu.vector_store %arg4[%swap3A_540, %swap3A_541], %concatenate3A_539 {strides = array<i32>} : memref<1000x12xf32, #tpu.memory_space<vmem>>, vector<1000x12xf32>,
    return
  }
  func.func @transform_0(%arg0: i32) -> (i32, i32) {
    %c0_i32 = arith.constant 0 : i32
    %c0_i32_0 = arith.constant 0 : i32
    %c0_i32_1 = arith.constant 0 : i32
    return %c0_i32, %c0_i32_0 : i32, i32
  }
  func.func @transform_1(%arg0: i32) -> (i32, i32) {
    %c0_i32 = arith.constant 0 : i32
    %c0_i32_0 = arith.constant 0 : i32
    %c0_i32_1 = arith.constant 0 : i32
    return %c0_i32, %c0_i32_0 : i32, i32
  }
  func.func @transform_2(%arg0: i32) -> (i32, i32) {
    %c0_i32 = arith.constant 0 : i32
    %c0_i32_0 = arith.constant 0 : i32
    %c0_i32_1 = arith.constant 0 : i32
    return %c0_i32, %c0_i32_0 : i32, i32
  }
  func.func @transform_3(%arg0: i32) -> (i32, i32) {
    %c0_i32 = arith.constant 0 : i32
    %c0_i32_0 = arith.constant 0 : i32
    %c0_i32_1 = arith.constant 0 : i32
    return %c0_i32, %c0_i32_0 : i32, i32
  }
}

</mosaic_0001>

<sc_bundles>
// kernel: gather_offload_async_start
scs
__scs_entry_jumppad:
0x0: {  	(pc) =	sbr.rel $0x88, $3  }
0x1: {  	(tag) =	ssettag $0x0;
	lr =	simm.s32 $0x1  }
0x2: {  	[smem:$0x3F38] =	sst lr;
	_ =	strace $0xD0000000  }
0x3: {  	_ = 	snop  }
0x4: {  	_ = 	snop  }
0x5: {  	_ = 	snop  }
0x6: {  	_ = 	snop  }
0x7: {  	_ = 	snop  }
__scs_overlays_trampoline_lowered:
0x8: {  	[smem:$0x3F47] =	sst s0  }
0x9: {  	[smem:$0x3F48] =	sst s1  }
0xa: {  	[smem:$0x3F49] =	sst s2  }
0xb: {  	[smem:$0x3F4A] =	sst s3  }
0xc: {  	[smem:$0x3F4B] =	sst s4  }
0xd: {  	[smem:$0x3F4C] =	sst s5  }
0xe: {  	[smem:$0x3F4D] =	sst s6  }
0xf: {  	[smem:$0x3F4E] =	sst s7  }
0x10: {  	[smem:$0x3F4F] =	sst s8  }
0x11: {  	[smem:$0x3F50] =	sst s9;
	s0 =	simm.s32 @!p0 $0x0  }
0x12: {  	s1 =	sld [smem:$0x3F36];
	s0 =	simm.s32 @p0 $0x1  }
0x13: {  	[smem:$0x3F51] =	sst s0;
	s0 =	simm.s32 @!p1 $0x0  }
0x14: {  	s2 =	sld [smem:$0x3F35];
	s0 =	simm.s32 @p1 $0x1  }
0x15: {  	[smem:$0x3F52] =	sst s0;
	s0 =	simm.s32 @!p2 $0x0  }
0x16: {  	s3 =	sld [smem:$0x3FDB];
	s0 =	simm.s32 @p2 $0x1  }
0x17: {  	s4 =	simm.s32 $0x1BF5;
	[smem:$0x3F54] =	sst s0  }
0x18: {  	s0 =	sld [smem:$0x3F37];
	_ =	swait.ge [sflag:s4], $0x0  }
0x19: {  	s7 =	sld [smem:$0x3F38]  }
0x1a: {  	s8 =	sadd.s32 $0xFFFFE003, lr  }
0x1b: {  	s9 =	sadd.s32 $0xFFFFFEF7, lr;
	s5 =	simm.s32 $0xFFFFFFFF;
	p2 =	slt.u32 s8, $0xFFFFF086  }
0x1c: {  	p1 =	slt.u32 s9, $0xF7A;
	s5 =	simm.s32 @!p2 $0x0  }
0x1d: {  	s5 =	simm.s32 @p1 $0x1;
	p0 =	seq.s32 s7, s2  }
0x1e: {  	s7 =	smul.u32 @!p0 $0xF7A, s2;
	p2 =	seq.s32 @!p0 s5, $0x0  }
0x1f: {  	s9 =	smul.u32 $0xF7A, s1;
	s8 =	simm.s32 @!p0 $0x1BF5;
	p2 =	por !p2, p0  }
0x20: {  	[sflag:s8] =	ssyncset.s32 @!p0 $0xFFFFF086;
	s6 =	sadd.s32 @!p0 s3, s7;
	s7 =	simm.s32 @!p0 $0x108  }
0x21: {  	s3 =	sadd.s32 s3, s9;
	s6 =	sadd.s32 @!p0 $0x88, s6;
	s7 =	simm.s32 @p2 $0x1082  }
0x22: {  	[simem:s7], [sflag:s8] =	dma.local @!p0 [hbm:s6], $0xF7A  }
0x23: {  	s9 =	sor.u32 $0xD0000000, s2;
	s6 =	simm.s32 $0x108;
	_ =	swait.ge @!p0 [sflag:s8], $0x0  }
0x24: {  	s3 =	sadd.s32 $0x88, s3;
	s6 =	simm.s32 @!p1 $0x1082;
	[sflag:s4] =	ssyncset.s32 $0xFFFFF086  }
0x25: {  	[simem:s6], [sflag:s4] =	dma.local [hbm:s3], $0xF7A  }
0x26: {  	[smem:$0x3F38] =	sst s1;
	(tag) =	ssettag s2;
	_ =	strace s9  }
0x27: {  	s1 =	sld [smem:$0x3F48]  }
0x28: {  	s2 =	sld [smem:$0x3F49]  }
0x29: {  	s4 =	sld [smem:$0x3F4B]  }
0x2a: {  	p0 =	seq.s32 s5, $0x0;
	s5 =	sld [smem:$0x3F4C]  }
0x2b: {  	s6 =	sld [smem:$0x3F4D]  }
0x2c: {  	s7 =	sld [smem:$0x3F4E]  }
0x2d: {  	s3 =	simm.s32 $0x108;
	s8 =	sld [smem:$0x3F4F]  }
0x2e: {  	s3 =	simm.s32 @!p0 $0x1082;
	s9 =	sld [smem:$0x3F50]  }
0x2f: {  	lr =	sadd.s32 s0, s3;
	s0 =	sld [smem:$0x3F47]  }
0x30: {  	s3 =	sld [smem:$0x3F4A]  }
0x31: {  	[smem:$0x3F53] =	sst s10  }
0x32: {  	s10 =	sld [smem:$0x3F51];
	_ =	sdelay $0x3  }
0x33: {  	p0 =	seq.s32 s10, $0x1;
	s10 =	sld [smem:$0x3F53];
	_ =	sdelay $0x3  }
0x34: {  	[smem:$0x3F53] =	sst s10  }
0x35: {  	s10 =	sld [smem:$0x3F52];
	_ =	sdelay $0x3  }
0x36: {  	p1 =	seq.s32 s10, $0x1;
	s10 =	sld [smem:$0x3F53];
	_ =	sdelay $0x3  }
0x37: {  	[smem:$0x3F53] =	sst s10  }
0x38: {  	s10 =	sld [smem:$0x3F54]  }
0x39: {  	_ = 	snop;
	(pc) =	sbr.ind lr, $3  }
0x3a: {  	_ = 	snop  }
0x3b: {  	_ = 	snop  }
0x3c: {  	p2 =	seq.s32 s10, $0x1;
	s10 =	sld [smem:$0x3F53]  }
0x3d: {  	_ =	shalt  }
0x3e: {  	_ =	shalt  }
0x3f: {  	_ =	shalt  }
0x40: {  	_ =	shalt  }
0x41: {  	_ =	shalt  }
0x42: {  	_ =	shalt  }
0x43: {  	_ =	shalt  }
0x44: {  	_ =	shalt  }
0x45: {  	_ =	shalt  }
0x46: {  	_ =	shalt  }
0x47: {  	_ =	shalt  }
0x48: {  	_ =	shalt  }
0x49: {  	_ =	shalt  }
0x4a: {  	_ =	shalt  }
0x4b: {  	_ =	shalt  }
0x4c: {  	_ =	shalt  }
0x4d: {  	_ =	shalt  }
0x4e: {  	_ =	shalt  }
0x4f: {  	_ =	shalt  }
0x50: {  	_ =	shalt  }
0x51: {  	_ =	shalt  }
0x52: {  	_ =	shalt  }
0x53: {  	_ =	shalt  }
0x54: {  	_ =	shalt  }
0x55: {  	_ =	shalt  }
0x56: {  	_ =	shalt  }
0x57: {  	_ =	shalt  }
0x58: {  	_ =	shalt  }
0x59: {  	_ =	shalt  }
0x5a: {  	_ =	shalt  }
0x5b: {  	_ =	shalt  }
0x5c: {  	_ =	shalt  }
0x5d: {  	_ =	shalt  }
0x5e: {  	_ =	shalt  }
0x5f: {  	_ =	shalt  }
0x60: {  	_ =	shalt  }
0x61: {  	_ =	shalt  }
0x62: {  	_ =	shalt  }
0x63: {  	_ =	shalt  }
0x64: {  	_ =	shalt  }
0x65: {  	_ =	shalt  }
0x66: {  	_ =	shalt  }
0x67: {  	_ =	shalt  }
0x68: {  	_ =	shalt  }
0x69: {  	_ =	shalt  }
0x6a: {  	_ =	shalt  }
0x6b: {  	_ =	shalt  }
0x6c: {  	_ =	shalt  }
0x6d: {  	_ =	shalt  }
0x6e: {  	_ =	shalt  }
0x6f: {  	_ =	shalt  }
0x70: {  	_ =	shalt  }
0x71: {  	_ =	shalt  }
0x72: {  	_ =	shalt  }
0x73: {  	_ =	shalt  }
0x74: {  	_ =	shalt  }
0x75: {  	_ =	shalt  }
0x76: {  	_ =	shalt  }
0x77: {  	_ =	shalt  }
0x78: {  	_ =	shalt  }
0x79: {  	_ =	shalt  }
0x7a: {  	_ =	shalt  }
0x7b: {  	_ =	shalt  }
0x7c: {  	_ =	shalt  }
0x7d: {  	_ =	shalt  }
0x7e: {  	_ =	shalt  }
0x7f: {  	_ =	shalt  }
0x80: {  	_ =	shalt  }
0x81: {  	_ =	shalt  }
0x82: {  	_ =	shalt  }
0x83: {  	_ =	shalt  }
0x84: {  	_ =	shalt  }
0x85: {  	_ =	shalt  }
0x86: {  	_ =	shalt  }
0x87: {  	_ =	shalt  }
.Lfunc_end0:
.L_simem_size_0:
called_computation_lowered:
.L_overlay_start_0:
0x88: {  	s0 =	sld [smem:$0x3FD9]  }
0x89: {  	s1 =	sld [smem:$0x3FFE];
	_ =	sdelay $0x3  }
0x8a: {  	s0 =	sadd.s32 s1, s0  }
0x8b: {  	[smem:$0x3F5F] =	sst s0  }
0x8c: {  	_ = 	snop  }
0x8d: {  	s0 =	sld [smem:$0x3FC6];
	(tm) =	ssettm $0x1  }
0x8e: {  	s16 =	sld [smem:$0x3FFB];
	_ =	sdelay $0x3  }
0x8f: {  	_ =	strace s16  }
0x90: {  	s1 =	sld [smem:$0x3FFC];
	_ =	sdelay $0x3  }
0x91: {  	_ =	strace s1  }
0x92: {  	s1 =	sld [smem:$0x3FFD];
	_ =	sdelay $0x3  }
0x93: {  	_ =	strace s1  }
0x94: {  	_ =	strace $0x8FFFFFFF  }
0x95: {  	s17 =	sld [smem:$0x3FDB];
	_ =	sdelay $0x1  }
0x96: {  	s2 =	simm.s32 $_scs_section_size  }
0x97: {  	s3 =	simm.s32 $_size__tile_overlayer_lowered;
	s4 =	simm.s32 $_tile_overlayer_lowered  }
0x98: {  	s20 =	simm.s32 $0x1BFF;
	s19 =	sshll.u32 s4, $0x1;
	s1 =	sadd.s32 s2, s17  }
0x99: {  	s5 =	simm.s32 $0x0;
	s18 =	sshll.u32 s3, $0x1;
	s3 =	sadd.s32 s19, s1  }
0x9a: {  	[timem:s5], [sflag:s20] =	dma.local [hbm:s3], s18  }
0x9b: {  	_ =	swait.ge [sflag:s20], s18  }
0x9c: {  	s2 =	ssub.s32 $0x0, s18;
	[sflag:s20] =	ssyncset.done $0x0  }
0x9d: {  	[sflag:s20] =	ssyncadd.s32 s2;
	_ =	sdelay $0x1  }
0x9e: {  	s21 =	simm.s32 $0x1B8B  }
0x9f: {  	_ =	swait.ge [sflag:s21], $0x1  }
0xa0: {  	[sflag:s21] =	ssyncset.done $0x0  }
0xa1: {  	s23 =	simm.s32 $0x1B8E;
	s22 =	sld [smem:$0x3FFE];
	[sflag:s21] =	ssyncadd.s32 $0xFFFFFFFF  }
0xa2: {  	s24 =	simm.s32 $execute0_lowered;
	[smem:$0x3FD2] =	sst s23  }
0xa3: {  	s3 =	sshll.u32 s24, $0x1;
	_ =	strace $0x80000046;
	[dreg:$0x1] =	wrdreg $0xFFFFFFFF  }
0xa4: {  	s25 =	simm.s32 $_size_execute0_lowered;
	s1 =	sadd.s32 s1, s3;
	[dreg:$0x0] =	wrdreg $0x0  }
0xa5: {  	s3 =	sshll.u32 s25, $0x1;
	[dreg:$0x2] =	wrdreg s1  }
0xa6: {  	[dreg:$0x3] =	wrdreg s3  }
0xa7: {  	[dreg:$0x4] =	wrdreg $0xC0  }
0xa8: {  	_ =	task [dreg:s5], $0x5FFFF  }
0xa9: {  	[dreg:$0x1] =	wrdreg $0xFFFFFFFF  }
0xaa: {  	[dreg:$0x0] =	wrdreg $0x60  }
0xab: {  	[dreg:$0x2] =	wrdreg s0  }
0xac: {  	[dreg:$0x3] =	wrdreg s22  }
0xad: {  	[dreg:$0x4] =	wrdreg $0x9  }
0xae: {  	_ =	task.clear_ibuf [dreg:s5], $0x5FFFF;
	_ =	strace $0x90000046  }
0xaf: {  	s26 =	simm.s32 $0x9;
	_ =	strace $0x80000048  }
0xb0: {  	_ =	swait.ge [sflag:s26], $0x1  }
0xb1: {  	[sflag:s26] =	ssyncadd.s32 $0xFFFFFFFF  }
0xb2: {  	_ =	strace $0x90000048  }
0xb3: {  	_ =	sfence  }
0xb4: {  	s28 =	sld [smem:$0x0];
	_ =	sdelay $0x1  }
0xb5: {  	s29 =	srdreg.scid  }
0xb6: {  	s30 =	sshll.u32 s29, $0xD;
	s31 =	sshrl.u32 s29, $0x2  }
0xb7: {  	s2 =	sand.u32 $0x4000, s30;
	s1 =	sand.u32 $0x1, s29;
	s0 =	sadd.s32 s31, s28  }
0xb8: {  	s1 =	sor.u32 s2, s1;
	s0 =	sshll.u32 s0, $0x11  }
0xb9: {  	s0 =	sor.u32 s0, s1  }
0xba: {  	s0 =	sadd.s32 $0x8F2B, s0  }
0xbb: {  	[sflag:s0] =	ssyncadd.remote.s32 $0x1  }
0xbc: {  	_ =	sfence.sel $0xFFFF  }
0xbd: {  	[dreg:$0x0] =	wrdreg $0xFFFFFFFF;
	(pc) =	sbr.abs _section_cstart, $3  }
0xbe: {  	[dreg:$0x1] =	wrdreg $0xFFFFFFFF  }
0xbf: {  	_ =	task.clear_ibuf [dreg:s5], $0x2FFFF;
	_ =	strace $0x9FFFFFFF  }
0xc0: {  	(tm) =	ssettm $0x7FFFFFFF  }
0xc1: {  	_ =	shalt  }
tec
execute0_lowered:
.L_overlay_start_1:
0x0: {  	(tag) =	ssettag $0x1  }
0x1: {  	s0 =	stileid.u32  }
0x2: {  	s1 =	smin.u32 s0, $0x9  }
0x3: {  	s1 =	sadd.s32 s0, s1  }
0x4: {  	s2 =	simm.s32 $0x190;
	p0 =	slt.u32 s0, $0x9;
	s1 =	smul.u32 $0xC8, s1  }
0x5: {  	s2 =	simm.s32 @!p0 $0xC8  }
0x6: {  	s2 =	sadd.s32 s2, s1  }
0x7: {  	s3 =	smin.u32 s2, $0x1388  }
0x8: {  	s7 =	ssub.s32 s3, s1  }
0x9: {  	p0 =	sgt.s32 s7, $0x0  }
0xa: {  	s7 =	simm.s32 @!p0 $0x0  }
0xb: {  	s31 =	sand.u32 $0xFFF8, s7  }
0xc: {  	s2 =	sshrl.u32 s31, $0x3  }
0xd: {  	s4 =	rddreg [dreg:$0x0];
	s2 =	smul.u32 $0x147B, s2  }
0xe: {  	s9 =	rddreg [dreg:$0x1];
	s6 =	simm.s32 $0x1  }
0xf: {  	s11 =	simm.s32 $0x3;
	s13 =	simm.s32 $0x0;
	s8 =	sshrl.u32 s2, $0x11  }
0x10: {  	s12 =	simm.s32 $0x0;
	s5 =	sadd.s32 $0x26600, s9;
	s10 =	smul.u32 $0xC8, s8  }
.Ltmp0:
0x11: {  	s9 =	sadd.s32 $0x26A00, s9;
	s2 =	rddreg [dreg:$0x2];
	(pc) =	sbr.rel .LBB2_1-.Ltmp0, $4  }
0x12: {  	_ =	strace $0x80000047;
	p0 =	sne.s32 s7, s10;
	s10 =	simm.s32 $0x1  }
0x13: {  	[sflag:s6] =	ssyncpa.u1 $0x0;
	s7 =	simm.s32 $0x2;
	s10 =	simm.s32 @!p0 $0x0  }
0x14: {  	[sflag:s7] =	ssyncpa.u1 $0x0;
	p0 =	por $0x0, $0x0;
	s8 =	sadd.s32 s8, s10  }
0x15: {  	vm0 =	vmmov $0xff;
	vm1 =	vcmask $0x3F20;
	[sflag:s11] =	ssyncpa.u1 $0x0;
	s11 =	smov.u32 s1;
	s10 =	sadd.s32 $0x1, s8  }
.LBB2_6:
0x16: {  	[hbm:s17] =	stream.linear.scatter [tilespmem:s14], [sflag:$0x3], $0x400, $0x38;
	[tilespmem:$0xC990] =	vst v63  }
.LBB2_7:
0x17: {  	s13 =	sadd.s32 $0xC8, s11  }
0x18: {  	s15 =	smov.u32 s1;
	p2 =	slt.s32 s13, s3  }
0x19: {  	s15 =	smov.u32 @p2 s13;
	p2 =	sne.s32 s12, s10  }
.Ltmp1:
0x1a: {  	p1 =	slt.u32 s12, $0x2;
	(pc) =	sbr.rel @!p2 .LBB2_8-.Ltmp1, $4  }
0x1b: {  	s14 =	simm.s32 @!p1 $0x3  }
0x1c: {  	s16 =	sadd.s32 $0x1, s12;
	_ =	swait.ge @!p1 [sflag:s14], $0x6400  }
0x1d: {  	p0 =	por !p0, !p0;
	s13 =	smov.u32 s11;
	[sflag:s14] =	ssyncset.done @!p1 $0x0  }
0x1e: {  	s12 =	smov.u32 s16;
	s11 =	smov.u32 s15;
	[sflag:s14] =	ssyncadd.s32 @!p1 $0xFFFF9C00  }
.LBB2_1:
0x1f: {  	p1 =	sge.u32 s12, s8  }
0x20: {  	s14 =	sxor.u32 @!p1 $0xFFFFFFFF, s12  }
0x21: {  	s14 =	sand.u32 @!p1 $0x1, s14  }
0x22: {  	s14 =	smul.u32 @!p1 $0x320, s14  }
0x23: {  	s31 =	sadd.s32 $0xFFFFFFFF, s12;
	s15 =	sshrl.u32 @!p1 s11, $0x3  }
0x24: {  	s16 =	sand.u32 @!p1 $0x7, s11;
	s15 =	sadd.s32 @!p1 s5, s15;
	s14 =	sshrl.u32 @!p1 s14, $0x2  }
0x25: {  	[tilespmem:s14], [sflag:$0x2] =	stream.linear.gather @!p1 [hbm4b:s15+s16], $0xC8, $0x38;
	[tilespmem:$0xC990] =	vst v63  }
0x26: {  	p1 =	sge.u32 s31, s8  }
.Ltmp2:
0x27: {  	_ = 	snop;
	(pc) =	sbr.rel @p1 .LBB2_7-.Ltmp2, $1  }
0x28: {  	_ =	sdelay $0x3  }
0x29: {  	s14 =	simm.s32 $0x1  }
0x2a: {  	s14 =	simm.s32 @!p0 $0x0  }
0x2b: {  	s15 =	smul.u32 $0x320, s14  }
0x2c: {  	_ =	swait.ge [sflag:s7], $0xC8  }
0x2d: {  	[sflag:s7] =	ssyncset.done $0x0;
	s16 =	sshrl.u32 s15, $0x2  }
0x2e: {  	[sflag:s7] =	ssyncadd.s32 $0xFFFFFF38;
	s15 =	sadd.s32 $0x0, s16  }
0x2f: {  	v0 =	vld.msk [tilespmem:s15+$0x0 ss:$0x1], $0xffff;
	_ =	sdelay $0x4  }
0x30: {  	vm2 =	vgt.s32 v0, $0x0  }
0x31: {  	v0 =	vnsel vm2, $0x0, v0  }
0x32: {  	v0 =	vmin.u32 v0, $0x1387  }
0x33: {  	v0 =	vshll.u32 v0, $0x4  }
0x34: {  	s14 =	smul.u32 $0x19000, s14  }
0x35: {  	s31 =	sand.u32 $0x1, s12  }
0x36: {  	s17 =	smul.u32 $0x320, s31;
	s14 =	sshrl.u32 s14, $0x2  }
0x37: {  	s19 =	smul.u32 $0x19000, s31;
	s14 =	sor.u32 $0x190, s14  }
0x38: {  	[tilespmem:s14], [sflag:$0x1] =	stream.indirect_vreg.gather [hbm:s4], $0x80, v0, vm0, $0x38;
	[tilespmem:$0xC990] =	vst v63  }
0x39: {  	s18 =	sshrl.u32 s17, $0x2;
	s20 =	sadd.s32 $0x10, s16;
	s15 =	sadd.s32 $0x400, s14  }
0x3a: {  	[tilespmem:s15], [sflag:$0x1] =	stream.indirect_vreg.gather [hbm:s4], $0x80, v0, vm1, $0x38;
	[tilespmem:$0xC990] =	vst v63  }
0x3b: {  	s17 =	sshrl.u32 s19, $0x2;
	s19 =	smov.u32 s14;
	v0 =	vld.msk [tilespmem:s20+$0x0 ss:$0x1], $0xffff;
	s20 =	simm.s32 $0x80  }
.LBB2_3:
0x3c: {  	p1 =	sne.s32 s20, $0x2C0;
	_ =	sdelay $0x4  }
0x3d: {  	vm2 =	vgt.s32 v0, $0x0  }
0x3e: {  	v0 =	vnsel vm2, $0x0, v0  }
0x3f: {  	v0 =	vmin.u32 v0, $0x1387  }
0x40: {  	v0 =	vshll.u32 v0, $0x4;
	_ =	sdelay $0x3  }
.Ltmp3:
0x41: {  	s21 =	sshra.s32 s20, $0x2;
	s19 =	sadd.s32 $0x800, s19;
	(pc) =	sbr.rel @p1 .LBB2_3-.Ltmp3, $4  }
0x42: {  	[tilespmem:s19], [sflag:$0x1] =	stream.indirect_vreg.gather [hbm:s4], $0x80, v0, vm0, $0x38;
	[tilespmem:$0xC990] =	vst v63  }
0x43: {  	s21 =	sadd.s32 s21, s16;
	s22 =	sadd.s32 $0x400, s19  }
0x44: {  	[tilespmem:s22], [sflag:$0x1] =	stream.indirect_vreg.gather [hbm:s4], $0x80, v0, vm1, $0x38;
	[tilespmem:$0xC990] =	vst v63  }
0x45: {  	s20 =	sadd.s32 $0x40, s20;
	v0 =	vld.msk [tilespmem:s21+$0x0 ss:$0x1], $0xffff  }
0x46: {  	_ =	sdelay $0x3  }
0x47: {  	vm2 =	vgt.s32 v0, $0x0  }
0x48: {  	v0 =	vnsel vm2, $0x0, v0  }
0x49: {  	v0 =	vmin.u32 v0, $0x1387  }
0x4a: {  	v0 =	vshll.u32 v0, $0x4;
	_ =	sdelay $0x3  }
0x4b: {  	s16 =	sadd.s32 $0x800, s19  }
0x4c: {  	[tilespmem:s16], [sflag:$0x1] =	stream.indirect_vreg.gather [hbm:s4], $0x80, v0, vm0, $0x38;
	[tilespmem:$0xC990] =	vst v63  }
0x4d: {  	s16 =	sadd.s32 $0x400, s16  }
0x4e: {  	[tilespmem:s16], [sflag:$0x1] =	stream.indirect_vreg.gather [hbm:s4], $0x80, v0, vm1, $0x38;
	[tilespmem:$0xC990] =	vst v63  }
0x4f: {  	v0 =	vld.msk [tilespmem:s18+$0xC0 ss:$0x1], $0xff;
	_ =	sdelay $0x4  }
0x50: {  	vm2 =	vgt.s32 v0, $0x0  }
0x51: {  	v0 =	vnsel vm2, $0x0, v0  }
0x52: {  	v0 =	vmin.u32 v0, $0x1387  }
0x53: {  	v0 =	vshll.u32 v0, $0x4;
	_ =	sdelay $0x3  }
0x54: {  	s31 =	sadd.s32 $0x6190, s17  }
0x55: {  	[tilespmem:s31], [sflag:$0x1] =	stream.indirect_vreg.gather [hbm:s4], $0x80, v0, vm0, $0x38;
	[tilespmem:$0xC990] =	vst v63  }
0x56: {  	s13 =	sshll.u32 s13, $0x4;
	_ =	swait.ge [sflag:s6], $0x6400  }
0x57: {  	s13 =	sadd.s32 s13, s9;
	[sflag:s6] =	ssyncset.done $0x0  }
0x58: {  	s17 =	sadd.s32 $0x0, s13;
	s16 =	simm.s32 $0x80;
	[sflag:s6] =	ssyncadd.s32 $0xFFFF9C00  }
.LBB2_5:
0x59: {  	[hbm:s17] =	stream.linear.scatter [tilespmem:s14], [sflag:$0x3], $0x400, $0x38;
	[tilespmem:$0xC990] =	vst v63  }
0x5a: {  	s17 =	smov.u32 s16;
	s14 =	smov.u32 s15;
	p1 =	sne.s32 s16, $0xC00  }
.Ltmp4:
0x5b: {  	s16 =	sadd.s32 $0x80, s16;
	(pc) =	sbr.rel @p1 .LBB2_5-.Ltmp4, $2  }
0x5c: {  	_ =	sdelay $0x2  }
0x5d: {  	s15 =	sadd.s32 $0x400, s15;
	s17 =	sadd.s32 s17, s13  }
.Ltmp5:
0x5e: {  	_ = 	snop;
	(pc) =	sbr.rel .LBB2_6-.Ltmp5, $1  }
0x5f: {  	_ =	sdelay $0x3  }
.LBB2_8:
0x60: {  	_ =	sfence.sel $0x180000  }
0x61: {  	s1 =	simm.s32 $0x2;
	[bflag:$0x0] =	sbarrier.arrive $0xFFFF  }
0x62: {  	s30 =	simm.s32 $0x3;
	[sflag:s1] =	ssyncpa.u1 $0x1  }
0x63: {  	s31 =	simm.s32 $0x1;
	[sflag:s30] =	ssyncpa.u1 $0x1  }
0x64: {  	[sflag:s31] =	ssyncpa.u1 $0x1  }
0x65: {  	p0 =	sne.s32 s0, $0x0;
	_ =	strace $0x90000047  }
0x66: {  	s0 =	sadd.s32 @!p0 $0x100000, s2;
	[bflag:$0x2] =	sbarrier.arrive $0xFFFF  }
0x67: {  	[sflag:s0] =	ssyncadd.tile.s32 @!p0 $0x1;
	_ =	shalt  }
.Lfunc_end2:
_tile_overlayer_lowered:
.L_overlay_start_2:
0x68: {  	(tag) =	ssettag $0x2  }
0x69: {  	s0 =	rddreg [dreg:$0x0];
	s2 =	stileid.u32  }
0x6a: {  	s1 =	rddreg [dreg:$0x1];
	p0 =	sne.s32 s2, $0x0  }
0x6b: {  	s3 =	rddreg [dreg:$0x2];
	[bflag:$0x3] =	sbarrier.arrive $0xFFFF;
	s2 =	simm.s32 @!p0 $0x1C01  }
0x6c: {  	[timem:s3], [sflag:s2] =	dma.local @!p0 [hbm:s0], s1  }
0x6d: {  	s0 =	simm.s32 @!p0 $0x1  }
0x6e: {  	_ =	swait.ge @!p0 [sflag:s0], s1  }
0x6f: {  	s1 =	ssub.s32 @!p0 $0x0, s1;
	[sflag:s0] =	ssyncset.done @!p0 $0x0  }
0x70: {  	[sflag:s0] =	ssyncadd.s32 @!p0 s1  }
0x71: {  	[bflag:$0x3] =	sbarrier.arrive $0xFFFF  }
0x72: {  	_ =	shalt  }

// kernel: kernel.16.cloned.1.call-start
scs
__scs_entry_jumppad:
0x0: {  	(pc) =	sbr.rel $0x88, $3  }
0x1: {  	(tag) =	ssettag $0x0;
	lr =	simm.s32 $0x1  }
0x2: {  	[smem:$0x3F38] =	sst lr;
	_ =	strace $0xD0000000  }
0x3: {  	_ = 	snop  }
0x4: {  	_ = 	snop  }
0x5: {  	_ = 	snop  }
0x6: {  	_ = 	snop  }
0x7: {  	_ = 	snop  }
__scs_overlays_trampoline_lowered:
0x8: {  	[smem:$0x3F47] =	sst s0  }
0x9: {  	[smem:$0x3F48] =	sst s1  }
0xa: {  	[smem:$0x3F49] =	sst s2  }
0xb: {  	[smem:$0x3F4A] =	sst s3  }
0xc: {  	[smem:$0x3F4B] =	sst s4  }
0xd: {  	[smem:$0x3F4C] =	sst s5  }
0xe: {  	[smem:$0x3F4D] =	sst s6  }
0xf: {  	[smem:$0x3F4E] =	sst s7  }
0x10: {  	[smem:$0x3F4F] =	sst s8  }
0x11: {  	[smem:$0x3F50] =	sst s9;
	s0 =	simm.s32 @!p0 $0x0  }
0x12: {  	s1 =	sld [smem:$0x3F36];
	s0 =	simm.s32 @p0 $0x1  }
0x13: {  	[smem:$0x3F51] =	sst s0;
	s0 =	simm.s32 @!p1 $0x0  }
0x14: {  	s2 =	sld [smem:$0x3F35];
	s0 =	simm.s32 @p1 $0x1  }
0x15: {  	[smem:$0x3F52] =	sst s0;
	s0 =	simm.s32 @!p2 $0x0  }
0x16: {  	s3 =	sld [smem:$0x3FDB];
	s0 =	simm.s32 @p2 $0x1  }
0x17: {  	s4 =	simm.s32 $0x1BF5;
	[smem:$0x3F54] =	sst s0  }
0x18: {  	s0 =	sld [smem:$0x3F37];
	_ =	swait.ge [sflag:s4], $0x0  }
0x19: {  	s7 =	sld [smem:$0x3F38]  }
0x1a: {  	s8 =	sadd.s32 $0xFFFFE003, lr  }
0x1b: {  	s9 =	sadd.s32 $0xFFFFFEF7, lr;
	s5 =	simm.s32 $0xFFFFFFFF;
	p2 =	slt.u32 s8, $0xFFFFF086  }
0x1c: {  	p1 =	slt.u32 s9, $0xF7A;
	s5 =	simm.s32 @!p2 $0x0  }
0x1d: {  	s5 =	simm.s32 @p1 $0x1;
	p0 =	seq.s32 s7, s2  }
0x1e: {  	s7 =	smul.u32 @!p0 $0xF7A, s2;
	p2 =	seq.s32 @!p0 s5, $0x0  }
0x1f: {  	s9 =	smul.u32 $0xF7A, s1;
	s8 =	simm.s32 @!p0 $0x1BF5;
	p2 =	por !p2, p0  }
0x20: {  	[sflag:s8] =	ssyncset.s32 @!p0 $0xFFFFF086;
	s6 =	sadd.s32 @!p0 s3, s7;
	s7 =	simm.s32 @!p0 $0x108  }
0x21: {  	s3 =	sadd.s32 s3, s9;
	s6 =	sadd.s32 @!p0 $0x88, s6;
	s7 =	simm.s32 @p2 $0x1082  }
0x22: {  	[simem:s7], [sflag:s8] =	dma.local @!p0 [hbm:s6], $0xF7A  }
0x23: {  	s9 =	sor.u32 $0xD0000000, s2;
	s6 =	simm.s32 $0x108;
	_ =	swait.ge @!p0 [sflag:s8], $0x0  }
0x24: {  	s3 =	sadd.s32 $0x88, s3;
	s6 =	simm.s32 @!p1 $0x1082;
	[sflag:s4] =	ssyncset.s32 $0xFFFFF086  }
0x25: {  	[simem:s6], [sflag:s4] =	dma.local [hbm:s3], $0xF7A  }
0x26: {  	[smem:$0x3F38] =	sst s1;
	(tag) =	ssettag s2;
	_ =	strace s9  }
0x27: {  	s1 =	sld [smem:$0x3F48]  }
0x28: {  	s2 =	sld [smem:$0x3F49]  }
0x29: {  	s4 =	sld [smem:$0x3F4B]  }
0x2a: {  	p0 =	seq.s32 s5, $0x0;
	s5 =	sld [smem:$0x3F4C]  }
0x2b: {  	s6 =	sld [smem:$0x3F4D]  }
0x2c: {  	s7 =	sld [smem:$0x3F4E]  }
0x2d: {  	s3 =	simm.s32 $0x108;
	s8 =	sld [smem:$0x3F4F]  }
0x2e: {  	s3 =	simm.s32 @!p0 $0x1082;
	s9 =	sld [smem:$0x3F50]  }
0x2f: {  	lr =	sadd.s32 s0, s3;
	s0 =	sld [smem:$0x3F47]  }
0x30: {  	s3 =	sld [smem:$0x3F4A]  }
0x31: {  	[smem:$0x3F53] =	sst s10  }
0x32: {  	s10 =	sld [smem:$0x3F51];
	_ =	sdelay $0x3  }
0x33: {  	p0 =	seq.s32 s10, $0x1;
	s10 =	sld [smem:$0x3F53];
	_ =	sdelay $0x3  }
0x34: {  	[smem:$0x3F53] =	sst s10  }
0x35: {  	s10 =	sld [smem:$0x3F52];
	_ =	sdelay $0x3  }
0x36: {  	p1 =	seq.s32 s10, $0x1;
	s10 =	sld [smem:$0x3F53];
	_ =	sdelay $0x3  }
0x37: {  	[smem:$0x3F53] =	sst s10  }
0x38: {  	s10 =	sld [smem:$0x3F54]  }
0x39: {  	_ = 	snop;
	(pc) =	sbr.ind lr, $3  }
0x3a: {  	_ = 	snop  }
0x3b: {  	_ = 	snop  }
0x3c: {  	p2 =	seq.s32 s10, $0x1;
	s10 =	sld [smem:$0x3F53]  }
0x3d: {  	_ =	shalt  }
0x3e: {  	_ =	shalt  }
0x3f: {  	_ =	shalt  }
0x40: {  	_ =	shalt  }
0x41: {  	_ =	shalt  }
0x42: {  	_ =	shalt  }
0x43: {  	_ =	shalt  }
0x44: {  	_ =	shalt  }
0x45: {  	_ =	shalt  }
0x46: {  	_ =	shalt  }
0x47: {  	_ =	shalt  }
0x48: {  	_ =	shalt  }
0x49: {  	_ =	shalt  }
0x4a: {  	_ =	shalt  }
0x4b: {  	_ =	shalt  }
0x4c: {  	_ =	shalt  }
0x4d: {  	_ =	shalt  }
0x4e: {  	_ =	shalt  }
0x4f: {  	_ =	shalt  }
0x50: {  	_ =	shalt  }
0x51: {  	_ =	shalt  }
0x52: {  	_ =	shalt  }
0x53: {  	_ =	shalt  }
0x54: {  	_ =	shalt  }
0x55: {  	_ =	shalt  }
0x56: {  	_ =	shalt  }
0x57: {  	_ =	shalt  }
0x58: {  	_ =	shalt  }
0x59: {  	_ =	shalt  }
0x5a: {  	_ =	shalt  }
0x5b: {  	_ =	shalt  }
0x5c: {  	_ =	shalt  }
0x5d: {  	_ =	shalt  }
0x5e: {  	_ =	shalt  }
0x5f: {  	_ =	shalt  }
0x60: {  	_ =	shalt  }
0x61: {  	_ =	shalt  }
0x62: {  	_ =	shalt  }
0x63: {  	_ =	shalt  }
0x64: {  	_ =	shalt  }
0x65: {  	_ =	shalt  }
0x66: {  	_ =	shalt  }
0x67: {  	_ =	shalt  }
0x68: {  	_ =	shalt  }
0x69: {  	_ =	shalt  }
0x6a: {  	_ =	shalt  }
0x6b: {  	_ =	shalt  }
0x6c: {  	_ =	shalt  }
0x6d: {  	_ =	shalt  }
0x6e: {  	_ =	shalt  }
0x6f: {  	_ =	shalt  }
0x70: {  	_ =	shalt  }
0x71: {  	_ =	shalt  }
0x72: {  	_ =	shalt  }
0x73: {  	_ =	shalt  }
0x74: {  	_ =	shalt  }
0x75: {  	_ =	shalt  }
0x76: {  	_ =	shalt  }
0x77: {  	_ =	shalt  }
0x78: {  	_ =	shalt  }
0x79: {  	_ =	shalt  }
0x7a: {  	_ =	shalt  }
0x7b: {  	_ =	shalt  }
0x7c: {  	_ =	shalt  }
0x7d: {  	_ =	shalt  }
0x7e: {  	_ =	shalt  }
0x7f: {  	_ =	shalt  }
0x80: {  	_ =	shalt  }
0x81: {  	_ =	shalt  }
0x82: {  	_ =	shalt  }
0x83: {  	_ =	shalt  }
0x84: {  	_ =	shalt  }
0x85: {  	_ =	shalt  }
0x86: {  	_ =	shalt  }
0x87: {  	_ =	shalt  }
.Lfunc_end0:
.L_simem_size_0:
called_computation.1_lowered:
.L_overlay_start_0:
0x88: {  	s2 =	sld [smem:$0x3FD9]  }
0x89: {  	s3 =	sld [smem:$0x3FFE];
	_ =	sdelay $0x1  }
0x8a: {  	s1 =	srdreg.scid  }
0x8b: {  	s0 =	sand.u32 $0x1, s1  }
0x8c: {  	s15 =	sshll.u32 s0, $0xA;
	s2 =	sadd.s32 s3, s2  }
0x8d: {  	s2 =	sadd.s32 s2, s15  }
0x8e: {  	[smem:$0x3F5F] =	sst s2  }
0x8f: {  	_ = 	snop  }
0x90: {  	s2 =	sld [smem:$0x3FD0];
	_ =	sdelay $0x2  }
0x91: {  	s16 =	simm.s32 $0xB;
	s4 =	simm.s32 $0x10  }
0x92: {  	[smem:s4], [sflag:s16] =	dma.local [hbm:s2], $0x1  }
0x93: {  	_ =	swait.eq [sflag:s16], $0x1  }
0x94: {  	[sflag:s16] =	ssyncset.done $0x0  }
0x95: {  	[sflag:s16] =	ssyncadd.s32 $0xFFFFFFFF  }
0x96: {  	s17 =	sld [smem:$0x10];
	(tm) =	ssettm $0x1  }
0x97: {  	s18 =	sld [smem:$0x3FFB];
	_ =	sdelay $0x3  }
0x98: {  	_ =	strace s18  }
0x99: {  	s2 =	sld [smem:$0x3FFC];
	_ =	sdelay $0x3  }
0x9a: {  	_ =	strace s2  }
0x9b: {  	s2 =	sld [smem:$0x3FFD];
	_ =	sdelay $0x3  }
0x9c: {  	_ =	strace s2  }
0x9d: {  	_ =	strace $0x8FFFFFFF  }
0x9e: {  	s19 =	sld [smem:$0x3FDB];
	_ =	sdelay $0x1  }
0x9f: {  	s20 =	simm.s32 $_scs_section_size  }
0xa0: {  	s5 =	simm.s32 $_size__tile_overlayer_lowered;
	s6 =	simm.s32 $_tile_overlayer_lowered  }
0xa1: {  	s7 =	simm.s32 $0x1BFF;
	s21 =	sshll.u32 s6, $0x1;
	s4 =	sadd.s32 s20, s19  }
0xa2: {  	s22 =	simm.s32 $0x0;
	s5 =	sshll.u32 s5, $0x1;
	s6 =	sadd.s32 s21, s4  }
0xa3: {  	[timem:s22], [sflag:s7] =	dma.local [hbm:s6], s5  }
0xa4: {  	_ =	swait.ge [sflag:s7], s5  }
0xa5: {  	s5 =	ssub.s32 $0x0, s5;
	[sflag:s7] =	ssyncset.done $0x0  }
0xa6: {  	[sflag:s7] =	ssyncadd.s32 s5;
	_ =	sdelay $0x1  }
0xa7: {  	s23 =	simm.s32 $0x1B8B  }
0xa8: {  	_ =	swait.ge [sflag:s23], $0x1  }
0xa9: {  	[sflag:s23] =	ssyncset.done $0x0  }
0xaa: {  	[sflag:s23] =	ssyncadd.s32 $0xFFFFFFFF  }
0xab: {  	s5 =	sld [smem:$0x0]  }
0xac: {  	s6 =	sand.u32 $0xFFFFFFFE, s1  }
0xad: {  	p0 =	sne.s32 s1, s6  }
0xae: {  	s6 =	sshll.u32 @p0 s6, $0xE  }
0xaf: {  	s6 =	sadd.s32 @p0 $0x11B8D, s6;
	s7 =	sshll.u32 @p0 s5, $0x11  }
0xb0: {  	s6 =	sor.u32 @p0 s7, s6  }
0xb1: {  	[sflag:s6] =	ssyncadd.remote.s32 @p0 $0x1;
	_ =	sdelay $0x1  }
0xb2: {  	s6 =	simm.s32 @p0 $0x1B8D  }
0xb3: {  	_ =	swait.eq @p0 [sflag:s6], $0x1  }
0xb4: {  	[sflag:s6] =	ssyncadd.s32 @p0 $0xFFFFFFFF  }
0xb5: {  	s7 =	sshll.u32 @!p0 s1, $0xE  }
0xb6: {  	s7 =	sor.u32 @!p0 $0x4000, s7;
	s6 =	simm.s32 @!p0 $0x1B8D  }
0xb7: {  	s5 =	sshll.u32 @!p0 s5, $0x11;
	s7 =	sadd.s32 @!p0 $0x11B8D, s7;
	_ =	swait.eq @!p0 [sflag:s6], $0x1  }
0xb8: {  	s5 =	sor.u32 @!p0 s5, s7;
	[sflag:s6] =	ssyncadd.s32 @!p0 $0xFFFFFFFF  }
0xb9: {  	s25 =	simm.s32 $0x1B8E;
	s24 =	sld [smem:$0x3FFE];
	[sflag:s5] =	ssyncadd.remote.s32 @!p0 $0x1  }
0xba: {  	s26 =	simm.s32 $execute0_lowered;
	[smem:$0x3FD2] =	sst s25  }
0xbb: {  	s6 =	sshll.u32 s26, $0x1;
	_ =	strace $0x80000049;
	[dreg:$0x1] =	wrdreg $0xFFFFFFFF  }
0xbc: {  	s28 =	simm.s32 $_size_execute0_lowered;
	s4 =	sadd.s32 s4, s6;
	[dreg:$0x0] =	wrdreg $0x0  }
0xbd: {  	s6 =	sshll.u32 s28, $0x1;
	[dreg:$0x2] =	wrdreg s4  }
0xbe: {  	[dreg:$0x3] =	wrdreg s6  }
0xbf: {  	[dreg:$0x4] =	wrdreg $0xC0  }
0xc0: {  	_ =	task [dreg:s22], $0x5FFFF  }
0xc1: {  	[dreg:$0x1] =	wrdreg $0xFFFFFFFF  }
0xc2: {  	[dreg:$0x0] =	wrdreg $0x60  }
0xc3: {  	[dreg:$0x2] =	wrdreg s24  }
0xc4: {  	[dreg:$0x3] =	wrdreg s17  }
0xc5: {  	[dreg:$0x4] =	wrdreg $0xA  }
0xc6: {  	_ =	task.clear_ibuf [dreg:s22], $0x5FFFF;
	_ =	strace $0x90000049  }
0xc7: {  	s29 =	simm.s32 $0xA;
	_ =	strace $0x8000004B  }
0xc8: {  	_ =	swait.ge [sflag:s29], $0x1  }
0xc9: {  	[sflag:s29] =	ssyncadd.s32 $0xFFFFFFFF  }
0xca: {  	_ =	strace $0x9000004B  }
0xcb: {  	_ =	sfence  }
0xcc: {  	s30 =	sld [smem:$0x0];
	_ =	sdelay $0x2  }
0xcd: {  	s31 =	sshll.u32 s1, $0xD;
	s1 =	sshrl.u32 s1, $0x2  }
0xce: {  	s4 =	sand.u32 $0x4000, s31;
	s1 =	sadd.s32 s1, s30  }
0xcf: {  	s0 =	sor.u32 s4, s0;
	s1 =	sshll.u32 s1, $0x11  }
0xd0: {  	s0 =	sor.u32 s1, s0  }
0xd1: {  	s0 =	sadd.s32 $0x8F2B, s0  }
0xd2: {  	[sflag:s0] =	ssyncadd.remote.s32 $0x1  }
0xd3: {  	_ =	sfence.sel $0xFFFF  }
0xd4: {  	[dreg:$0x0] =	wrdreg $0xFFFFFFFF;
	(pc) =	sbr.abs _section_cstart, $3  }
0xd5: {  	[dreg:$0x1] =	wrdreg $0xFFFFFFFF  }
0xd6: {  	_ =	task.clear_ibuf [dreg:s22], $0x2FFFF;
	_ =	strace $0x9FFFFFFF  }
0xd7: {  	(tm) =	ssettm $0x7FFFFFFF  }
tec
execute0_lowered:
.L_overlay_start_1:
0x0: {  	(tag) =	ssettag $0x1  }
0x1: {  	s1 =	srdreg.scid  }
0x2: {  	s0 =	stileid.u32;
	s9 =	rddreg [dreg:$0x0]  }
0x3: {  	s2 =	rddreg [dreg:$0x1];
	s3 =	simm.s32 $0x0;
	s18 =	simm.s32 $0x100  }
0x4: {  	s19 =	simm.s32 $0x200;
	s20 =	simm.s32 $0x1600;
	s21 =	simm.s32 $0x2A00  }
0x5: {  	s22 =	simm.s32 $0x4A00;
	s23 =	simm.s32 $0x6A00;
	s24 =	simm.s32 $0x8A00  }
0x6: {  	s25 =	simm.s32 $0xAA00;
	s26 =	simm.s32 $0x0;
	s10 =	sand.u32 $0x1, s1  }
0x7: {  	s31 =	sshll.u32 s0, $0x1;
	[smem:$0x7FF] =	sst s3;
	s6 =	sadd.s32 $0x3A800, s9  }
0x8: {  	s7 =	sadd.s32 $0x3B000, s9;
	s8 =	sadd.s32 $0x3AC00, s9;
	s11 =	sor.u32 s10, s31  }
0x9: {  	_ =	strace $0x8000004A;
	s10 =	ssub.s32 $0x2, s10;
	s4 =	smul.u32 $0xC0, s11  }
0xa: {  	s13 =	sshll.u32 s11, $0xA;
	s11 =	sshll.u32 s11, $0x1;
	s14 =	sshrl.u32 s10, $0x1  }
0xb: {  	s15 =	sadd.s32 s13, s9;
	s16 =	sadd.s32 s11, s9;
	s17 =	ssub.s32 s10, s14  }
0xc: {  	s5 =	sshrl.u32 s4, $0x3;
	s11 =	sadd.s32 $0x3B400, s15;
	s13 =	sadd.s32 $0x43400, s15  }
0xd: {  	s14 =	sadd.s32 $0x4B400, s15;
	s12 =	sadd.s32 s5, s9;
	s5 =	sadd.s32 $0x3A400, s9  }
0xe: {  	v0 =	vlaneseq.u32;
	s9 =	sadd.s32 $0x25E00, s12;
	s10 =	sadd.s32 $0x26200, s12;
	s12 =	sadd.s32 $0x53400, s15  }
0xf: {  	vm0 =	vmxor vm0, vm0;
	v2 =	vimm.s32 $0x0;
	v1 =	vmul.u32 $0x200, v0;
	s15 =	sadd.s32 $0x5B400, s16;
	s16 =	smax.u32 s17, $0x1;
	s17 =	simm.s32 $0x1  }
.LBB2_1:
0x10: {  	[tilespmem:s3], [sflag:$0x1] =	stream.linear.gather [hbm4b:s9+s3], $0xC0, $0x38;
	[tilespmem:$0xAA80] =	vst v63  }
0x11: {  	_ =	swait.ge [sflag:s17], $0xC0  }
0x12: {  	[sflag:s17] =	ssyncset.done $0x0  }
0x13: {  	[sflag:s17] =	ssyncadd.s32 $0xFFFFFF40  }
0x14: {  	[tilespmem:s18], [sflag:$0x1] =	stream.linear.gather [hbm4b:s10+s3], $0xC0, $0x38;
	[tilespmem:$0xAA80] =	vst v63  }
0x15: {  	_ =	swait.ge [sflag:s17], $0xC0  }
0x16: {  	[sflag:s17] =	ssyncset.done $0x0  }
0x17: {  	[sflag:s17] =	ssyncadd.s32 $0xFFFFFF40  }
0x18: {  	[tilespmem:s19], [sflag:$0x1] =	stream.linear.gather [hbm4b:s5+s3], $0x1400, $0x38;
	[tilespmem:$0xAA80] =	vst v63  }
0x19: {  	_ =	swait.ge [sflag:s17], $0x1400  }
0x1a: {  	[sflag:s17] =	ssyncset.done $0x0  }
0x1b: {  	[sflag:s17] =	ssyncadd.s32 $0xFFFFEC00  }
0x1c: {  	[tilespmem:s20], [sflag:$0x1] =	stream.linear.gather [hbm4b:s6+s3], $0x1400, $0x38;
	[tilespmem:$0xAA80] =	vst v63  }
0x1d: {  	_ =	swait.ge [sflag:s17], $0x1400  }
0x1e: {  	[sflag:s17] =	ssyncset.done $0x0  }
0x1f: {  	[sflag:s17] =	ssyncadd.s32 $0xFFFFEC00  }
0x20: {  	[tilespmem:s21], [sflag:$0x1] =	stream.linear.gather [hbm4b:s2+s3], $0x2000, $0x38;
	[tilespmem:$0xAA80] =	vst v63  }
0x21: {  	_ =	swait.ge [sflag:s17], $0x2000  }
0x22: {  	[sflag:s17] =	ssyncset.done $0x0  }
0x23: {  	[sflag:s17] =	ssyncadd.s32 $0xFFFFE000  }
0x24: {  	[tilespmem:s22], [sflag:$0x1] =	stream.linear.gather [hbm4b:s7+s3], $0x2000, $0x38;
	[tilespmem:$0xAA80] =	vst v63  }
0x25: {  	_ =	swait.ge [sflag:s17], $0x2000  }
0x26: {  	[sflag:s17] =	ssyncset.done $0x0  }
0x27: {  	[sflag:s17] =	ssyncadd.s32 $0xFFFFE000  }
0x28: {  	[tilespmem:s23], [sflag:$0x1] =	stream.linear.gather [hbm4b:s8+s3], $0x2000, $0x38;
	[tilespmem:$0xAA80] =	vst v63  }
0x29: {  	_ =	swait.ge [sflag:s17], $0x2000  }
0x2a: {  	[sflag:s17] =	ssyncset.done $0x0  }
0x2b: {  	[sflag:s17] =	ssyncadd.s32 $0xFFFFE000  }
0x2c: {  	[tilespmem:s24], [sflag:$0x1] =	stream.linear.gather [hbm4b:s8+s3], $0x2000, $0x38;
	[tilespmem:$0xAA80] =	vst v63  }
0x2d: {  	_ =	swait.ge [sflag:s17], $0x2000  }
0x2e: {  	[sflag:s17] =	ssyncset.done $0x0  }
0x2f: {  	v3 =	vimm.s32 $0x0;
	s28 =	simm.s32 $0x0;
	[sflag:s17] =	ssyncadd.s32 $0xFFFFE000  }
.LBB2_2:
0x30: {  	v4 =	vld.msk [tilespmem:s28+$0x0 ss:$0x0], $0xffff  }
0x31: {  	v5 =	vld.msk [tilespmem:s28+$0x100 ss:$0x0], $0xffff;
	s29 =	simm.s32 $0x200  }
0x32: {  	s30 =	simm.s32 $0x1600;
	v6 =	vld [tilespmem:s29+$0x0]  }
0x33: {  	v7 =	vld [tilespmem:s30+$0x0];
	_ =	sdelay $0x4  }
0x34: {  	v9 =	vsub.f32 v4, v6;
	v6 =	vsub.f32 v5, v7;
	_ =	sdelay $0x1  }
0x35: {  	v7 =	vmul.f32 v9, v9;
	v8 =	vmul.f32 v6, v6;
	_ =	sdelay $0x1  }
0x36: {  	s31 =	sadd.s32 s4, s28;
	v7 =	vadd.f32 v8, v7  }
0x37: {  	vm1 =	vmmov vm0;
	p0 =	slt.u32 s31, $0x1770  }
0x38: {  	vm3 =	vlt.s32 v3, $0x1FF;
	vm1 =	vmneg @p0 vm1;
	vm2 =	vle.f32 v7, $2.250000090e-02  }
0x39: {  	v7 =	vnsel vm3, $0x1FF, v3;
	vm2 =	vmand vm1, vm2  }
0x3a: {  	v8 =	vadd.s32 v1, v7;
	_ =	sdelay $0x3  }
0x3b: {  	v7 =	vmov s31;
	s31 =	simm.s32 $0x0  }
0x3c: {  	v10 =	vor.u32 s31, v0;
	[tilespmem:v8+s21+$0x0] =	vst.idx.msk vm2, v7  }
0x3d: {  	[tilespmem:v8+s22+$0x0] =	vst.idx.msk vm2, v10;
	v10 =	vsel vm2, $0x1, v2  }
0x3e: {  	s31 =	simm.s32 $0x10;
	v3 =	vadd.s32 v10, v3;
	[tilespmem:v8+s23+$0x0] =	vst.idx.msk vm2, v9  }
.LBB2_3:
0x3f: {  	p0 =	sne.s32 s31, $0x13F0;
	[tilespmem:v8+s24+$0x0] =	vst.idx.msk vm2, v6;
	s29 =	sadd.s32 $0x10, s29;
	s30 =	sadd.s32 $0x10, s30  }
0x40: {  	s1 =	smov.u32 s31;
	s31 =	sadd.s32 $0x10, s31;
	v6 =	vld [tilespmem:s29+$0x0]  }
0x41: {  	v8 =	vld [tilespmem:s30+$0x0];
	_ =	sdelay $0x4  }
0x42: {  	v9 =	vsub.f32 v4, v6;
	v6 =	vsub.f32 v5, v8;
	_ =	sdelay $0x1  }
0x43: {  	v8 =	vmul.f32 v9, v9;
	v10 =	vmul.f32 v6, v6;
	_ =	sdelay $0x1  }
0x44: {  	v8 =	vadd.f32 v10, v8;
	_ =	sdelay $0x1  }
0x45: {  	vm3 =	vlt.s32 v3, $0x1FF;
	vm2 =	vle.f32 v8, $2.250000090e-02  }
0x46: {  	v8 =	vnsel vm3, $0x1FF, v3;
	vm2 =	vmand vm1, vm2  }
0x47: {  	v8 =	vadd.s32 v1, v8;
	v10 =	vsel vm2, $0x1, v2  }
0x48: {  	v3 =	vadd.s32 v10, v3;
	_ =	sdelay $0x1  }
.Ltmp0:
0x49: {  	(pc) =	sbr.rel @p0 .LBB2_3-.Ltmp0, $4  }
0x4a: {  	_ = 	snop  }
0x4b: {  	v10 =	vor.u32 s1, v0;
	[tilespmem:v8+s21+$0x0] =	vst.idx.msk vm2, v7  }
0x4c: {  	[tilespmem:v8+s22+$0x0] =	vst.idx.msk vm2, v10  }
0x4d: {  	[tilespmem:v8+s23+$0x0] =	vst.idx.msk vm2, v9  }
0x4e: {  	s28 =	sadd.s32 $0x1, s28  }
0x4f: {  	p0 =	sne.s32 s28, $0xC0  }
.Ltmp1:
0x50: {  	_ = 	snop;
	(pc) =	sbr.rel @p0 .LBB2_2-.Ltmp1, $2  }
0x51: {  	_ =	sdelay $0x2  }
0x52: {  	[tilespmem:v8+s24+$0x0] =	vst.idx.msk vm2, v6  }
0x53: {  	vm1 =	vlt.s32 v3, $0x200  }
0x54: {  	v3 =	vnsel vm1, $0x200, v3  }
0x55: {  	[tilespmem:$0xAA00] =	vst v3  }
0x56: {  	[hbm4b:s11+s3] =	stream.linear.scatter [tilespmem:s21], [sflag:$0x1], $0x2000, $0x38;
	[tilespmem:$0xAA80] =	vst v63  }
0x57: {  	_ =	swait.ge [sflag:s17], $0x2000  }
0x58: {  	[sflag:s17] =	ssyncset.done $0x0  }
0x59: {  	[sflag:s17] =	ssyncadd.s32 $0xFFFFE000  }
0x5a: {  	[hbm4b:s12+s3] =	stream.linear.scatter [tilespmem:s22], [sflag:$0x1], $0x2000, $0x38;
	[tilespmem:$0xAA80] =	vst v63  }
0x5b: {  	_ =	swait.ge [sflag:s17], $0x2000  }
0x5c: {  	[sflag:s17] =	ssyncset.done $0x0  }
0x5d: {  	[sflag:s17] =	ssyncadd.s32 $0xFFFFE000  }
0x5e: {  	[hbm4b:s13+s3] =	stream.linear.scatter [tilespmem:s23], [sflag:$0x1], $0x2000, $0x38;
	[tilespmem:$0xAA80] =	vst v63  }
0x5f: {  	_ =	swait.ge [sflag:s17], $0x2000  }
0x60: {  	[sflag:s17] =	ssyncset.done $0x0  }
0x61: {  	[sflag:s17] =	ssyncadd.s32 $0xFFFFE000  }
0x62: {  	[hbm4b:s14+s3] =	stream.linear.scatter [tilespmem:s24], [sflag:$0x1], $0x2000, $0x38;
	[tilespmem:$0xAA80] =	vst v63  }
0x63: {  	s26 =	sadd.s32 $0x1, s26;
	_ =	swait.ge [sflag:s17], $0x2000  }
0x64: {  	p0 =	sne.s32 s26, s16;
	[sflag:s17] =	ssyncset.done $0x0  }
.Ltmp2:
0x65: {  	[sflag:s17] =	ssyncadd.s32 $0xFFFFE000;
	(pc) =	sbr.rel @p0 .LBB2_1-.Ltmp2, $4  }
0x66: {  	[hbm4b:s15+s3] =	stream.linear.scatter [tilespmem:s25], [sflag:$0x1], $0x10, $0x38;
	[tilespmem:$0xAA80] =	vst v63  }
0x67: {  	_ =	swait.ge [sflag:s17], $0x10  }
0x68: {  	[sflag:s17] =	ssyncset.done $0x0  }
0x69: {  	[sflag:s17] =	ssyncadd.s32 $0xFFFFFFF0  }
0x6a: {  	_ =	sfence.sel $0x180000  }
0x6b: {  	[bflag:$0x0] =	sbarrier.arrive $0xFFFF  }
0x6c: {  	_ =	strace $0x9000004A  }
0x6d: {  	[bflag:$0x2] =	sbarrier.arrive $0xFFFF  }
0x6e: {  	p0 =	sne.s32 s0, $0x0;
	s0 =	rddreg [dreg:$0x2]  }
0x6f: {  	s0 =	sadd.s32 @!p0 $0x100000, s0  }
0x70: {  	[sflag:s0] =	ssyncadd.tile.s32 @!p0 $0x1;
	_ =	shalt  }
.Lfunc_end2:
_tile_overlayer_lowered:
.L_overlay_start_2:
0x71: {  	(tag) =	ssettag $0x2  }
0x72: {  	s0 =	rddreg [dreg:$0x0];
	s2 =	stileid.u32  }
0x73: {  	s1 =	rddreg [dreg:$0x1];
	p0 =	sne.s32 s2, $0x0  }
0x74: {  	s3 =	rddreg [dreg:$0x2];
	[bflag:$0x3] =	sbarrier.arrive $0xFFFF;
	s2 =	simm.s32 @!p0 $0x1C01  }
0x75: {  	[timem:s3], [sflag:s2] =	dma.local @!p0 [hbm:s0], s1  }
0x76: {  	s0 =	simm.s32 @!p0 $0x1  }
0x77: {  	_ =	swait.ge @!p0 [sflag:s0], s1  }
0x78: {  	s1 =	ssub.s32 @!p0 $0x0, s1;
	[sflag:s0] =	ssyncset.done @!p0 $0x0  }
0x79: {  	[sflag:s0] =	ssyncadd.s32 @!p0 s1  }
0x7a: {  	[bflag:$0x3] =	sbarrier.arrive $0xFFFF  }
0x7b: {  	_ =	shalt  }

// kernel: kernel.19.cloned.1.call-start
scs
__scs_entry_jumppad:
0x0: {  	(pc) =	sbr.rel $0x88, $3  }
0x1: {  	(tag) =	ssettag $0x0;
	lr =	simm.s32 $0x1  }
0x2: {  	[smem:$0x3F38] =	sst lr;
	_ =	strace $0xD0000000  }
0x3: {  	_ = 	snop  }
0x4: {  	_ = 	snop  }
0x5: {  	_ = 	snop  }
0x6: {  	_ = 	snop  }
0x7: {  	_ = 	snop  }
__scs_overlays_trampoline_lowered:
0x8: {  	[smem:$0x3F47] =	sst s0  }
0x9: {  	[smem:$0x3F48] =	sst s1  }
0xa: {  	[smem:$0x3F49] =	sst s2  }
0xb: {  	[smem:$0x3F4A] =	sst s3  }
0xc: {  	[smem:$0x3F4B] =	sst s4  }
0xd: {  	[smem:$0x3F4C] =	sst s5  }
0xe: {  	[smem:$0x3F4D] =	sst s6  }
0xf: {  	[smem:$0x3F4E] =	sst s7  }
0x10: {  	[smem:$0x3F4F] =	sst s8  }
0x11: {  	[smem:$0x3F50] =	sst s9;
	s0 =	simm.s32 @!p0 $0x0  }
0x12: {  	s1 =	sld [smem:$0x3F36];
	s0 =	simm.s32 @p0 $0x1  }
0x13: {  	[smem:$0x3F51] =	sst s0;
	s0 =	simm.s32 @!p1 $0x0  }
0x14: {  	s2 =	sld [smem:$0x3F35];
	s0 =	simm.s32 @p1 $0x1  }
0x15: {  	[smem:$0x3F52] =	sst s0;
	s0 =	simm.s32 @!p2 $0x0  }
0x16: {  	s3 =	sld [smem:$0x3FDB];
	s0 =	simm.s32 @p2 $0x1  }
0x17: {  	s4 =	simm.s32 $0x1BF5;
	[smem:$0x3F54] =	sst s0  }
0x18: {  	s0 =	sld [smem:$0x3F37];
	_ =	swait.ge [sflag:s4], $0x0  }
0x19: {  	s7 =	sld [smem:$0x3F38]  }
0x1a: {  	s8 =	sadd.s32 $0xFFFFE003, lr  }
0x1b: {  	s9 =	sadd.s32 $0xFFFFFEF7, lr;
	s5 =	simm.s32 $0xFFFFFFFF;
	p2 =	slt.u32 s8, $0xFFFFF086  }
0x1c: {  	p1 =	slt.u32 s9, $0xF7A;
	s5 =	simm.s32 @!p2 $0x0  }
0x1d: {  	s5 =	simm.s32 @p1 $0x1;
	p0 =	seq.s32 s7, s2  }
0x1e: {  	s7 =	smul.u32 @!p0 $0xF7A, s2;
	p2 =	seq.s32 @!p0 s5, $0x0  }
0x1f: {  	s9 =	smul.u32 $0xF7A, s1;
	s8 =	simm.s32 @!p0 $0x1BF5;
	p2 =	por !p2, p0  }
0x20: {  	[sflag:s8] =	ssyncset.s32 @!p0 $0xFFFFF086;
	s6 =	sadd.s32 @!p0 s3, s7;
	s7 =	simm.s32 @!p0 $0x108  }
0x21: {  	s3 =	sadd.s32 s3, s9;
	s6 =	sadd.s32 @!p0 $0x88, s6;
	s7 =	simm.s32 @p2 $0x1082  }
0x22: {  	[simem:s7], [sflag:s8] =	dma.local @!p0 [hbm:s6], $0xF7A  }
0x23: {  	s9 =	sor.u32 $0xD0000000, s2;
	s6 =	simm.s32 $0x108;
	_ =	swait.ge @!p0 [sflag:s8], $0x0  }
0x24: {  	s3 =	sadd.s32 $0x88, s3;
	s6 =	simm.s32 @!p1 $0x1082;
	[sflag:s4] =	ssyncset.s32 $0xFFFFF086  }
0x25: {  	[simem:s6], [sflag:s4] =	dma.local [hbm:s3], $0xF7A  }
0x26: {  	[smem:$0x3F38] =	sst s1;
	(tag) =	ssettag s2;
	_ =	strace s9  }
0x27: {  	s1 =	sld [smem:$0x3F48]  }
0x28: {  	s2 =	sld [smem:$0x3F49]  }
0x29: {  	s4 =	sld [smem:$0x3F4B]  }
0x2a: {  	p0 =	seq.s32 s5, $0x0;
	s5 =	sld [smem:$0x3F4C]  }
0x2b: {  	s6 =	sld [smem:$0x3F4D]  }
0x2c: {  	s7 =	sld [smem:$0x3F4E]  }
0x2d: {  	s3 =	simm.s32 $0x108;
	s8 =	sld [smem:$0x3F4F]  }
0x2e: {  	s3 =	simm.s32 @!p0 $0x1082;
	s9 =	sld [smem:$0x3F50]  }
0x2f: {  	lr =	sadd.s32 s0, s3;
	s0 =	sld [smem:$0x3F47]  }
0x30: {  	s3 =	sld [smem:$0x3F4A]  }
0x31: {  	[smem:$0x3F53] =	sst s10  }
0x32: {  	s10 =	sld [smem:$0x3F51];
	_ =	sdelay $0x3  }
0x33: {  	p0 =	seq.s32 s10, $0x1;
	s10 =	sld [smem:$0x3F53];
	_ =	sdelay $0x3  }
0x34: {  	[smem:$0x3F53] =	sst s10  }
0x35: {  	s10 =	sld [smem:$0x3F52];
	_ =	sdelay $0x3  }
0x36: {  	p1 =	seq.s32 s10, $0x1;
	s10 =	sld [smem:$0x3F53];
	_ =	sdelay $0x3  }
0x37: {  	[smem:$0x3F53] =	sst s10  }
0x38: {  	s10 =	sld [smem:$0x3F54]  }
0x39: {  	_ = 	snop;
	(pc) =	sbr.ind lr, $3  }
0x3a: {  	_ = 	snop  }
0x3b: {  	_ = 	snop  }
0x3c: {  	p2 =	seq.s32 s10, $0x1;
	s10 =	sld [smem:$0x3F53]  }
0x3d: {  	_ =	shalt  }
0x3e: {  	_ =	shalt  }
0x3f: {  	_ =	shalt  }
0x40: {  	_ =	shalt  }
0x41: {  	_ =	shalt  }
0x42: {  	_ =	shalt  }
0x43: {  	_ =	shalt  }
0x44: {  	_ =	shalt  }
0x45: {  	_ =	shalt  }
0x46: {  	_ =	shalt  }
0x47: {  	_ =	shalt  }
0x48: {  	_ =	shalt  }
0x49: {  	_ =	shalt  }
0x4a: {  	_ =	shalt  }
0x4b: {  	_ =	shalt  }
0x4c: {  	_ =	shalt  }
0x4d: {  	_ =	shalt  }
0x4e: {  	_ =	shalt  }
0x4f: {  	_ =	shalt  }
0x50: {  	_ =	shalt  }
0x51: {  	_ =	shalt  }
0x52: {  	_ =	shalt  }
0x53: {  	_ =	shalt  }
0x54: {  	_ =	shalt  }
0x55: {  	_ =	shalt  }
0x56: {  	_ =	shalt  }
0x57: {  	_ =	shalt  }
0x58: {  	_ =	shalt  }
0x59: {  	_ =	shalt  }
0x5a: {  	_ =	shalt  }
0x5b: {  	_ =	shalt  }
0x5c: {  	_ =	shalt  }
0x5d: {  	_ =	shalt  }
0x5e: {  	_ =	shalt  }
0x5f: {  	_ =	shalt  }
0x60: {  	_ =	shalt  }
0x61: {  	_ =	shalt  }
0x62: {  	_ =	shalt  }
0x63: {  	_ =	shalt  }
0x64: {  	_ =	shalt  }
0x65: {  	_ =	shalt  }
0x66: {  	_ =	shalt  }
0x67: {  	_ =	shalt  }
0x68: {  	_ =	shalt  }
0x69: {  	_ =	shalt  }
0x6a: {  	_ =	shalt  }
0x6b: {  	_ =	shalt  }
0x6c: {  	_ =	shalt  }
0x6d: {  	_ =	shalt  }
0x6e: {  	_ =	shalt  }
0x6f: {  	_ =	shalt  }
0x70: {  	_ =	shalt  }
0x71: {  	_ =	shalt  }
0x72: {  	_ =	shalt  }
0x73: {  	_ =	shalt  }
0x74: {  	_ =	shalt  }
0x75: {  	_ =	shalt  }
0x76: {  	_ =	shalt  }
0x77: {  	_ =	shalt  }
0x78: {  	_ =	shalt  }
0x79: {  	_ =	shalt  }
0x7a: {  	_ =	shalt  }
0x7b: {  	_ =	shalt  }
0x7c: {  	_ =	shalt  }
0x7d: {  	_ =	shalt  }
0x7e: {  	_ =	shalt  }
0x7f: {  	_ =	shalt  }
0x80: {  	_ =	shalt  }
0x81: {  	_ =	shalt  }
0x82: {  	_ =	shalt  }
0x83: {  	_ =	shalt  }
0x84: {  	_ =	shalt  }
0x85: {  	_ =	shalt  }
0x86: {  	_ =	shalt  }
0x87: {  	_ =	shalt  }
.Lfunc_end0:
.L_simem_size_0:
called_computation.2_lowered:
.L_overlay_start_0:
0x88: {  	s2 =	sld [smem:$0x3FD9]  }
0x89: {  	s3 =	sld [smem:$0x3FFE];
	_ =	sdelay $0x1  }
0x8a: {  	s1 =	srdreg.scid  }
0x8b: {  	s0 =	sand.u32 $0x1, s1  }
0x8c: {  	s16 =	sshll.u32 s0, $0xA;
	s2 =	sadd.s32 s3, s2  }
0x8d: {  	s2 =	sadd.s32 s2, s16  }
0x8e: {  	[smem:$0x3F5F] =	sst s2  }
0x8f: {  	_ = 	snop  }
0x90: {  	(tm) =	ssettm $0x1  }
0x91: {  	s17 =	sld [smem:$0x3FFB];
	_ =	sdelay $0x3  }
0x92: {  	_ =	strace s17  }
0x93: {  	s2 =	sld [smem:$0x3FFC];
	_ =	sdelay $0x3  }
0x94: {  	_ =	strace s2  }
0x95: {  	s2 =	sld [smem:$0x3FFD];
	_ =	sdelay $0x3  }
0x96: {  	_ =	strace s2  }
0x97: {  	_ =	strace $0x8FFFFFFF  }
0x98: {  	s18 =	sld [smem:$0x3FDB];
	_ =	sdelay $0x1  }
0x99: {  	s19 =	simm.s32 $_scs_section_size  }
0x9a: {  	s4 =	simm.s32 $_size__tile_overlayer_lowered;
	s5 =	simm.s32 $_tile_overlayer_lowered  }
0x9b: {  	s22 =	simm.s32 $0x1BFF;
	s21 =	sshll.u32 s5, $0x1;
	s2 =	sadd.s32 s19, s18  }
0x9c: {  	s6 =	simm.s32 $0x0;
	s20 =	sshll.u32 s4, $0x1;
	s4 =	sadd.s32 s21, s2  }
0x9d: {  	[timem:s6], [sflag:s22] =	dma.local [hbm:s4], s20  }
0x9e: {  	_ =	swait.ge [sflag:s22], s20  }
0x9f: {  	s3 =	ssub.s32 $0x0, s20;
	[sflag:s22] =	ssyncset.done $0x0  }
0xa0: {  	[sflag:s22] =	ssyncadd.s32 s3;
	_ =	sdelay $0x1  }
0xa1: {  	s23 =	simm.s32 $0x1B8B  }
0xa2: {  	_ =	swait.ge [sflag:s23], $0x1  }
0xa3: {  	[sflag:s23] =	ssyncset.done $0x0  }
0xa4: {  	s25 =	simm.s32 $0x1B8E;
	s24 =	sld [smem:$0x3FFE];
	[sflag:s23] =	ssyncadd.s32 $0xFFFFFFFF  }
0xa5: {  	s26 =	simm.s32 $execute0_lowered;
	[smem:$0x3FD2] =	sst s25  }
0xa6: {  	s4 =	sshll.u32 s26, $0x1;
	_ =	strace $0x8000004C;
	[dreg:$0x1] =	wrdreg $0xFFFFFFFF  }
0xa7: {  	s28 =	simm.s32 $_size_execute0_lowered;
	s2 =	sadd.s32 s2, s4;
	[dreg:$0x0] =	wrdreg $0x0  }
0xa8: {  	s4 =	sshll.u32 s28, $0x1;
	[dreg:$0x2] =	wrdreg s2  }
0xa9: {  	[dreg:$0x3] =	wrdreg s4  }
0xaa: {  	[dreg:$0x4] =	wrdreg $0xC0  }
0xab: {  	_ =	task [dreg:s6], $0x5FFFF  }
0xac: {  	[dreg:$0x1] =	wrdreg $0xFFFFFFFF  }
0xad: {  	[dreg:$0x0] =	wrdreg $0x60  }
0xae: {  	[dreg:$0x2] =	wrdreg s24  }
0xaf: {  	[dreg:$0x3] =	wrdreg $0x9  }
0xb0: {  	_ =	task.clear_ibuf [dreg:s6], $0x4FFFF;
	_ =	strace $0x9000004C  }
0xb1: {  	s29 =	simm.s32 $0x9;
	_ =	strace $0x8000004E  }
0xb2: {  	_ =	swait.ge [sflag:s29], $0x1  }
0xb3: {  	[sflag:s29] =	ssyncadd.s32 $0xFFFFFFFF  }
0xb4: {  	_ =	strace $0x9000004E  }
0xb5: {  	_ =	sfence  }
0xb6: {  	s30 =	sld [smem:$0x0];
	_ =	sdelay $0x2  }
0xb7: {  	s31 =	sshll.u32 s1, $0xD;
	s1 =	sshrl.u32 s1, $0x2  }
0xb8: {  	s3 =	sand.u32 $0x4000, s31;
	s1 =	sadd.s32 s1, s30  }
0xb9: {  	s0 =	sor.u32 s3, s0;
	s1 =	sshll.u32 s1, $0x11  }
0xba: {  	s0 =	sor.u32 s1, s0  }
0xbb: {  	s0 =	sadd.s32 $0x8F2B, s0  }
0xbc: {  	[sflag:s0] =	ssyncadd.remote.s32 $0x1  }
0xbd: {  	_ =	sfence.sel $0xFFFF  }
0xbe: {  	[dreg:$0x0] =	wrdreg $0xFFFFFFFF;
	(pc) =	sbr.abs _section_cstart, $3  }
0xbf: {  	[dreg:$0x1] =	wrdreg $0xFFFFFFFF  }
0xc0: {  	_ =	task.clear_ibuf [dreg:s6], $0x2FFFF;
	_ =	strace $0x9FFFFFFF  }
0xc1: {  	(tm) =	ssettm $0x7FFFFFFF  }
tec
execute0_lowered:
.L_overlay_start_1:
0x0: {  	(tag) =	ssettag $0x1  }
0x1: {  	s4 =	rddreg [dreg:$0x0]  }
0x2: {  	s0 =	rddreg [dreg:$0x1];
	s3 =	srdreg.scid  }
0x3: {  	s1 =	stileid.u32;
	s2 =	simm.s32 $0x0;
	s10 =	simm.s32 $0x80  }
0x4: {  	s11 =	simm.s32 $0x2100;
	s12 =	simm.s32 $0x1;
	s13 =	simm.s32 $0x2  }
0x5: {  	s14 =	simm.s32 $0x6100;
	s15 =	simm.s32 $0x5;
	s16 =	simm.s32 $0x3  }
0x6: {  	s17 =	simm.s32 $0xA100;
	s18 =	simm.s32 $0x4;
	s19 =	simm.s32 $0xE100  }
0x7: {  	s20 =	simm.s32 $0x6;
	s21 =	simm.s32 $0x7;
	s22 =	simm.s32 $0x0  }
0x8: {  	s5 =	sand.u32 $0x1, s3;
	s30 =	sshll.u32 s1, $0x1;
	[smem:$0x7FF] =	sst s2  }
0x9: {  	s3 =	sadd.s32 $0x5C600, s4;
	s8 =	sshll.u32 s1, $0x12;
	s6 =	sor.u32 s5, s30  }
0xa: {  	_ =	strace $0x8000004D;
	s9 =	ssub.s32 $0x2, s5;
	s8 =	sadd.s32 s8, s4  }
.Ltmp0:
0xb: {  	s5 =	sshll.u32 s5, $0x11;
	s7 =	sshll.u32 s6, $0xA;
	(pc) =	sbr.rel .LBB2_1-.Ltmp0, $4  }
0xc: {  	s6 =	sshll.u32 s6, $0x1;
	s31 =	sshrl.u32 s9, $0x1;
	s8 =	sadd.s32 s5, s8  }
0xd: {  	s7 =	sadd.s32 s7, s4;
	s6 =	sadd.s32 s6, s4;
	s9 =	ssub.s32 s9, s31  }
0xe: {  	s4 =	sadd.s32 $0x5B400, s6;
	s5 =	sadd.s32 $0x53400, s7;
	s6 =	smax.u32 s9, $0x1  }
0xf: {  	s7 =	sadd.s32 $0x70000, s8;
	s8 =	simm.s32 $0x2000;
	s9 =	simm.s32 $0x9  }
.LBB2_18:
0x10: {  	s22 =	sadd.s32 $0x1, s22  }
0x11: {  	p0 =	sne.s32 s22, s6  }
.Ltmp1:
0x12: {  	_ = 	snop;
	(pc) =	sbr.rel @!p0 .LBB2_19-.Ltmp1, $1  }
0x13: {  	_ =	sdelay $0x3  }
.LBB2_1:
0x14: {  	[tilespmem:s8], [sflag:$0x9] =	stream.linear.gather [hbm4b:s4+s2], $0x10, $0x38;
	[tilespmem:$0x12100] =	vst v63  }
0x15: {  	_ =	swait.ge [sflag:s9], $0x10  }
0x16: {  	[sflag:s9] =	ssyncset.done $0x0  }
0x17: {  	[sflag:s9] =	ssyncadd.s32 $0xFFFFFFF0  }
0x18: {  	v0 =	vld [tilespmem:$0x2000];
	_ =	sdelay $0x4  }
.Ltmp2:
0x19: {  	[tilespmem:$0x2080] =	vst v0;
	(pc) =	sbr.rel .LBB2_2-.Ltmp2, $4  }
0x1a: {  	[tilespmem:s2], [sflag:$0x9] =	stream.linear.gather [hbm4b:s5+s2], $0x2000, $0x38;
	[tilespmem:$0x12100] =	vst v63  }
0x1b: {  	_ =	swait.ge [sflag:s9], $0x2000  }
0x1c: {  	s23 =	simm.s32 $0x2080;
	[sflag:s9] =	ssyncset.done $0x0  }
0x1d: {  	s24 =	smov.u32 s7;
	s25 =	simm.s32 $0x0;
	[sflag:s9] =	ssyncadd.s32 $0xFFFFE000  }
.LBB2_6:
0x1e: {  	_ =	swait.ge [sflag:s15], $0x4000  }
0x1f: {  	[sflag:s15] =	ssyncset.done $0x0  }
0x20: {  	s28 =	simm.s32 $0x6;
	[sflag:s15] =	ssyncadd.s32 $0xFFFFC000  }
.LBB2_16:
0x21: {  	_ =	swait.ge [sflag:s28], $0x4000  }
0x22: {  	[sflag:s28] =	ssyncset.done $0x0  }
0x23: {  	[sflag:s28] =	ssyncadd.s32 $0xFFFFC000  }
.LBB2_17:
0x24: {  	s25 =	sadd.s32 $0x800, s25  }
0x25: {  	p0 =	sne.s32 s25, $0x8000  }
.Ltmp3:
0x26: {  	_ = 	snop;
	(pc) =	sbr.rel @!p0 .LBB2_18-.Ltmp3, $2  }
0x27: {  	_ =	sdelay $0x2  }
0x28: {  	s24 =	sadd.s32 $0x2000, s24;
	s23 =	sadd.s32 $0x1, s23  }
.LBB2_2:
0x29: {  	v0 =	vld [tilespmem:s23+$0x0];
	_ =	sdelay $0x4  }
0x2a: {  	(v2sf) =	vpush v0, $0x0;
	_ =	sdelay $0xe  }
0x2b: {  	s26 =	spop (v2sf)  }
0x2c: {  	p0 =	slt.s32 s26, $0x1  }
.Ltmp4:
0x2d: {  	_ = 	snop;
	(pc) =	sbr.rel @p0 .LBB2_17-.Ltmp4, $1  }
0x2e: {  	_ =	sdelay $0x3  }
0x2f: {  	s28 =	sshra.s32 s25, $0x2;
	p0 =	slt.u32 s26, $0x81  }
0x30: {  	[tilespmem:s11], [sflag:$0x1] =	stream.indirect.gather [hbm4b:s3+s10], $0x80, s28, s10, $0xb8;
	[tilespmem:$0x12100] =	vst v63  }
0x31: {  	s28 =	sshra.s32 @!p0 s25, $0x2;
	s29 =	simm.s32 @!p0 $0x80;
	p1 =	slt.u32 @!p0 s26, $0x101  }
0x32: {  	s30 =	simm.s32 @!p0 $0x6100;
	s28 =	sadd.s32 @!p0 $0x80, s28;
	p4 =	por p1, p0  }
0x33: {  	[tilespmem:s30], [sflag:$0x2] =	stream.indirect.gather @!p0 [hbm4b:s3+s29], $0x80, s28, s29, $0xb8;
	[tilespmem:$0x12100] =	vst v63  }
0x34: {  	s28 =	sshra.s32 @!p4 s25, $0x2;
	s29 =	simm.s32 @!p4 $0x80;
	p5 =	slt.u32 @!p4 s26, $0x181  }
0x35: {  	s30 =	simm.s32 @!p4 $0xA100;
	s28 =	sadd.s32 @!p4 $0x100, s28;
	p2 =	por @!p0 p5, p1  }
0x36: {  	[tilespmem:s30], [sflag:$0x3] =	stream.indirect.gather @!p4 [hbm4b:s3+s29], $0x80, s28, s29, $0xb8;
	[tilespmem:$0x12100] =	vst v63  }
0x37: {  	p3 =	por @!p4 $0x0, $0x0;
	p5 =	por @!p0 !p5, p1;
	p6 =	por p2, p0  }
0x38: {  	p1 =	por !p1, p0;
	p2 =	por @!p0 $0x0, $0x0;
	s28 =	sshra.s32 @!p6 s25, $0x2  }
0x39: {  	s29 =	simm.s32 @!p6 $0x80;
	s30 =	simm.s32 @!p6 $0xE100;
	s28 =	sadd.s32 @!p6 $0x180, s28  }
0x3a: {  	[tilespmem:s30], [sflag:$0x4] =	stream.indirect.gather @!p6 [hbm4b:s3+s29], $0x80, s28, s29, $0xb8;
	[tilespmem:$0x12100] =	vst v63  }
0x3b: {  	p4 =	por @!p4 $0x1, $0x1;
	p5 =	por !p5, p0;
	p6 =	por @!p6 $0x1, $0x1  }
.Ltmp5:
0x3c: {  	_ =	swait.ge [sflag:s12], $0x4000;
	p4 =	por @!p5 p6, p6;
	(pc) =	sbr.rel @p0 .LBB2_7-.Ltmp5, $4  }
0x3d: {  	p3 =	por @!p5 p6, p6;
	[sflag:s12] =	ssyncset.done $0x0;
	p4 =	por @!p1 p2, p2  }
0x3e: {  	p3 =	por @!p1 p2, p2;
	p2 =	por $0x0, $0x0;
	p1 =	por $0x0, $0x0  }
0x3f: {  	[sflag:s12] =	ssyncadd.s32 $0xFFFFC000;
	p2 =	por @!p0 p4, p4;
	p1 =	por @!p0 p3, p3  }
0x40: {  	[hbm4b:s24+s2] =	stream.linear.scatter [tilespmem:s11], [sflag:$0x5], $0x4000, $0x38;
	[tilespmem:$0x12100] =	vst v63  }
.Ltmp6:
0x41: {  	(pc) =	sbr.rel @p2 .LBB2_8-.Ltmp6, $4  }
0x42: {  	_ =	swait.ge [sflag:s13], $0x4000  }
0x43: {  	[sflag:s13] =	ssyncset.done $0x0  }
0x44: {  	s28 =	sadd.s32 $0x800, s24;
	[sflag:s13] =	ssyncadd.s32 $0xFFFFC000  }
0x45: {  	[hbm4b:s28+s2] =	stream.linear.scatter [tilespmem:s14], [sflag:$0x6], $0x4000, $0x38;
	[tilespmem:$0x12100] =	vst v63  }
.Ltmp7:
0x46: {  	(pc) =	sbr.rel @p1 .LBB2_10-.Ltmp7, $4  }
.Ltmp8:
0x47: {  	(pc) =	sbr.rel @!p1 .LBB2_6-.Ltmp8, $4  }
0x48: {  	_ = 	snop  }
0x49: {  	_ = 	snop  }
0x4a: {  	p2 =	por $0x0, $0x0  }
0x4b: {  	_ = 	snop  }
.LBB2_7:
.Ltmp9:
0x4c: {  	(pc) =	sbr.rel @!p2 .LBB2_9-.Ltmp9, $1  }
0x4d: {  	_ =	sdelay $0x3  }
.LBB2_8:
.Ltmp10:
0x4e: {  	(pc) =	sbr.rel @p1 .LBB2_10-.Ltmp10, $4  }
.Ltmp11:
0x4f: {  	_ =	swait.ge [sflag:s16], $0x4000;
	(pc) =	sbr.rel @!p1 .LBB2_11-.Ltmp11, $4  }
0x50: {  	s28 =	sadd.s32 $0x1000, s24;
	[sflag:s16] =	ssyncset.done $0x0  }
0x51: {  	p0 =	por $0x0, $0x0;
	p2 =	por $0x1, $0x1;
	[sflag:s16] =	ssyncadd.s32 $0xFFFFC000  }
0x52: {  	[hbm4b:s28+s2] =	stream.linear.scatter [tilespmem:s17], [sflag:$0x7], $0x4000, $0x38;
	[tilespmem:$0x12100] =	vst v63  }
0x53: {  	_ = 	snop  }
.LBB2_9:
.Ltmp12:
0x54: {  	(pc) =	sbr.rel @!p1 .LBB2_16-.Ltmp12, $2  }
0x55: {  	_ =	sdelay $0x2  }
0x56: {  	s28 =	simm.s32 $0x5;
	p2 =	por $0x0, $0x0  }
.LBB2_10:
0x57: {  	_ =	swait.ge [sflag:s18], $0x4000  }
0x58: {  	[sflag:s18] =	ssyncset.done $0x0  }
0x59: {  	s28 =	sadd.s32 $0x1800, s24;
	p0 =	por $0x1, $0x1;
	[sflag:s18] =	ssyncadd.s32 $0xFFFFC000  }
0x5a: {  	[hbm4b:s28+s2] =	stream.linear.scatter [tilespmem:s19], [sflag:$0x8], $0x4000, $0x38;
	[tilespmem:$0x12100] =	vst v63  }
.LBB2_11:
0x5b: {  	p1 =	sgt.u32 s26, $0x80  }
.Ltmp13:
0x5c: {  	_ = 	snop;
	(pc) =	sbr.rel @!p1 .LBB2_14-.Ltmp13, $4  }
0x5d: {  	_ = 	snop  }
0x5e: {  	_ =	swait.ge [sflag:s15], $0x4000  }
0x5f: {  	[sflag:s15] =	ssyncset.done $0x0  }
0x60: {  	[sflag:s15] =	ssyncadd.s32 $0xFFFFC000  }
.Ltmp14:
0x61: {  	(pc) =	sbr.rel @p2 .LBB2_15-.Ltmp14, $4  }
0x62: {  	_ = 	snop  }
0x63: {  	_ =	swait.ge [sflag:s20], $0x4000  }
0x64: {  	[sflag:s20] =	ssyncset.done $0x0  }
0x65: {  	[sflag:s20] =	ssyncadd.s32 $0xFFFFC000  }
.LBB2_13:
.Ltmp15:
0x66: {  	(pc) =	sbr.rel @!p0 .LBB2_17-.Ltmp15, $4  }
.Ltmp16:
0x67: {  	(pc) =	sbr.rel @p0 .LBB2_16-.Ltmp16, $4  }
0x68: {  	_ = 	snop  }
0x69: {  	_ = 	snop  }
0x6a: {  	s28 =	simm.s32 $0x8  }
0x6b: {  	_ = 	snop  }
.LBB2_14:
.Ltmp17:
0x6c: {  	(pc) =	sbr.rel @!p2 .LBB2_13-.Ltmp17, $1  }
0x6d: {  	_ =	sdelay $0x3  }
.LBB2_15:
.Ltmp18:
0x6e: {  	(pc) =	sbr.rel @!p0 .LBB2_17-.Ltmp18, $4  }
.Ltmp19:
0x6f: {  	(pc) =	sbr.rel @p0 .LBB2_16-.Ltmp19, $4  }
0x70: {  	_ =	swait.ge [sflag:s21], $0x4000  }
0x71: {  	[sflag:s21] =	ssyncset.done $0x0  }
0x72: {  	s28 =	simm.s32 $0x8;
	[sflag:s21] =	ssyncadd.s32 $0xFFFFC000  }
0x73: {  	_ = 	snop  }
.LBB2_19:
0x74: {  	_ =	sfence.sel $0x180000  }
0x75: {  	[bflag:$0x0] =	sbarrier.arrive $0xFFFF  }
0x76: {  	p0 =	sne.s32 s1, $0x0;
	_ =	strace $0x9000004D  }
0x77: {  	s0 =	sadd.s32 @!p0 $0x100000, s0;
	[bflag:$0x2] =	sbarrier.arrive $0xFFFF  }
0x78: {  	[sflag:s0] =	ssyncadd.tile.s32 @!p0 $0x1;
	_ =	shalt  }
.Lfunc_end2:
_tile_overlayer_lowered:
.L_overlay_start_2:
0x79: {  	(tag) =	ssettag $0x2  }
0x7a: {  	s0 =	rddreg [dreg:$0x0];
	s2 =	stileid.u32  }
0x7b: {  	s1 =	rddreg [dreg:$0x1];
	p0 =	sne.s32 s2, $0x0  }
0x7c: {  	s3 =	rddreg [dreg:$0x2];
	[bflag:$0x3] =	sbarrier.arrive $0xFFFF;
	s2 =	simm.s32 @!p0 $0x1C09  }
0x7d: {  	[timem:s3], [sflag:s2] =	dma.local @!p0 [hbm:s0], s1  }
0x7e: {  	s0 =	simm.s32 @!p0 $0x9  }
0x7f: {  	_ =	swait.ge @!p0 [sflag:s0], s1  }
0x80: {  	s1 =	ssub.s32 @!p0 $0x0, s1;
	[sflag:s0] =	ssyncset.done @!p0 $0x0  }
0x81: {  	[sflag:s0] =	ssyncadd.s32 @!p0 s1  }
0x82: {  	[bflag:$0x3] =	sbarrier.arrive $0xFFFF  }
0x83: {  	_ =	shalt  }

// kernel: kernel.22.cloned.1.call-start
scs
__scs_entry_jumppad:
0x0: {  	(pc) =	sbr.rel $0x88, $3  }
0x1: {  	(tag) =	ssettag $0x0;
	lr =	simm.s32 $0x1  }
0x2: {  	[smem:$0x3F38] =	sst lr;
	_ =	strace $0xD0000000  }
0x3: {  	_ = 	snop  }
0x4: {  	_ = 	snop  }
0x5: {  	_ = 	snop  }
0x6: {  	_ = 	snop  }
0x7: {  	_ = 	snop  }
__scs_overlays_trampoline_lowered:
0x8: {  	[smem:$0x3F47] =	sst s0  }
0x9: {  	[smem:$0x3F48] =	sst s1  }
0xa: {  	[smem:$0x3F49] =	sst s2  }
0xb: {  	[smem:$0x3F4A] =	sst s3  }
0xc: {  	[smem:$0x3F4B] =	sst s4  }
0xd: {  	[smem:$0x3F4C] =	sst s5  }
0xe: {  	[smem:$0x3F4D] =	sst s6  }
0xf: {  	[smem:$0x3F4E] =	sst s7  }
0x10: {  	[smem:$0x3F4F] =	sst s8  }
0x11: {  	[smem:$0x3F50] =	sst s9;
	s0 =	simm.s32 @!p0 $0x0  }
0x12: {  	s1 =	sld [smem:$0x3F36];
	s0 =	simm.s32 @p0 $0x1  }
0x13: {  	[smem:$0x3F51] =	sst s0;
	s0 =	simm.s32 @!p1 $0x0  }
0x14: {  	s2 =	sld [smem:$0x3F35];
	s0 =	simm.s32 @p1 $0x1  }
0x15: {  	[smem:$0x3F52] =	sst s0;
	s0 =	simm.s32 @!p2 $0x0  }
0x16: {  	s3 =	sld [smem:$0x3FDB];
	s0 =	simm.s32 @p2 $0x1  }
0x17: {  	s4 =	simm.s32 $0x1BF5;
	[smem:$0x3F54] =	sst s0  }
0x18: {  	s0 =	sld [smem:$0x3F37];
	_ =	swait.ge [sflag:s4], $0x0  }
0x19: {  	s7 =	sld [smem:$0x3F38]  }
0x1a: {  	s8 =	sadd.s32 $0xFFFFE003, lr  }
0x1b: {  	s9 =	sadd.s32 $0xFFFFFEF7, lr;
	s5 =	simm.s32 $0xFFFFFFFF;
	p2 =	slt.u32 s8, $0xFFFFF086  }
0x1c: {  	p1 =	slt.u32 s9, $0xF7A;
	s5 =	simm.s32 @!p2 $0x0  }
0x1d: {  	s5 =	simm.s32 @p1 $0x1;
	p0 =	seq.s32 s7, s2  }
0x1e: {  	s7 =	smul.u32 @!p0 $0xF7A, s2;
	p2 =	seq.s32 @!p0 s5, $0x0  }
0x1f: {  	s9 =	smul.u32 $0xF7A, s1;
	s8 =	simm.s32 @!p0 $0x1BF5;
	p2 =	por !p2, p0  }
0x20: {  	[sflag:s8] =	ssyncset.s32 @!p0 $0xFFFFF086;
	s6 =	sadd.s32 @!p0 s3, s7;
	s7 =	simm.s32 @!p0 $0x108  }
0x21: {  	s3 =	sadd.s32 s3, s9;
	s6 =	sadd.s32 @!p0 $0x88, s6;
	s7 =	simm.s32 @p2 $0x1082  }
0x22: {  	[simem:s7], [sflag:s8] =	dma.local @!p0 [hbm:s6], $0xF7A  }
0x23: {  	s9 =	sor.u32 $0xD0000000, s2;
	s6 =	simm.s32 $0x108;
	_ =	swait.ge @!p0 [sflag:s8], $0x0  }
0x24: {  	s3 =	sadd.s32 $0x88, s3;
	s6 =	simm.s32 @!p1 $0x1082;
	[sflag:s4] =	ssyncset.s32 $0xFFFFF086  }
0x25: {  	[simem:s6], [sflag:s4] =	dma.local [hbm:s3], $0xF7A  }
0x26: {  	[smem:$0x3F38] =	sst s1;
	(tag) =	ssettag s2;
	_ =	strace s9  }
0x27: {  	s1 =	sld [smem:$0x3F48]  }
0x28: {  	s2 =	sld [smem:$0x3F49]  }
0x29: {  	s4 =	sld [smem:$0x3F4B]  }
0x2a: {  	p0 =	seq.s32 s5, $0x0;
	s5 =	sld [smem:$0x3F4C]  }
0x2b: {  	s6 =	sld [smem:$0x3F4D]  }
0x2c: {  	s7 =	sld [smem:$0x3F4E]  }
0x2d: {  	s3 =	simm.s32 $0x108;
	s8 =	sld [smem:$0x3F4F]  }
0x2e: {  	s3 =	simm.s32 @!p0 $0x1082;
	s9 =	sld [smem:$0x3F50]  }
0x2f: {  	lr =	sadd.s32 s0, s3;
	s0 =	sld [smem:$0x3F47]  }
0x30: {  	s3 =	sld [smem:$0x3F4A]  }
0x31: {  	[smem:$0x3F53] =	sst s10  }
0x32: {  	s10 =	sld [smem:$0x3F51];
	_ =	sdelay $0x3  }
0x33: {  	p0 =	seq.s32 s10, $0x1;
	s10 =	sld [smem:$0x3F53];
	_ =	sdelay $0x3  }
0x34: {  	[smem:$0x3F53] =	sst s10  }
0x35: {  	s10 =	sld [smem:$0x3F52];
	_ =	sdelay $0x3  }
0x36: {  	p1 =	seq.s32 s10, $0x1;
	s10 =	sld [smem:$0x3F53];
	_ =	sdelay $0x3  }
0x37: {  	[smem:$0x3F53] =	sst s10  }
0x38: {  	s10 =	sld [smem:$0x3F54]  }
0x39: {  	_ = 	snop;
	(pc) =	sbr.ind lr, $3  }
0x3a: {  	_ = 	snop  }
0x3b: {  	_ = 	snop  }
0x3c: {  	p2 =	seq.s32 s10, $0x1;
	s10 =	sld [smem:$0x3F53]  }
0x3d: {  	_ =	shalt  }
0x3e: {  	_ =	shalt  }
0x3f: {  	_ =	shalt  }
0x40: {  	_ =	shalt  }
0x41: {  	_ =	shalt  }
0x42: {  	_ =	shalt  }
0x43: {  	_ =	shalt  }
0x44: {  	_ =	shalt  }
0x45: {  	_ =	shalt  }
0x46: {  	_ =	shalt  }
0x47: {  	_ =	shalt  }
0x48: {  	_ =	shalt  }
0x49: {  	_ =	shalt  }
0x4a: {  	_ =	shalt  }
0x4b: {  	_ =	shalt  }
0x4c: {  	_ =	shalt  }
0x4d: {  	_ =	shalt  }
0x4e: {  	_ =	shalt  }
0x4f: {  	_ =	shalt  }
0x50: {  	_ =	shalt  }
0x51: {  	_ =	shalt  }
0x52: {  	_ =	shalt  }
0x53: {  	_ =	shalt  }
0x54: {  	_ =	shalt  }
0x55: {  	_ =	shalt  }
0x56: {  	_ =	shalt  }
0x57: {  	_ =	shalt  }
0x58: {  	_ =	shalt  }
0x59: {  	_ =	shalt  }
0x5a: {  	_ =	shalt  }
0x5b: {  	_ =	shalt  }
0x5c: {  	_ =	shalt  }
0x5d: {  	_ =	shalt  }
0x5e: {  	_ =	shalt  }
0x5f: {  	_ =	shalt  }
0x60: {  	_ =	shalt  }
0x61: {  	_ =	shalt  }
0x62: {  	_ =	shalt  }
0x63: {  	_ =	shalt  }
0x64: {  	_ =	shalt  }
0x65: {  	_ =	shalt  }
0x66: {  	_ =	shalt  }
0x67: {  	_ =	shalt  }
0x68: {  	_ =	shalt  }
0x69: {  	_ =	shalt  }
0x6a: {  	_ =	shalt  }
0x6b: {  	_ =	shalt  }
0x6c: {  	_ =	shalt  }
0x6d: {  	_ =	shalt  }
0x6e: {  	_ =	shalt  }
0x6f: {  	_ =	shalt  }
0x70: {  	_ =	shalt  }
0x71: {  	_ =	shalt  }
0x72: {  	_ =	shalt  }
0x73: {  	_ =	shalt  }
0x74: {  	_ =	shalt  }
0x75: {  	_ =	shalt  }
0x76: {  	_ =	shalt  }
0x77: {  	_ =	shalt  }
0x78: {  	_ =	shalt  }
0x79: {  	_ =	shalt  }
0x7a: {  	_ =	shalt  }
0x7b: {  	_ =	shalt  }
0x7c: {  	_ =	shalt  }
0x7d: {  	_ =	shalt  }
0x7e: {  	_ =	shalt  }
0x7f: {  	_ =	shalt  }
0x80: {  	_ =	shalt  }
0x81: {  	_ =	shalt  }
0x82: {  	_ =	shalt  }
0x83: {  	_ =	shalt  }
0x84: {  	_ =	shalt  }
0x85: {  	_ =	shalt  }
0x86: {  	_ =	shalt  }
0x87: {  	_ =	shalt  }
.Lfunc_end0:
.L_simem_size_0:
called_computation.3_lowered:
.L_overlay_start_0:
0x88: {  	s2 =	sld [smem:$0x3FD9]  }
0x89: {  	s3 =	sld [smem:$0x3FFE];
	_ =	sdelay $0x1  }
0x8a: {  	s1 =	srdreg.scid  }
0x8b: {  	s0 =	sand.u32 $0x1, s1  }
0x8c: {  	s17 =	sshll.u32 s0, $0xA;
	s2 =	sadd.s32 s3, s2  }
0x8d: {  	s2 =	sadd.s32 s2, s17  }
0x8e: {  	[smem:$0x3F5F] =	sst s2  }
0x8f: {  	_ = 	snop  }
0x90: {  	(tm) =	ssettm $0x1  }
0x91: {  	s18 =	sld [smem:$0x3FFB];
	_ =	sdelay $0x3  }
0x92: {  	_ =	strace s18  }
0x93: {  	s2 =	sld [smem:$0x3FFC];
	_ =	sdelay $0x3  }
0x94: {  	_ =	strace s2  }
0x95: {  	s2 =	sld [smem:$0x3FFD];
	_ =	sdelay $0x3  }
0x96: {  	_ =	strace s2  }
0x97: {  	_ =	strace $0x8FFFFFFF  }
0x98: {  	s19 =	sld [smem:$0x3FDB];
	_ =	sdelay $0x1  }
0x99: {  	s20 =	simm.s32 $_scs_section_size  }
0x9a: {  	s4 =	simm.s32 $_size__tile_overlayer_lowered;
	s5 =	simm.s32 $_tile_overlayer_lowered  }
0x9b: {  	s6 =	simm.s32 $0x1BFF;
	s21 =	sshll.u32 s5, $0x1;
	s3 =	sadd.s32 s20, s19  }
0x9c: {  	s22 =	simm.s32 $0x0;
	s4 =	sshll.u32 s4, $0x1;
	s5 =	sadd.s32 s21, s3  }
0x9d: {  	[timem:s22], [sflag:s6] =	dma.local [hbm:s5], s4  }
0x9e: {  	_ =	swait.ge [sflag:s6], s4  }
0x9f: {  	s4 =	ssub.s32 $0x0, s4;
	[sflag:s6] =	ssyncset.done $0x0  }
0xa0: {  	[sflag:s6] =	ssyncadd.s32 s4;
	_ =	sdelay $0x1  }
0xa1: {  	s23 =	simm.s32 $0x1B8B  }
0xa2: {  	_ =	swait.ge [sflag:s23], $0x1  }
0xa3: {  	[sflag:s23] =	ssyncset.done $0x0  }
0xa4: {  	[sflag:s23] =	ssyncadd.s32 $0xFFFFFFFF  }
0xa5: {  	s4 =	sld [smem:$0x0]  }
0xa6: {  	s5 =	sand.u32 $0xFFFFFFFE, s1  }
0xa7: {  	p0 =	sne.s32 s1, s5  }
0xa8: {  	s5 =	sshll.u32 @p0 s5, $0xE  }
0xa9: {  	s5 =	sadd.s32 @p0 $0x11B8D, s5;
	s6 =	sshll.u32 @p0 s4, $0x11  }
0xaa: {  	s5 =	sor.u32 @p0 s6, s5  }
0xab: {  	[sflag:s5] =	ssyncadd.remote.s32 @p0 $0x1;
	_ =	sdelay $0x1  }
0xac: {  	s5 =	simm.s32 @p0 $0x1B8D  }
0xad: {  	_ =	swait.eq @p0 [sflag:s5], $0x1  }
0xae: {  	[sflag:s5] =	ssyncadd.s32 @p0 $0xFFFFFFFF  }
0xaf: {  	s6 =	sshll.u32 @!p0 s1, $0xE  }
0xb0: {  	s6 =	sor.u32 @!p0 $0x4000, s6;
	s5 =	simm.s32 @!p0 $0x1B8D  }
0xb1: {  	s4 =	sshll.u32 @!p0 s4, $0x11;
	s6 =	sadd.s32 @!p0 $0x11B8D, s6;
	_ =	swait.eq @!p0 [sflag:s5], $0x1  }
0xb2: {  	s4 =	sor.u32 @!p0 s4, s6;
	[sflag:s5] =	ssyncadd.s32 @!p0 $0xFFFFFFFF  }
0xb3: {  	s25 =	simm.s32 $0x1B8E;
	s24 =	sld [smem:$0x3FFE];
	[sflag:s4] =	ssyncadd.remote.s32 @!p0 $0x1  }
0xb4: {  	s26 =	simm.s32 $execute0_lowered;
	[smem:$0x3FD2] =	sst s25  }
0xb5: {  	s5 =	sshll.u32 s26, $0x1;
	_ =	strace $0x8000004F;
	[dreg:$0x1] =	wrdreg $0xFFFFFFFF  }
0xb6: {  	s28 =	simm.s32 $_size_execute0_lowered;
	s3 =	sadd.s32 s3, s5;
	[dreg:$0x0] =	wrdreg $0x0  }
0xb7: {  	s5 =	sshll.u32 s28, $0x1;
	[dreg:$0x2] =	wrdreg s3  }
0xb8: {  	[dreg:$0x3] =	wrdreg s5  }
0xb9: {  	[dreg:$0x4] =	wrdreg $0xC0  }
0xba: {  	_ =	task [dreg:s22], $0x5FFFF  }
0xbb: {  	[dreg:$0x1] =	wrdreg $0xFFFFFFFF  }
0xbc: {  	[dreg:$0x0] =	wrdreg $0x60  }
0xbd: {  	[dreg:$0x2] =	wrdreg s24  }
0xbe: {  	[dreg:$0x3] =	wrdreg $0xA  }
0xbf: {  	_ =	task.clear_ibuf [dreg:s22], $0x4FFFF;
	_ =	strace $0x9000004F  }
0xc0: {  	s29 =	simm.s32 $0xA;
	_ =	strace $0x80000051  }
0xc1: {  	_ =	swait.ge [sflag:s29], $0x1  }
0xc2: {  	[sflag:s29] =	ssyncadd.s32 $0xFFFFFFFF  }
0xc3: {  	_ =	strace $0x90000051  }
0xc4: {  	_ =	sfence  }
0xc5: {  	s30 =	sld [smem:$0x0];
	_ =	sdelay $0x2  }
0xc6: {  	s31 =	sshll.u32 s1, $0xD;
	s1 =	sshrl.u32 s1, $0x2  }
0xc7: {  	s4 =	sand.u32 $0x4000, s31;
	s1 =	sadd.s32 s1, s30  }
0xc8: {  	s0 =	sor.u32 s4, s0;
	s1 =	sshll.u32 s1, $0x11  }
0xc9: {  	s0 =	sor.u32 s1, s0  }
0xca: {  	s0 =	sadd.s32 $0x8F2B, s0  }
0xcb: {  	[sflag:s0] =	ssyncadd.remote.s32 $0x1  }
0xcc: {  	_ =	sfence.sel $0xFFFF  }
0xcd: {  	[dreg:$0x0] =	wrdreg $0xFFFFFFFF;
	(pc) =	sbr.abs _section_cstart, $3  }
0xce: {  	[dreg:$0x1] =	wrdreg $0xFFFFFFFF  }
0xcf: {  	_ =	task.clear_ibuf [dreg:s22], $0x2FFFF;
	_ =	strace $0x9FFFFFFF  }
0xd0: {  	(tm) =	ssettm $0x7FFFFFFF  }
0xd1: {  	_ =	shalt  }
tec
execute0_lowered:
.L_overlay_start_1:
0x0: {  	(tag) =	ssettag $0x1  }
0x1: {  	s4 =	rddreg [dreg:$0x0]  }
0x2: {  	s0 =	rddreg [dreg:$0x1];
	s3 =	srdreg.scid  }
0x3: {  	s1 =	stileid.u32;
	s2 =	simm.s32 $0x0;
	s10 =	simm.s32 $0x80  }
0x4: {  	s11 =	simm.s32 $0x2100;
	s12 =	simm.s32 $0x1;
	s13 =	simm.s32 $0x2  }
0x5: {  	s14 =	simm.s32 $0x6100;
	s15 =	simm.s32 $0x5;
	s16 =	simm.s32 $0x3  }
0x6: {  	s17 =	simm.s32 $0xA100;
	s18 =	simm.s32 $0x4;
	s19 =	simm.s32 $0xE100  }
0x7: {  	s20 =	simm.s32 $0x6;
	s21 =	simm.s32 $0x7;
	s22 =	simm.s32 $0x0  }
0x8: {  	s5 =	sand.u32 $0x1, s3;
	s30 =	sshll.u32 s1, $0x1;
	[smem:$0x7FF] =	sst s2  }
0x9: {  	s3 =	sadd.s32 $0x26600, s4;
	s8 =	sshll.u32 s1, $0x12;
	s6 =	sor.u32 s5, s30  }
0xa: {  	_ =	strace $0x80000050;
	s9 =	ssub.s32 $0x2, s5;
	s8 =	sadd.s32 s8, s4  }
.Ltmp0:
0xb: {  	s5 =	sshll.u32 s5, $0x11;
	s7 =	sshll.u32 s6, $0xA;
	(pc) =	sbr.rel .LBB2_1-.Ltmp0, $4  }
0xc: {  	s6 =	sshll.u32 s6, $0x1;
	s31 =	sshrl.u32 s9, $0x1;
	s8 =	sadd.s32 s5, s8  }
0xd: {  	s7 =	sadd.s32 s7, s4;
	s6 =	sadd.s32 s6, s4;
	s9 =	ssub.s32 s9, s31  }
0xe: {  	s4 =	sadd.s32 $0x5B400, s6;
	s5 =	sadd.s32 $0x53400, s7;
	s6 =	smax.u32 s9, $0x1  }
0xf: {  	s7 =	sadd.s32 $0x470000, s8;
	s8 =	simm.s32 $0x2000;
	s9 =	simm.s32 $0x9  }
.LBB2_18:
0x10: {  	s22 =	sadd.s32 $0x1, s22  }
0x11: {  	p0 =	sne.s32 s22, s6  }
.Ltmp1:
0x12: {  	_ = 	snop;
	(pc) =	sbr.rel @!p0 .LBB2_19-.Ltmp1, $1  }
0x13: {  	_ =	sdelay $0x3  }
.LBB2_1:
0x14: {  	[tilespmem:s8], [sflag:$0x9] =	stream.linear.gather [hbm4b:s4+s2], $0x10, $0x38;
	[tilespmem:$0x12100] =	vst v63  }
0x15: {  	_ =	swait.ge [sflag:s9], $0x10  }
0x16: {  	[sflag:s9] =	ssyncset.done $0x0  }
0x17: {  	[sflag:s9] =	ssyncadd.s32 $0xFFFFFFF0  }
0x18: {  	v0 =	vld [tilespmem:$0x2000];
	_ =	sdelay $0x4  }
.Ltmp2:
0x19: {  	[tilespmem:$0x2080] =	vst v0;
	(pc) =	sbr.rel .LBB2_2-.Ltmp2, $4  }
0x1a: {  	[tilespmem:s2], [sflag:$0x9] =	stream.linear.gather [hbm4b:s5+s2], $0x2000, $0x38;
	[tilespmem:$0x12100] =	vst v63  }
0x1b: {  	_ =	swait.ge [sflag:s9], $0x2000  }
0x1c: {  	s23 =	simm.s32 $0x2080;
	[sflag:s9] =	ssyncset.done $0x0  }
0x1d: {  	s24 =	smov.u32 s7;
	s25 =	simm.s32 $0x0;
	[sflag:s9] =	ssyncadd.s32 $0xFFFFE000  }
.LBB2_6:
0x1e: {  	_ =	swait.ge [sflag:s15], $0x4000  }
0x1f: {  	[sflag:s15] =	ssyncset.done $0x0  }
0x20: {  	s28 =	simm.s32 $0x6;
	[sflag:s15] =	ssyncadd.s32 $0xFFFFC000  }
.LBB2_16:
0x21: {  	_ =	swait.ge [sflag:s28], $0x4000  }
0x22: {  	[sflag:s28] =	ssyncset.done $0x0  }
0x23: {  	[sflag:s28] =	ssyncadd.s32 $0xFFFFC000  }
.LBB2_17:
0x24: {  	s25 =	sadd.s32 $0x800, s25  }
0x25: {  	p0 =	sne.s32 s25, $0x8000  }
.Ltmp3:
0x26: {  	_ = 	snop;
	(pc) =	sbr.rel @!p0 .LBB2_18-.Ltmp3, $2  }
0x27: {  	_ =	sdelay $0x2  }
0x28: {  	s24 =	sadd.s32 $0x2000, s24;
	s23 =	sadd.s32 $0x1, s23  }
.LBB2_2:
0x29: {  	v0 =	vld [tilespmem:s23+$0x0];
	_ =	sdelay $0x4  }
0x2a: {  	(v2sf) =	vpush v0, $0x0;
	_ =	sdelay $0xe  }
0x2b: {  	s26 =	spop (v2sf)  }
0x2c: {  	p0 =	slt.s32 s26, $0x1  }
.Ltmp4:
0x2d: {  	_ = 	snop;
	(pc) =	sbr.rel @p0 .LBB2_17-.Ltmp4, $1  }
0x2e: {  	_ =	sdelay $0x3  }
0x2f: {  	s28 =	sshra.s32 s25, $0x2;
	p0 =	slt.u32 s26, $0x81  }
0x30: {  	[tilespmem:s11], [sflag:$0x1] =	stream.indirect.gather [hbm4b:s3+s10], $0x80, s28, s10, $0xb8;
	[tilespmem:$0x12100] =	vst v63  }
0x31: {  	s28 =	sshra.s32 @!p0 s25, $0x2;
	s29 =	simm.s32 @!p0 $0x80;
	p1 =	slt.u32 @!p0 s26, $0x101  }
0x32: {  	s30 =	simm.s32 @!p0 $0x6100;
	s28 =	sadd.s32 @!p0 $0x80, s28;
	p4 =	por p1, p0  }
0x33: {  	[tilespmem:s30], [sflag:$0x2] =	stream.indirect.gather @!p0 [hbm4b:s3+s29], $0x80, s28, s29, $0xb8;
	[tilespmem:$0x12100] =	vst v63  }
0x34: {  	s28 =	sshra.s32 @!p4 s25, $0x2;
	s29 =	simm.s32 @!p4 $0x80;
	p5 =	slt.u32 @!p4 s26, $0x181  }
0x35: {  	s30 =	simm.s32 @!p4 $0xA100;
	s28 =	sadd.s32 @!p4 $0x100, s28;
	p2 =	por @!p0 p5, p1  }
0x36: {  	[tilespmem:s30], [sflag:$0x3] =	stream.indirect.gather @!p4 [hbm4b:s3+s29], $0x80, s28, s29, $0xb8;
	[tilespmem:$0x12100] =	vst v63  }
0x37: {  	p3 =	por @!p4 $0x0, $0x0;
	p5 =	por @!p0 !p5, p1;
	p6 =	por p2, p0  }
0x38: {  	p1 =	por !p1, p0;
	p2 =	por @!p0 $0x0, $0x0;
	s28 =	sshra.s32 @!p6 s25, $0x2  }
0x39: {  	s29 =	simm.s32 @!p6 $0x80;
	s30 =	simm.s32 @!p6 $0xE100;
	s28 =	sadd.s32 @!p6 $0x180, s28  }
0x3a: {  	[tilespmem:s30], [sflag:$0x4] =	stream.indirect.gather @!p6 [hbm4b:s3+s29], $0x80, s28, s29, $0xb8;
	[tilespmem:$0x12100] =	vst v63  }
0x3b: {  	p4 =	por @!p4 $0x1, $0x1;
	p5 =	por !p5, p0;
	p6 =	por @!p6 $0x1, $0x1  }
.Ltmp5:
0x3c: {  	_ =	swait.ge [sflag:s12], $0x4000;
	p4 =	por @!p5 p6, p6;
	(pc) =	sbr.rel @p0 .LBB2_7-.Ltmp5, $4  }
0x3d: {  	p3 =	por @!p5 p6, p6;
	[sflag:s12] =	ssyncset.done $0x0;
	p4 =	por @!p1 p2, p2  }
0x3e: {  	p3 =	por @!p1 p2, p2;
	p2 =	por $0x0, $0x0;
	p1 =	por $0x0, $0x0  }
0x3f: {  	[sflag:s12] =	ssyncadd.s32 $0xFFFFC000;
	p2 =	por @!p0 p4, p4;
	p1 =	por @!p0 p3, p3  }
0x40: {  	[hbm4b:s24+s2] =	stream.linear.scatter [tilespmem:s11], [sflag:$0x5], $0x4000, $0x38;
	[tilespmem:$0x12100] =	vst v63  }
.Ltmp6:
0x41: {  	(pc) =	sbr.rel @p2 .LBB2_8-.Ltmp6, $4  }
0x42: {  	_ =	swait.ge [sflag:s13], $0x4000  }
0x43: {  	[sflag:s13] =	ssyncset.done $0x0  }
0x44: {  	s28 =	sadd.s32 $0x800, s24;
	[sflag:s13] =	ssyncadd.s32 $0xFFFFC000  }
0x45: {  	[hbm4b:s28+s2] =	stream.linear.scatter [tilespmem:s14], [sflag:$0x6], $0x4000, $0x38;
	[tilespmem:$0x12100] =	vst v63  }
.Ltmp7:
0x46: {  	(pc) =	sbr.rel @p1 .LBB2_10-.Ltmp7, $4  }
.Ltmp8:
0x47: {  	(pc) =	sbr.rel @!p1 .LBB2_6-.Ltmp8, $4  }
0x48: {  	_ = 	snop  }
0x49: {  	_ = 	snop  }
0x4a: {  	p2 =	por $0x0, $0x0  }
0x4b: {  	_ = 	snop  }
.LBB2_7:
.Ltmp9:
0x4c: {  	(pc) =	sbr.rel @!p2 .LBB2_9-.Ltmp9, $1  }
0x4d: {  	_ =	sdelay $0x3  }
.LBB2_8:
.Ltmp10:
0x4e: {  	(pc) =	sbr.rel @p1 .LBB2_10-.Ltmp10, $4  }
.Ltmp11:
0x4f: {  	_ =	swait.ge [sflag:s16], $0x4000;
	(pc) =	sbr.rel @!p1 .LBB2_11-.Ltmp11, $4  }
0x50: {  	s28 =	sadd.s32 $0x1000, s24;
	[sflag:s16] =	ssyncset.done $0x0  }
0x51: {  	p0 =	por $0x0, $0x0;
	p2 =	por $0x1, $0x1;
	[sflag:s16] =	ssyncadd.s32 $0xFFFFC000  }
0x52: {  	[hbm4b:s28+s2] =	stream.linear.scatter [tilespmem:s17], [sflag:$0x7], $0x4000, $0x38;
	[tilespmem:$0x12100] =	vst v63  }
0x53: {  	_ = 	snop  }
.LBB2_9:
.Ltmp12:
0x54: {  	(pc) =	sbr.rel @!p1 .LBB2_16-.Ltmp12, $2  }
0x55: {  	_ =	sdelay $0x2  }
0x56: {  	s28 =	simm.s32 $0x5;
	p2 =	por $0x0, $0x0  }
.LBB2_10:
0x57: {  	_ =	swait.ge [sflag:s18], $0x4000  }
0x58: {  	[sflag:s18] =	ssyncset.done $0x0  }
0x59: {  	s28 =	sadd.s32 $0x1800, s24;
	p0 =	por $0x1, $0x1;
	[sflag:s18] =	ssyncadd.s32 $0xFFFFC000  }
0x5a: {  	[hbm4b:s28+s2] =	stream.linear.scatter [tilespmem:s19], [sflag:$0x8], $0x4000, $0x38;
	[tilespmem:$0x12100] =	vst v63  }
.LBB2_11:
0x5b: {  	p1 =	sgt.u32 s26, $0x80  }
.Ltmp13:
0x5c: {  	_ = 	snop;
	(pc) =	sbr.rel @!p1 .LBB2_14-.Ltmp13, $4  }
0x5d: {  	_ = 	snop  }
0x5e: {  	_ =	swait.ge [sflag:s15], $0x4000  }
0x5f: {  	[sflag:s15] =	ssyncset.done $0x0  }
0x60: {  	[sflag:s15] =	ssyncadd.s32 $0xFFFFC000  }
.Ltmp14:
0x61: {  	(pc) =	sbr.rel @p2 .LBB2_15-.Ltmp14, $4  }
0x62: {  	_ = 	snop  }
0x63: {  	_ =	swait.ge [sflag:s20], $0x4000  }
0x64: {  	[sflag:s20] =	ssyncset.done $0x0  }
0x65: {  	[sflag:s20] =	ssyncadd.s32 $0xFFFFC000  }
.LBB2_13:
.Ltmp15:
0x66: {  	(pc) =	sbr.rel @!p0 .LBB2_17-.Ltmp15, $4  }
.Ltmp16:
0x67: {  	(pc) =	sbr.rel @p0 .LBB2_16-.Ltmp16, $4  }
0x68: {  	_ = 	snop  }
0x69: {  	_ = 	snop  }
0x6a: {  	s28 =	simm.s32 $0x8  }
0x6b: {  	_ = 	snop  }
.LBB2_14:
.Ltmp17:
0x6c: {  	(pc) =	sbr.rel @!p2 .LBB2_13-.Ltmp17, $1  }
0x6d: {  	_ =	sdelay $0x3  }
.LBB2_15:
.Ltmp18:
0x6e: {  	(pc) =	sbr.rel @!p0 .LBB2_17-.Ltmp18, $4  }
.Ltmp19:
0x6f: {  	(pc) =	sbr.rel @p0 .LBB2_16-.Ltmp19, $4  }
0x70: {  	_ =	swait.ge [sflag:s21], $0x4000  }
0x71: {  	[sflag:s21] =	ssyncset.done $0x0  }
0x72: {  	s28 =	simm.s32 $0x8;
	[sflag:s21] =	ssyncadd.s32 $0xFFFFC000  }
0x73: {  	_ = 	snop  }
.LBB2_19:
0x74: {  	_ =	sfence.sel $0x180000  }
0x75: {  	[bflag:$0x0] =	sbarrier.arrive $0xFFFF  }
0x76: {  	p0 =	sne.s32 s1, $0x0;
	_ =	strace $0x90000050  }
0x77: {  	s0 =	sadd.s32 @!p0 $0x100000, s0;
	[bflag:$0x2] =	sbarrier.arrive $0xFFFF  }
0x78: {  	[sflag:s0] =	ssyncadd.tile.s32 @!p0 $0x1;
	_ =	shalt  }
.Lfunc_end2:
_tile_overlayer_lowered:
.L_overlay_start_2:
0x79: {  	(tag) =	ssettag $0x2  }
0x7a: {  	s0 =	rddreg [dreg:$0x0];
	s2 =	stileid.u32  }
0x7b: {  	s1 =	rddreg [dreg:$0x1];
	p0 =	sne.s32 s2, $0x0  }
0x7c: {  	s3 =	rddreg [dreg:$0x2];
	[bflag:$0x3] =	sbarrier.arrive $0xFFFF;
	s2 =	simm.s32 @!p0 $0x1C09  }
0x7d: {  	[timem:s3], [sflag:s2] =	dma.local @!p0 [hbm:s0], s1  }
0x7e: {  	s0 =	simm.s32 @!p0 $0x9  }
0x7f: {  	_ =	swait.ge @!p0 [sflag:s0], s1  }
0x80: {  	s1 =	ssub.s32 @!p0 $0x0, s1;
	[sflag:s0] =	ssyncset.done @!p0 $0x0  }
0x81: {  	[sflag:s0] =	ssyncadd.s32 @!p0 s1  }
0x82: {  	[bflag:$0x3] =	sbarrier.arrive $0xFFFF  }
0x83: {  	_ =	shalt  }

</sc_bundles>
